<compile_context>
chip_gen: v7x
topology: tpu7x:2x2x1
jax: 0.10.2.dev20260603
libtpu: 0.0.44.dev20260713+nightly
codegen_flags: <defaults>
</compile_context>

<pallas_src>
import functools

import jax
import jax.numpy as jnp
from jax import lax
from jax.experimental import pallas as pl
from jax.experimental.pallas import tpu as pltpu
from jax.experimental.pallas import tpu_sc as plsc

B, C, P, Q, K = 4, 5, 8192, 2048, 16
NC, NS, L = 2, 16, 16
NW = NC * NS
WPB = NW // B
QPW = Q // WPB
NCHUNK = P // L
QB = 64
GQ = 8


def _bf16_rne(v):
    u = lax.bitcast_convert_type(v, jnp.uint32)
    r = (u + jnp.uint32(0x7FFF) + ((u >> jnp.uint32(16)) & jnp.uint32(1)))
    r = r & jnp.uint32(0xFFFF0000)
    return lax.bitcast_convert_type(r, jnp.float32)


def _knn_body(x_hbm, q_hbm, out_hbm, xloc, xbloc, xxloc, qloc, qqloc,
              mloc, oloc):
    wid = lax.axis_index("s") * NC + lax.axis_index("c")
    b = wid // WPB
    qs = (wid % WPB) * QPW

    pltpu.sync_copy(x_hbm.at[b], xloc)
    for ch in range(3):
        pltpu.sync_copy(q_hbm.at[b, ch, pl.ds(qs, QPW)],
                        qloc.at[pl.ds(ch * QPW, QPW)])

    def xx_body(c2, _):
        px = xloc[0, pl.ds(c2 * L, L)]
        py = xloc[1, pl.ds(c2 * L, L)]
        pz = xloc[2, pl.ds(c2 * L, L)]
        xxloc[pl.ds(c2 * L, L)] = -(px * px + py * py + pz * pz)
        xbloc[pl.ds(0 * P + c2 * L, L)] = _bf16_rne(px)
        xbloc[pl.ds(1 * P + c2 * L, L)] = _bf16_rne(py)
        xbloc[pl.ds(2 * P + c2 * L, L)] = _bf16_rne(pz)
        return 0

    lax.fori_loop(0, NCHUNK, xx_body, 0)

    def qq_body(g, _):
        qx = qloc[pl.ds(0 * QPW + g * L, L)]
        qy = qloc[pl.ds(1 * QPW + g * L, L)]
        qz = qloc[pl.ds(2 * QPW + g * L, L)]
        qqloc[pl.ds(g * L, L)] = qx * qx + qy * qy + qz * qz
        qloc[pl.ds(0 * QPW + g * L, L)] = 2.0 * _bf16_rne(qx)
        qloc[pl.ds(1 * QPW + g * L, L)] = 2.0 * _bf16_rne(qy)
        qloc[pl.ds(2 * QPW + g * L, L)] = 2.0 * _bf16_rne(qz)
        return 0

    lax.fori_loop(0, QPW // L, qq_body, 0)

    iota = lax.iota(jnp.int32, L)
    mask15 = iota == 15
    zeros_i = jnp.zeros((L,), jnp.int32)
    neg_inf = jnp.full((L,), -jnp.inf, jnp.float32)

    def blk_body(blk, _):
      def grp_body(g, _):
        j0 = blk * QB + g * GQ
        g16 = (j0 // L) * L
        qbase = j0 % L
        qxg = qloc[pl.ds(0 * QPW + g16, L)]
        qyg = qloc[pl.ds(1 * QPW + g16, L)]
        qzg = qloc[pl.ds(2 * QPW + g16, L)]
        qqg = qqloc[pl.ds(g16, L)]
        qxv, qyv, qzv, qqv = [], [], [], []
        for i in range(GQ):
            lane = jnp.full((L,), qbase + i, jnp.int32)
            qxv.append(qxg.at[lane].get(mode="promise_in_bounds"))
            qyv.append(qyg.at[lane].get(mode="promise_in_bounds"))
            qzv.append(qzg.at[lane].get(mode="promise_in_bounds"))
            qqv.append(qqg.at[lane].get(mode="promise_in_bounds"))

        def a_body(c2, _):
            base = c2 * L
            px = xbloc[pl.ds(0 * P + base, L)]
            py = xbloc[pl.ds(1 * P + base, L)]
            pz = xbloc[pl.ds(2 * P + base, L)]
            nxxv = xxloc[pl.ds(base, L)]
            for i in range(GQ):
                s = px * qxv[i] + py * qyv[i] + pz * qzv[i]
                cm = plsc.cummax(nxxv + s)
                plsc.store_compressed(
                    mloc.at[pl.ds(i * NCHUNK + c2, L)], cm, mask=mask15)
            return 0

        lax.fori_loop(0, NCHUNK, a_body, 0)

        for i in range(GQ):
            def b_body(c2, carry):
                bv, bi = carry
                v = mloc[pl.ds(i * NCHUNK + c2 * L, L)]
                ci = c2 * L + iota
                sv, si = plsc.sort_key_val(v, ci, descending=True)
                take = sv > bv
                nv = jnp.where(take, sv, bv)
                ni = jnp.where(take, si, bi)
                return tuple(plsc.sort_key_val(nv, ni))

            mv, mc = lax.fori_loop(0, NCHUNK // L, b_body,
                                   (neg_inf, zeros_i))

            def c_body(ii, carry):
                bv, bi = carry
                lanev = jnp.full((L,), ii, jnp.int32)
                cb = mc.at[lanev].get(mode="promise_in_bounds")
                flat = cb * L + iota
                px = plsc.load_gather(xbloc, [flat])
                py = plsc.load_gather(xbloc, [flat + P])
                pz = plsc.load_gather(xbloc, [flat + 2 * P])
                nxxv = plsc.load_gather(xxloc, [flat])
                s = px * qxv[i] + py * qyv[i] + pz * qzv[i]
                pd = (nxxv + s) - qqv[i]
                sv, si = plsc.sort_key_val(pd, flat, descending=True)
                take = sv > bv
                nv = jnp.where(take, sv, bv)
                ni = jnp.where(take, si, bi)
                return tuple(plsc.sort_key_val(nv, ni))

            bv, bi = lax.fori_loop(0, L, c_body, (neg_inf, zeros_i))

            nbr = lax.rev(bi, (0,))
            for ch in range(C):
                fv = plsc.load_gather(
                    xloc, [jnp.full((L,), ch, jnp.int32), nbr])
                oloc[ch, pl.ds((g * GQ + i) * K, K)] = fv
        return 0

      lax.fori_loop(0, QB // GQ, grp_body, 0)
      pltpu.sync_copy(oloc, out_hbm.at[wid, :, pl.ds(blk * QB * K, QB * K)])
      return 0

    lax.fori_loop(0, QPW // QB, blk_body, 0)


@functools.partial(
    pl.kernel,
    out_type=jax.ShapeDtypeStruct((NW, C, QPW * K), jnp.float32),
    mesh=plsc.VectorSubcoreMesh(core_axis_name="c", subcore_axis_name="s"),
    compiler_params=pltpu.CompilerParams(needs_layout_passes=False),
    scratch_types=[
        pltpu.VMEM((C, P), jnp.float32),
        pltpu.VMEM((3 * P,), jnp.float32),
        pltpu.VMEM((P,), jnp.float32),
        pltpu.VMEM((3 * QPW,), jnp.float32),
        pltpu.VMEM((QPW,), jnp.float32),
        pltpu.VMEM((GQ * NCHUNK + L,), jnp.float32),
        pltpu.VMEM((C, QB * K), jnp.float32),
    ],
)
def _knn_sc(x_hbm, q_hbm, out_hbm, xloc, xbloc, xxloc, qloc, qqloc,
            mloc, oloc):
    _knn_body(x_hbm, q_hbm, out_hbm, xloc, xbloc, xxloc, qloc, qqloc,
              mloc, oloc)


def kernel(x, q, k):
    del k
    out = _knn_sc(x, q)
    out = out.reshape(B, WPB, C, QPW, K).transpose(0, 2, 1, 3, 4)
    return out.reshape(B, C, Q, K)

# --- scband reference (transcript-rebuilt; emitter-appended) ---
"""Pipeline reference for scband-etracking-net-86526411145613 (READ-ONLY COPY).

The authoritative reference and input builder live on the scoring server;
editing this copy changes nothing except your own understanding.
"""

import jax, jax.numpy as jnp
import numpy as np


def knn_idx(x3, q3, k):
    # Faithful to torch knn(): pairwise_distance = -||x||^2 - (-2 x.q) - ||q||^2, topk over source-point dim
    inner = -2.0 * jnp.einsum('bcp,bcq->bpq', x3, q3)
    xx = jnp.sum(x3 ** 2, axis=1)[:, :, None]   # [B,P,1]
    qq = jnp.sum(q3 ** 2, axis=1)[:, None, :]   # [B,1,Q]
    pd = -xx - inner - qq                        # [B,P,Q]
    pdt = jnp.transpose(pd, (0, 2, 1))           # [B,Q,P] so top_k runs on P axis
    _, idx = jax.lax.top_k(pdt, k)               # [B,Q,k]
    return jnp.transpose(idx, (0, 2, 1))         # [B,k,Q] matching torch topk(dim=-2)


def gather_neighbour(X, idx):
    # Faithful to gether_neibour(): gather full-channel features for each (query, neighbor)
    B, C, P = X.shape
    _, kk, Q = idx.shape
    idx_flat = idx.reshape(B, 1, kk * Q)
    idx_rep = jnp.broadcast_to(idx_flat, (B, C, kk * Q))
    feat = jnp.take_along_axis(X, idx_rep, axis=2)   # [B,C,k*Q]
    feat = feat.reshape(B, C, kk, Q)
    return jnp.transpose(feat, (0, 3, 2, 1))          # [B,Q,k,C]


def setup_inputs(seed: int = 0) -> dict:
    key = jax.random.key(seed)
    k1, k2 = jax.random.split(key)
    x = jax.random.normal(k1, (4, 5, 8192), dtype=jnp.float32)
    q = jax.random.normal(k2, (4, 5, 2048), dtype=jnp.float32)
    return {"x": x, "q": q, "k": 16}


def reference(x, q, k):
    # C==5 path: knn on xyz (first 3 channels), then gather full features
    K = 16
    idx = knn_idx(x[:, :3, :], q[:, :3, :], K)        # [B,k,Q]
    idx = idx + (jnp.asarray(k) - K).astype(idx.dtype)
    feat = gather_neighbour(x, idx)                   # [B,Q,k,C]
    out = jnp.transpose(feat, (0, 3, 1, 2))           # [B,C,Q,k] as in Dynamic_sampling_M
    return out

if __name__ == "__main__":
    import jax
    _d = setup_inputs()
    print(jax.jit(kernel)(*tuple(_d.values())))

</pallas_src>

<mosaic_0001>
#map = affine_map<(d0, d1) -> (0, 0, 0)>
module attributes {stable_mosaic.version = 14 : i64} {
  func.func @_knn_sc(%arg0: i32, %arg1: i32, %arg2: memref<4x5x8192xf32, #tpu.memory_space<hbm>>, %arg3: memref<4x5x2048xf32, #tpu.memory_space<hbm>>, %arg4: memref<32x5x4096xf32, #tpu.memory_space<hbm>>, %arg5: memref<5x8192xf32, #tpu.memory_space<vmem>>, %arg6: memref<24576xf32, #tpu.memory_space<vmem>>, %arg7: memref<8192xf32, #tpu.memory_space<vmem>>, %arg8: memref<768xf32, #tpu.memory_space<vmem>>, %arg9: memref<256xf32, #tpu.memory_space<vmem>>, %arg10: memref<4112xf32, #tpu.memory_space<vmem>>, %arg11: memref<5x1024xf32, #tpu.memory_space<vmem>>) attributes {dimension_semantics = [#tpu.dimension_semantics<core_parallel>, #tpu.dimension_semantics<subcore_parallel>], iteration_bounds = array<i64: 2, 16>, scalar_prefetch = 0 : i64, scratch_operands = 7 : i64, tpu.core_type = #tpu.core_type<sc_vector_subcore>, window_params = [{transform_indices = #map}, {transform_indices = #map}, {transform_indices = #map}]} {
    %mul3A = arith.constant 2 : i32
    %mul3A_0 = arith.muli %arg1, %mul3A : i32
    %add3A = arith.addi %mul3A_0, %arg0 : i32
    %jit3A = arith.constant 8 : i32
    %div3A = arith.divsi %add3A, %jit3A : i32
    %sign3A = arith.constant 0 : i32
    %sign3A_1 = arith.cmpi sgt, %add3A, %sign3A : i32
    %sign3A_2 = arith.extui %sign3A_1 : i1 to i32
    %sign3A_3 = arith.constant 0 : i32
    %sign3A_4 = arith.cmpi slt, %add3A, %sign3A_3 : i32
    %sign3A_5 = arith.extui %sign3A_4 : i1 to i32
    %sign3A_6 = arith.subi %sign3A_2, %sign3A_5 : i32
    %sign3A_7 = arith.constant 0 : i32
    %sign3A_8 = arith.cmpi sgt, %jit3A, %sign3A_7 : i32
    %sign3A_9 = arith.extui %sign3A_8 : i1 to i32
    %sign3A_10 = arith.constant 0 : i32
    %sign3A_11 = arith.cmpi slt, %jit3A, %sign3A_10 : i32
    %sign3A_12 = arith.extui %sign3A_11 : i1 to i32
    %sign3A_13 = arith.subi %sign3A_9, %sign3A_12 : i32
    %ne3A = arith.cmpi ne, %sign3A_6, %sign3A_13 : i32
    %rem3A = arith.remsi %add3A, %jit3A : i32
    %ne3A_14 = arith.constant 0 : i32
    %ne3A_15 = arith.cmpi ne, %rem3A, %ne3A_14 : i32
    %and3A = arith.andi %ne3A, %ne3A_15 : i1
    %sub3A = arith.constant 1 : i32
    %sub3A_16 = arith.subi %div3A, %sub3A : i32
    %select_n3A = arith.select %and3A, %sub3A_16, %div3A : i32
    %jit3A_17 = arith.constant 8 : i32
    %eq3A = arith.constant 0 : i32
    %eq3A_18 = arith.cmpi eq, %jit3A_17, %eq3A : i32
    %jit3A_19 = arith.constant 1 : i32
    %select_n3A_20 = arith.select %eq3A_18, %jit3A_19, %jit3A_17 : i32
    %rem3A_21 = arith.remsi %add3A, %select_n3A_20 : i32
    %ne3A_22 = arith.constant 0 : i32
    %ne3A_23 = arith.cmpi ne, %rem3A_21, %ne3A_22 : i32
    %lt3A = arith.constant 0 : i32
    %lt3A_24 = arith.cmpi slt, %rem3A_21, %lt3A : i32
    %lt3A_25 = arith.constant 0 : i32
    %lt3A_26 = arith.cmpi slt, %select_n3A_20, %lt3A_25 : i32
    %ne3A_27 = arith.xori %lt3A_24, %lt3A_26 : i1
    %and3A_28 = arith.andi %ne3A_27, %ne3A_23 : i1
    %add3A_29 = arith.addi %rem3A_21, %select_n3A_20 : i32
    %select_n3A_30 = arith.select %and3A_28, %add3A_29, %rem3A_21 : i32
    %mul3A_31 = arith.constant 256 : i32
    %mul3A_32 = arith.muli %select_n3A_30, %mul3A_31 : i32
    "tpu.region"() ({
      %run_scoped3A_61 = tpu.sem_alloc : memref<!tpu.dma_semaphore, #tpu.memory_space<semaphore_mem>>
      %dma_start3A = arith.constant 0 : i32
      %dma_start3A_62 = arith.constant 0 : i32
      %dma_start3A_63 = tpu.memref_slice %arg2[%select_n3A, %dma_start3A, %dma_start3A_62] : memref<4x5x8192xf32, #tpu.memory_space<hbm>> -> memref<1x5x8192xf32, #tpu.memory_space<hbm>>
      %dma_start3A_64 = tpu.memref_squeeze %dma_start3A_63 : memref<1x5x8192xf32, #tpu.memory_space<hbm>> -> memref<5x8192xf32, #tpu.memory_space<hbm>>
      %dma_start3A_65 = arith.constant 0 : i32
      %dma_start3A_66 = arith.constant 0 : i32
      %dma_start3A_67 = tpu.memref_slice %arg2[%select_n3A, %dma_start3A_65, %dma_start3A_66] : memref<4x5x8192xf32, #tpu.memory_space<hbm>> -> memref<1x5x8192xf32, #tpu.memory_space<hbm>>
      %dma_start3A_68 = tpu.memref_squeeze %dma_start3A_67 : memref<1x5x8192xf32, #tpu.memory_space<hbm>> -> memref<5x8192xf32, #tpu.memory_space<hbm>>
      tpu.enqueue_dma source(%dma_start3A_68 : memref<5x8192xf32, #tpu.memory_space<hbm>>) target(%arg5 : memref<5x8192xf32, #tpu.memory_space<vmem>>) target_semaphore(%run_scoped3A_61 : memref<!tpu.dma_semaphore, #tpu.memory_space<semaphore_mem>>)
      %dma_wait3A = arith.constant 0 : i32
      %dma_wait3A_69 = arith.constant 0 : i32
      %dma_wait3A_70 = tpu.memref_slice %arg2[%select_n3A, %dma_wait3A, %dma_wait3A_69] : memref<4x5x8192xf32, #tpu.memory_space<hbm>> -> memref<1x5x8192xf32, #tpu.memory_space<hbm>>
      %dma_wait3A_71 = tpu.memref_squeeze %dma_wait3A_70 : memref<1x5x8192xf32, #tpu.memory_space<hbm>> -> memref<5x8192xf32, #tpu.memory_space<hbm>>
      %dma_wait3A_72 = arith.constant 0 : i32
      %dma_wait3A_73 = arith.constant 0 : i32
      %dma_wait3A_74 = tpu.memref_slice %arg2[%select_n3A, %dma_wait3A_72, %dma_wait3A_73] : memref<4x5x8192xf32, #tpu.memory_space<hbm>> -> memref<1x5x8192xf32, #tpu.memory_space<hbm>>
      %dma_wait3A_75 = tpu.memref_squeeze %dma_wait3A_74 : memref<1x5x8192xf32, #tpu.memory_space<hbm>> -> memref<5x8192xf32, #tpu.memory_space<hbm>>
      tpu.wait_dma2 semaphore(%run_scoped3A_61 : memref<!tpu.dma_semaphore, #tpu.memory_space<semaphore_mem>>) src(%dma_wait3A_75 : memref<5x8192xf32, #tpu.memory_space<hbm>>) dst(%arg5 : memref<5x8192xf32, #tpu.memory_space<vmem>>)
      tpu.yield
    }) : () -> ()
    %run_scoped3A = arith.constant 0 : i32
    "tpu.region"() ({
      %run_scoped3A_61 = tpu.sem_alloc : memref<!tpu.dma_semaphore, #tpu.memory_space<semaphore_mem>>
      %dma_start3A = arith.constant 0 : i32
      %dma_start3A_62 = tpu.memref_slice %arg8[%dma_start3A] : memref<768xf32, #tpu.memory_space<vmem>> -> memref<256xf32, #tpu.memory_space<vmem>>
      %dma_start3A_63 = tpu.memref_slice %arg3[%select_n3A, %run_scoped3A, %mul3A_32] : memref<4x5x2048xf32, #tpu.memory_space<hbm>> -> memref<1x1x256xf32, #tpu.memory_space<hbm>>
      %dma_start3A_64 = tpu.memref_squeeze %dma_start3A_63 : memref<1x1x256xf32, #tpu.memory_space<hbm>> -> memref<256xf32, #tpu.memory_space<hbm>>
      %dma_start3A_65 = arith.constant 0 : i32
      %dma_start3A_66 = tpu.memref_slice %arg8[%dma_start3A_65] : memref<768xf32, #tpu.memory_space<vmem>> -> memref<256xf32, #tpu.memory_space<vmem>>
      %dma_start3A_67 = tpu.memref_slice %arg3[%select_n3A, %run_scoped3A, %mul3A_32] : memref<4x5x2048xf32, #tpu.memory_space<hbm>> -> memref<1x1x256xf32, #tpu.memory_space<hbm>>
      %dma_start3A_68 = tpu.memref_squeeze %dma_start3A_67 : memref<1x1x256xf32, #tpu.memory_space<hbm>> -> memref<256xf32, #tpu.memory_space<hbm>>
      tpu.enqueue_dma source(%dma_start3A_68 : memref<256xf32, #tpu.memory_space<hbm>>) target(%dma_start3A_66 : memref<256xf32, #tpu.memory_space<vmem>>) target_semaphore(%run_scoped3A_61 : memref<!tpu.dma_semaphore, #tpu.memory_space<semaphore_mem>>)
      %dma_wait3A = arith.constant 0 : i32
      %dma_wait3A_69 = tpu.memref_slice %arg8[%dma_wait3A] : memref<768xf32, #tpu.memory_space<vmem>> -> memref<256xf32, #tpu.memory_space<vmem>>
      %dma_wait3A_70 = tpu.memref_slice %arg3[%select_n3A, %run_scoped3A, %mul3A_32] : memref<4x5x2048xf32, #tpu.memory_space<hbm>> -> memref<1x1x256xf32, #tpu.memory_space<hbm>>
      %dma_wait3A_71 = tpu.memref_squeeze %dma_wait3A_70 : memref<1x1x256xf32, #tpu.memory_space<hbm>> -> memref<256xf32, #tpu.memory_space<hbm>>
      %dma_wait3A_72 = arith.constant 0 : i32
      %dma_wait3A_73 = tpu.memref_slice %arg8[%dma_wait3A_72] : memref<768xf32, #tpu.memory_space<vmem>> -> memref<256xf32, #tpu.memory_space<vmem>>
      %dma_wait3A_74 = tpu.memref_slice %arg3[%select_n3A, %run_scoped3A, %mul3A_32] : memref<4x5x2048xf32, #tpu.memory_space<hbm>> -> memref<1x1x256xf32, #tpu.memory_space<hbm>>
      %dma_wait3A_75 = tpu.memref_squeeze %dma_wait3A_74 : memref<1x1x256xf32, #tpu.memory_space<hbm>> -> memref<256xf32, #tpu.memory_space<hbm>>
      tpu.wait_dma2 semaphore(%run_scoped3A_61 : memref<!tpu.dma_semaphore, #tpu.memory_space<semaphore_mem>>) src(%dma_wait3A_75 : memref<256xf32, #tpu.memory_space<hbm>>) dst(%dma_wait3A_73 : memref<256xf32, #tpu.memory_space<vmem>>)
      tpu.yield
    }) : () -> ()
    %run_scoped3A_33 = arith.constant 1 : i32
    "tpu.region"() ({
      %run_scoped3A_61 = tpu.sem_alloc : memref<!tpu.dma_semaphore, #tpu.memory_space<semaphore_mem>>
      %dma_start3A = arith.constant 256 : i32
      %dma_start3A_62 = tpu.memref_slice %arg8[%dma_start3A] : memref<768xf32, #tpu.memory_space<vmem>> -> memref<256xf32, #tpu.memory_space<vmem>>
      %dma_start3A_63 = tpu.memref_slice %arg3[%select_n3A, %run_scoped3A_33, %mul3A_32] : memref<4x5x2048xf32, #tpu.memory_space<hbm>> -> memref<1x1x256xf32, #tpu.memory_space<hbm>>
      %dma_start3A_64 = tpu.memref_squeeze %dma_start3A_63 : memref<1x1x256xf32, #tpu.memory_space<hbm>> -> memref<256xf32, #tpu.memory_space<hbm>>
      %dma_start3A_65 = arith.constant 256 : i32
      %dma_start3A_66 = tpu.memref_slice %arg8[%dma_start3A_65] : memref<768xf32, #tpu.memory_space<vmem>> -> memref<256xf32, #tpu.memory_space<vmem>>
      %dma_start3A_67 = tpu.memref_slice %arg3[%select_n3A, %run_scoped3A_33, %mul3A_32] : memref<4x5x2048xf32, #tpu.memory_space<hbm>> -> memref<1x1x256xf32, #tpu.memory_space<hbm>>
      %dma_start3A_68 = tpu.memref_squeeze %dma_start3A_67 : memref<1x1x256xf32, #tpu.memory_space<hbm>> -> memref<256xf32, #tpu.memory_space<hbm>>
      tpu.enqueue_dma source(%dma_start3A_68 : memref<256xf32, #tpu.memory_space<hbm>>) target(%dma_start3A_66 : memref<256xf32, #tpu.memory_space<vmem>>) target_semaphore(%run_scoped3A_61 : memref<!tpu.dma_semaphore, #tpu.memory_space<semaphore_mem>>)
      %dma_wait3A = arith.constant 256 : i32
      %dma_wait3A_69 = tpu.memref_slice %arg8[%dma_wait3A] : memref<768xf32, #tpu.memory_space<vmem>> -> memref<256xf32, #tpu.memory_space<vmem>>
      %dma_wait3A_70 = tpu.memref_slice %arg3[%select_n3A, %run_scoped3A_33, %mul3A_32] : memref<4x5x2048xf32, #tpu.memory_space<hbm>> -> memref<1x1x256xf32, #tpu.memory_space<hbm>>
      %dma_wait3A_71 = tpu.memref_squeeze %dma_wait3A_70 : memref<1x1x256xf32, #tpu.memory_space<hbm>> -> memref<256xf32, #tpu.memory_space<hbm>>
      %dma_wait3A_72 = arith.constant 256 : i32
      %dma_wait3A_73 = tpu.memref_slice %arg8[%dma_wait3A_72] : memref<768xf32, #tpu.memory_space<vmem>> -> memref<256xf32, #tpu.memory_space<vmem>>
      %dma_wait3A_74 = tpu.memref_slice %arg3[%select_n3A, %run_scoped3A_33, %mul3A_32] : memref<4x5x2048xf32, #tpu.memory_space<hbm>> -> memref<1x1x256xf32, #tpu.memory_space<hbm>>
      %dma_wait3A_75 = tpu.memref_squeeze %dma_wait3A_74 : memref<1x1x256xf32, #tpu.memory_space<hbm>> -> memref<256xf32, #tpu.memory_space<hbm>>
      tpu.wait_dma2 semaphore(%run_scoped3A_61 : memref<!tpu.dma_semaphore, #tpu.memory_space<semaphore_mem>>) src(%dma_wait3A_75 : memref<256xf32, #tpu.memory_space<hbm>>) dst(%dma_wait3A_73 : memref<256xf32, #tpu.memory_space<vmem>>)
      tpu.yield
    }) : () -> ()
    %run_scoped3A_34 = arith.constant 2 : i32
    "tpu.region"() ({
      %run_scoped3A_61 = tpu.sem_alloc : memref<!tpu.dma_semaphore, #tpu.memory_space<semaphore_mem>>
      %dma_start3A = arith.constant 512 : i32
      %dma_start3A_62 = tpu.memref_slice %arg8[%dma_start3A] : memref<768xf32, #tpu.memory_space<vmem>> -> memref<256xf32, #tpu.memory_space<vmem>>
      %dma_start3A_63 = tpu.memref_slice %arg3[%select_n3A, %run_scoped3A_34, %mul3A_32] : memref<4x5x2048xf32, #tpu.memory_space<hbm>> -> memref<1x1x256xf32, #tpu.memory_space<hbm>>
      %dma_start3A_64 = tpu.memref_squeeze %dma_start3A_63 : memref<1x1x256xf32, #tpu.memory_space<hbm>> -> memref<256xf32, #tpu.memory_space<hbm>>
      %dma_start3A_65 = arith.constant 512 : i32
      %dma_start3A_66 = tpu.memref_slice %arg8[%dma_start3A_65] : memref<768xf32, #tpu.memory_space<vmem>> -> memref<256xf32, #tpu.memory_space<vmem>>
      %dma_start3A_67 = tpu.memref_slice %arg3[%select_n3A, %run_scoped3A_34, %mul3A_32] : memref<4x5x2048xf32, #tpu.memory_space<hbm>> -> memref<1x1x256xf32, #tpu.memory_space<hbm>>
      %dma_start3A_68 = tpu.memref_squeeze %dma_start3A_67 : memref<1x1x256xf32, #tpu.memory_space<hbm>> -> memref<256xf32, #tpu.memory_space<hbm>>
      tpu.enqueue_dma source(%dma_start3A_68 : memref<256xf32, #tpu.memory_space<hbm>>) target(%dma_start3A_66 : memref<256xf32, #tpu.memory_space<vmem>>) target_semaphore(%run_scoped3A_61 : memref<!tpu.dma_semaphore, #tpu.memory_space<semaphore_mem>>)
      %dma_wait3A = arith.constant 512 : i32
      %dma_wait3A_69 = tpu.memref_slice %arg8[%dma_wait3A] : memref<768xf32, #tpu.memory_space<vmem>> -> memref<256xf32, #tpu.memory_space<vmem>>
      %dma_wait3A_70 = tpu.memref_slice %arg3[%select_n3A, %run_scoped3A_34, %mul3A_32] : memref<4x5x2048xf32, #tpu.memory_space<hbm>> -> memref<1x1x256xf32, #tpu.memory_space<hbm>>
      %dma_wait3A_71 = tpu.memref_squeeze %dma_wait3A_70 : memref<1x1x256xf32, #tpu.memory_space<hbm>> -> memref<256xf32, #tpu.memory_space<hbm>>
      %dma_wait3A_72 = arith.constant 512 : i32
      %dma_wait3A_73 = tpu.memref_slice %arg8[%dma_wait3A_72] : memref<768xf32, #tpu.memory_space<vmem>> -> memref<256xf32, #tpu.memory_space<vmem>>
      %dma_wait3A_74 = tpu.memref_slice %arg3[%select_n3A, %run_scoped3A_34, %mul3A_32] : memref<4x5x2048xf32, #tpu.memory_space<hbm>> -> memref<1x1x256xf32, #tpu.memory_space<hbm>>
      %dma_wait3A_75 = tpu.memref_squeeze %dma_wait3A_74 : memref<1x1x256xf32, #tpu.memory_space<hbm>> -> memref<256xf32, #tpu.memory_space<hbm>>
      tpu.wait_dma2 semaphore(%run_scoped3A_61 : memref<!tpu.dma_semaphore, #tpu.memory_space<semaphore_mem>>) src(%dma_wait3A_75 : memref<256xf32, #tpu.memory_space<hbm>>) dst(%dma_wait3A_73 : memref<256xf32, #tpu.memory_space<vmem>>)
      tpu.yield
    }) : () -> ()
    %scan3A = arith.constant 0 : i32
    %scan3A_35 = arith.constant 0 : i32
    %scan3A_36 = arith.constant 512 : i32
    %scan3A_37 = arith.addi %scan3A_35, %scan3A_36 : i32
    %scan3A_38 = arith.constant 1 : i32
    %scan3A_39 = scf.for %scan3A_61 = %scan3A_35 to %scan3A_37 step %scan3A_38 iter_args(%scan3A_62 = %scan3A) -> (i32)  : i32 {
      %mul3A_63 = arith.constant 16 : i32
      %mul3A_64 = arith.muli %scan3A_61, %mul3A_63 : i32
      %get3A = arith.constant 0 : i32
      %get3A_65 = arith.index_cast %get3A : i32 to index
      %get3A_66 = arith.index_cast %mul3A_64 : i32 to index
      %get3A_67 = tpu.vector_load %arg5[%get3A_65, %get3A_66] {strides = array<i32>} : memref<5x8192xf32, #tpu.memory_space<vmem>>, vector<16xf32>,
      %mul3A_68 = arith.constant 16 : i32
      %mul3A_69 = arith.muli %scan3A_61, %mul3A_68 : i32
      %get3A_70 = arith.constant 1 : i32
      %get3A_71 = arith.index_cast %get3A_70 : i32 to index
      %get3A_72 = arith.index_cast %mul3A_69 : i32 to index
      %get3A_73 = tpu.vector_load %arg5[%get3A_71, %get3A_72] {strides = array<i32>} : memref<5x8192xf32, #tpu.memory_space<vmem>>, vector<16xf32>,
      %mul3A_74 = arith.constant 16 : i32
      %mul3A_75 = arith.muli %scan3A_61, %mul3A_74 : i32
      %get3A_76 = arith.constant 2 : i32
      %get3A_77 = arith.index_cast %get3A_76 : i32 to index
      %get3A_78 = arith.index_cast %mul3A_75 : i32 to index
      %get3A_79 = tpu.vector_load %arg5[%get3A_77, %get3A_78] {strides = array<i32>} : memref<5x8192xf32, #tpu.memory_space<vmem>>, vector<16xf32>,
      %mul3A_80 = arith.mulf %get3A_67, %get3A_67 : vector<16xf32>
      %mul3A_81 = arith.mulf %get3A_73, %get3A_73 : vector<16xf32>
      %add3A_82 = arith.addf %mul3A_80, %mul3A_81 : vector<16xf32>
      %mul3A_83 = arith.mulf %get3A_79, %get3A_79 : vector<16xf32>
      %add3A_84 = arith.addf %add3A_82, %mul3A_83 : vector<16xf32>
      %neg3A = arith.constant 0.000000e+00 : f32
      %neg3A_85 = vector.broadcast %neg3A : f32 to vector<16xf32>
      %neg3A_86 = arith.subf %neg3A_85, %add3A_84 : vector<16xf32>
      %mul3A_87 = arith.constant 16 : i32
      %mul3A_88 = arith.muli %scan3A_61, %mul3A_87 : i32
      %swap3A = arith.index_cast %mul3A_88 : i32 to index
      %swap3A_89 = tpu.vector_load %arg7[%swap3A] {strides = array<i32>} : memref<8192xf32, #tpu.memory_space<vmem>>, vector<16xf32>,
      tpu.vector_store %arg7[%swap3A], %neg3A_86 {strides = array<i32>} : memref<8192xf32, #tpu.memory_space<vmem>>, vector<16xf32>,
      %bitcast_convert_type3A = tpu.bitcast %get3A_67 : vector<16xf32> -> vector<16xi32>
      %add3A_90 = arith.constant 32767 : i32
      %add3A_91 = vector.broadcast %add3A_90 : i32 to vector<16xi32>
      %add3A_92 = arith.addi %bitcast_convert_type3A, %add3A_91 : vector<16xi32>
      %shift_right_logical3A = arith.constant 16 : i32
      %shift_right_logical3A_93 = vector.broadcast %shift_right_logical3A : i32 to vector<16xi32>
      %shift_right_logical3A_94 = arith.shrui %bitcast_convert_type3A, %shift_right_logical3A_93 : vector<16xi32>
      %and3A_95 = arith.constant 1 : i32
      %and3A_96 = vector.broadcast %and3A_95 : i32 to vector<16xi32>
      %and3A_97 = arith.andi %shift_right_logical3A_94, %and3A_96 : vector<16xi32>
      %add3A_98 = arith.addi %add3A_92, %and3A_97 : vector<16xi32>
      %and3A_99 = arith.constant -65536 : i32
      %and3A_100 = vector.broadcast %and3A_99 : i32 to vector<16xi32>
      %and3A_101 = arith.andi %add3A_98, %and3A_100 : vector<16xi32>
      %bitcast_convert_type3A_102 = tpu.bitcast %and3A_101 : vector<16xi32> -> vector<16xf32>
      %mul3A_103 = arith.constant 16 : i32
      %mul3A_104 = arith.muli %scan3A_61, %mul3A_103 : i32
      %add3A_105 = arith.constant 0 : i32
      %add3A_106 = arith.addi %add3A_105, %mul3A_104 : i32
      %swap3A_107 = arith.index_cast %add3A_106 : i32 to index
      %swap3A_108 = tpu.vector_load %arg6[%swap3A_107] {strides = array<i32>} : memref<24576xf32, #tpu.memory_space<vmem>>, vector<16xf32>,
      tpu.vector_store %arg6[%swap3A_107], %bitcast_convert_type3A_102 {strides = array<i32>} : memref<24576xf32, #tpu.memory_space<vmem>>, vector<16xf32>,
      %bitcast_convert_type3A_109 = tpu.bitcast %get3A_73 : vector<16xf32> -> vector<16xi32>
      %add3A_110 = arith.constant 32767 : i32
      %add3A_111 = vector.broadcast %add3A_110 : i32 to vector<16xi32>
      %add3A_112 = arith.addi %bitcast_convert_type3A_109, %add3A_111 : vector<16xi32>
      %shift_right_logical3A_113 = arith.constant 16 : i32
      %shift_right_logical3A_114 = vector.broadcast %shift_right_logical3A_113 : i32 to vector<16xi32>
      %shift_right_logical3A_115 = arith.shrui %bitcast_convert_type3A_109, %shift_right_logical3A_114 : vector<16xi32>
      %and3A_116 = arith.constant 1 : i32
      %and3A_117 = vector.broadcast %and3A_116 : i32 to vector<16xi32>
      %and3A_118 = arith.andi %shift_right_logical3A_115, %and3A_117 : vector<16xi32>
      %add3A_119 = arith.addi %add3A_112, %and3A_118 : vector<16xi32>
      %and3A_120 = arith.constant -65536 : i32
      %and3A_121 = vector.broadcast %and3A_120 : i32 to vector<16xi32>
      %and3A_122 = arith.andi %add3A_119, %and3A_121 : vector<16xi32>
      %bitcast_convert_type3A_123 = tpu.bitcast %and3A_122 : vector<16xi32> -> vector<16xf32>
      %mul3A_124 = arith.constant 16 : i32
      %mul3A_125 = arith.muli %scan3A_61, %mul3A_124 : i32
      %add3A_126 = arith.constant 8192 : i32
      %add3A_127 = arith.addi %add3A_126, %mul3A_125 : i32
      %swap3A_128 = arith.index_cast %add3A_127 : i32 to index
      %swap3A_129 = tpu.vector_load %arg6[%swap3A_128] {strides = array<i32>} : memref<24576xf32, #tpu.memory_space<vmem>>, vector<16xf32>,
      tpu.vector_store %arg6[%swap3A_128], %bitcast_convert_type3A_123 {strides = array<i32>} : memref<24576xf32, #tpu.memory_space<vmem>>, vector<16xf32>,
      %bitcast_convert_type3A_130 = tpu.bitcast %get3A_79 : vector<16xf32> -> vector<16xi32>
      %add3A_131 = arith.constant 32767 : i32
      %add3A_132 = vector.broadcast %add3A_131 : i32 to vector<16xi32>
      %add3A_133 = arith.addi %bitcast_convert_type3A_130, %add3A_132 : vector<16xi32>
      %shift_right_logical3A_134 = arith.constant 16 : i32
      %shift_right_logical3A_135 = vector.broadcast %shift_right_logical3A_134 : i32 to vector<16xi32>
      %shift_right_logical3A_136 = arith.shrui %bitcast_convert_type3A_130, %shift_right_logical3A_135 : vector<16xi32>
      %and3A_137 = arith.constant 1 : i32
      %and3A_138 = vector.broadcast %and3A_137 : i32 to vector<16xi32>
      %and3A_139 = arith.andi %shift_right_logical3A_136, %and3A_138 : vector<16xi32>
      %add3A_140 = arith.addi %add3A_133, %and3A_139 : vector<16xi32>
      %and3A_141 = arith.constant -65536 : i32
      %and3A_142 = vector.broadcast %and3A_141 : i32 to vector<16xi32>
      %and3A_143 = arith.andi %add3A_140, %and3A_142 : vector<16xi32>
      %bitcast_convert_type3A_144 = tpu.bitcast %and3A_143 : vector<16xi32> -> vector<16xf32>
      %mul3A_145 = arith.constant 16 : i32
      %mul3A_146 = arith.muli %scan3A_61, %mul3A_145 : i32
      %add3A_147 = arith.constant 16384 : i32
      %add3A_148 = arith.addi %add3A_147, %mul3A_146 : i32
      %swap3A_149 = arith.index_cast %add3A_148 : i32 to index
      %swap3A_150 = tpu.vector_load %arg6[%swap3A_149] {strides = array<i32>} : memref<24576xf32, #tpu.memory_space<vmem>>, vector<16xf32>,
      tpu.vector_store %arg6[%swap3A_149], %bitcast_convert_type3A_144 {strides = array<i32>} : memref<24576xf32, #tpu.memory_space<vmem>>, vector<16xf32>,
      %scan3A_151 = arith.constant 0 : i32
      scf.yield %scan3A_151 : i32
    }
    %scan3A_40 = arith.constant 512 : i32
    %scan3A_41 = arith.constant 0 : i32
    %scan3A_42 = arith.constant 0 : i32
    %scan3A_43 = arith.constant 16 : i32
    %scan3A_44 = arith.addi %scan3A_42, %scan3A_43 : i32
    %scan3A_45 = arith.constant 1 : i32
    %scan3A_46 = scf.for %scan3A_61 = %scan3A_42 to %scan3A_44 step %scan3A_45 iter_args(%scan3A_62 = %scan3A_41) -> (i32)  : i32 {
      %mul3A_63 = arith.constant 16 : i32
      %mul3A_64 = arith.muli %scan3A_61, %mul3A_63 : i32
      %add3A_65 = arith.constant 0 : i32
      %add3A_66 = arith.addi %add3A_65, %mul3A_64 : i32
      %get3A = arith.index_cast %add3A_66 : i32 to index
      %get3A_67 = tpu.vector_load %arg8[%get3A] {strides = array<i32>} : memref<768xf32, #tpu.memory_space<vmem>>, vector<16xf32>,
      %mul3A_68 = arith.constant 16 : i32
      %mul3A_69 = arith.muli %scan3A_61, %mul3A_68 : i32
      %add3A_70 = arith.constant 256 : i32
      %add3A_71 = arith.addi %add3A_70, %mul3A_69 : i32
      %get3A_72 = arith.index_cast %add3A_71 : i32 to index
      %get3A_73 = tpu.vector_load %arg8[%get3A_72] {strides = array<i32>} : memref<768xf32, #tpu.memory_space<vmem>>, vector<16xf32>,
      %mul3A_74 = arith.constant 16 : i32
      %mul3A_75 = arith.muli %scan3A_61, %mul3A_74 : i32
      %add3A_76 = arith.constant 512 : i32
      %add3A_77 = arith.addi %add3A_76, %mul3A_75 : i32
      %get3A_78 = arith.index_cast %add3A_77 : i32 to index
      %get3A_79 = tpu.vector_load %arg8[%get3A_78] {strides = array<i32>} : memref<768xf32, #tpu.memory_space<vmem>>, vector<16xf32>,
      %mul3A_80 = arith.mulf %get3A_67, %get3A_67 : vector<16xf32>
      %mul3A_81 = arith.mulf %get3A_73, %get3A_73 : vector<16xf32>
      %add3A_82 = arith.addf %mul3A_80, %mul3A_81 : vector<16xf32>
      %mul3A_83 = arith.mulf %get3A_79, %get3A_79 : vector<16xf32>
      %add3A_84 = arith.addf %add3A_82, %mul3A_83 : vector<16xf32>
      %mul3A_85 = arith.constant 16 : i32
      %mul3A_86 = arith.muli %scan3A_61, %mul3A_85 : i32
      %swap3A = arith.index_cast %mul3A_86 : i32 to index
      %swap3A_87 = tpu.vector_load %arg9[%swap3A] {strides = array<i32>} : memref<256xf32, #tpu.memory_space<vmem>>, vector<16xf32>,
      tpu.vector_store %arg9[%swap3A], %add3A_84 {strides = array<i32>} : memref<256xf32, #tpu.memory_space<vmem>>, vector<16xf32>,
      %bitcast_convert_type3A = tpu.bitcast %get3A_67 : vector<16xf32> -> vector<16xi32>
      %add3A_88 = arith.constant 32767 : i32
      %add3A_89 = vector.broadcast %add3A_88 : i32 to vector<16xi32>
      %add3A_90 = arith.addi %bitcast_convert_type3A, %add3A_89 : vector<16xi32>
      %shift_right_logical3A = arith.constant 16 : i32
      %shift_right_logical3A_91 = vector.broadcast %shift_right_logical3A : i32 to vector<16xi32>
      %shift_right_logical3A_92 = arith.shrui %bitcast_convert_type3A, %shift_right_logical3A_91 : vector<16xi32>
      %and3A_93 = arith.constant 1 : i32
      %and3A_94 = vector.broadcast %and3A_93 : i32 to vector<16xi32>
      %and3A_95 = arith.andi %shift_right_logical3A_92, %and3A_94 : vector<16xi32>
      %add3A_96 = arith.addi %add3A_90, %and3A_95 : vector<16xi32>
      %and3A_97 = arith.constant -65536 : i32
      %and3A_98 = vector.broadcast %and3A_97 : i32 to vector<16xi32>
      %and3A_99 = arith.andi %add3A_96, %and3A_98 : vector<16xi32>
      %bitcast_convert_type3A_100 = tpu.bitcast %and3A_99 : vector<16xi32> -> vector<16xf32>
      %mul3A_101 = arith.constant 2.000000e+00 : f32
      %mul3A_102 = vector.broadcast %mul3A_101 : f32 to vector<16xf32>
      %mul3A_103 = arith.mulf %mul3A_102, %bitcast_convert_type3A_100 : vector<16xf32>
      %mul3A_104 = arith.constant 16 : i32
      %mul3A_105 = arith.muli %scan3A_61, %mul3A_104 : i32
      %add3A_106 = arith.constant 0 : i32
      %add3A_107 = arith.addi %add3A_106, %mul3A_105 : i32
      %swap3A_108 = arith.index_cast %add3A_107 : i32 to index
      %swap3A_109 = tpu.vector_load %arg8[%swap3A_108] {strides = array<i32>} : memref<768xf32, #tpu.memory_space<vmem>>, vector<16xf32>,
      tpu.vector_store %arg8[%swap3A_108], %mul3A_103 {strides = array<i32>} : memref<768xf32, #tpu.memory_space<vmem>>, vector<16xf32>,
      %bitcast_convert_type3A_110 = tpu.bitcast %get3A_73 : vector<16xf32> -> vector<16xi32>
      %add3A_111 = arith.constant 32767 : i32
      %add3A_112 = vector.broadcast %add3A_111 : i32 to vector<16xi32>
      %add3A_113 = arith.addi %bitcast_convert_type3A_110, %add3A_112 : vector<16xi32>
      %shift_right_logical3A_114 = arith.constant 16 : i32
      %shift_right_logical3A_115 = vector.broadcast %shift_right_logical3A_114 : i32 to vector<16xi32>
      %shift_right_logical3A_116 = arith.shrui %bitcast_convert_type3A_110, %shift_right_logical3A_115 : vector<16xi32>
      %and3A_117 = arith.constant 1 : i32
      %and3A_118 = vector.broadcast %and3A_117 : i32 to vector<16xi32>
      %and3A_119 = arith.andi %shift_right_logical3A_116, %and3A_118 : vector<16xi32>
      %add3A_120 = arith.addi %add3A_113, %and3A_119 : vector<16xi32>
      %and3A_121 = arith.constant -65536 : i32
      %and3A_122 = vector.broadcast %and3A_121 : i32 to vector<16xi32>
      %and3A_123 = arith.andi %add3A_120, %and3A_122 : vector<16xi32>
      %bitcast_convert_type3A_124 = tpu.bitcast %and3A_123 : vector<16xi32> -> vector<16xf32>
      %mul3A_125 = arith.constant 2.000000e+00 : f32
      %mul3A_126 = vector.broadcast %mul3A_125 : f32 to vector<16xf32>
      %mul3A_127 = arith.mulf %mul3A_126, %bitcast_convert_type3A_124 : vector<16xf32>
      %mul3A_128 = arith.constant 16 : i32
      %mul3A_129 = arith.muli %scan3A_61, %mul3A_128 : i32
      %add3A_130 = arith.constant 256 : i32
      %add3A_131 = arith.addi %add3A_130, %mul3A_129 : i32
      %swap3A_132 = arith.index_cast %add3A_131 : i32 to index
      %swap3A_133 = tpu.vector_load %arg8[%swap3A_132] {strides = array<i32>} : memref<768xf32, #tpu.memory_space<vmem>>, vector<16xf32>,
      tpu.vector_store %arg8[%swap3A_132], %mul3A_127 {strides = array<i32>} : memref<768xf32, #tpu.memory_space<vmem>>, vector<16xf32>,
      %bitcast_convert_type3A_134 = tpu.bitcast %get3A_79 : vector<16xf32> -> vector<16xi32>
      %add3A_135 = arith.constant 32767 : i32
      %add3A_136 = vector.broadcast %add3A_135 : i32 to vector<16xi32>
      %add3A_137 = arith.addi %bitcast_convert_type3A_134, %add3A_136 : vector<16xi32>
      %shift_right_logical3A_138 = arith.constant 16 : i32
      %shift_right_logical3A_139 = vector.broadcast %shift_right_logical3A_138 : i32 to vector<16xi32>
      %shift_right_logical3A_140 = arith.shrui %bitcast_convert_type3A_134, %shift_right_logical3A_139 : vector<16xi32>
      %and3A_141 = arith.constant 1 : i32
      %and3A_142 = vector.broadcast %and3A_141 : i32 to vector<16xi32>
      %and3A_143 = arith.andi %shift_right_logical3A_140, %and3A_142 : vector<16xi32>
      %add3A_144 = arith.addi %add3A_137, %and3A_143 : vector<16xi32>
      %and3A_145 = arith.constant -65536 : i32
      %and3A_146 = vector.broadcast %and3A_145 : i32 to vector<16xi32>
      %and3A_147 = arith.andi %add3A_144, %and3A_146 : vector<16xi32>
      %bitcast_convert_type3A_148 = tpu.bitcast %and3A_147 : vector<16xi32> -> vector<16xf32>
      %mul3A_149 = arith.constant 2.000000e+00 : f32
      %mul3A_150 = vector.broadcast %mul3A_149 : f32 to vector<16xf32>
      %mul3A_151 = arith.mulf %mul3A_150, %bitcast_convert_type3A_148 : vector<16xf32>
      %mul3A_152 = arith.constant 16 : i32
      %mul3A_153 = arith.muli %scan3A_61, %mul3A_152 : i32
      %add3A_154 = arith.constant 512 : i32
      %add3A_155 = arith.addi %add3A_154, %mul3A_153 : i32
      %swap3A_156 = arith.index_cast %add3A_155 : i32 to index
      %swap3A_157 = tpu.vector_load %arg8[%swap3A_156] {strides = array<i32>} : memref<768xf32, #tpu.memory_space<vmem>>, vector<16xf32>,
      tpu.vector_store %arg8[%swap3A_156], %mul3A_151 {strides = array<i32>} : memref<768xf32, #tpu.memory_space<vmem>>, vector<16xf32>,
      %scan3A_158 = arith.constant 0 : i32
      scf.yield %scan3A_158 : i32
    }
    %scan3A_47 = arith.constant 16 : i32
    %iota3A = tpu.iota {dimensions = array<i32: 0>} : vector<16xi32>
    %eq3A_48 = arith.constant 15 : i32
    %eq3A_49 = vector.broadcast %eq3A_48 : i32 to vector<16xi32>
    %eq3A_50 = arith.cmpi eq, %iota3A, %eq3A_49 : vector<16xi32>
    %broadcast_in_dim3A = arith.constant 0 : i32
    %broadcast_in_dim3A_51 = vector.broadcast %broadcast_in_dim3A : i32 to vector<16xi32>
    %broadcast_in_dim3A_52 = arith.constant 0xFF800000 : f32
    %broadcast_in_dim3A_53 = vector.broadcast %broadcast_in_dim3A_52 : f32 to vector<16xf32>
    %scan3A_54 = arith.constant 0 : i32
    %scan3A_55 = arith.constant 0 : i32
    %scan3A_56 = arith.constant 4 : i32
    %scan3A_57 = arith.addi %scan3A_55, %scan3A_56 : i32
    %scan3A_58 = arith.constant 1 : i32
    %scan3A_59 = scf.for %scan3A_61 = %scan3A_55 to %scan3A_57 step %scan3A_58 iter_args(%scan3A_62 = %scan3A_54) -> (i32)  : i32 {
      %scan3A_63 = arith.constant 0 : i32
      %scan3A_64 = arith.constant 0 : i32
      %scan3A_65 = arith.constant 8 : i32
      %scan3A_66 = arith.addi %scan3A_64, %scan3A_65 : i32
      %scan3A_67 = arith.constant 1 : i32
      %scan3A_68 = scf.for %scan3A_75 = %scan3A_64 to %scan3A_66 step %scan3A_67 iter_args(%scan3A_76 = %scan3A_63) -> (i32)  : i32 {
        %mul3A_77 = arith.constant 64 : i32
        %mul3A_78 = arith.muli %scan3A_61, %mul3A_77 : i32
        %mul3A_79 = arith.constant 8 : i32
        %mul3A_80 = arith.muli %scan3A_75, %mul3A_79 : i32
        %add3A_81 = arith.addi %mul3A_78, %mul3A_80 : i32
        %jit3A_82 = arith.constant 16 : i32
        %div3A_83 = arith.divsi %add3A_81, %jit3A_82 : i32
        %sign3A_84 = arith.constant 0 : i32
        %sign3A_85 = arith.cmpi sgt, %add3A_81, %sign3A_84 : i32
        %sign3A_86 = arith.extui %sign3A_85 : i1 to i32
        %sign3A_87 = arith.constant 0 : i32
        %sign3A_88 = arith.cmpi slt, %add3A_81, %sign3A_87 : i32
        %sign3A_89 = arith.extui %sign3A_88 : i1 to i32
        %sign3A_90 = arith.subi %sign3A_86, %sign3A_89 : i32
        %sign3A_91 = arith.constant 0 : i32
        %sign3A_92 = arith.cmpi sgt, %jit3A_82, %sign3A_91 : i32
        %sign3A_93 = arith.extui %sign3A_92 : i1 to i32
        %sign3A_94 = arith.constant 0 : i32
        %sign3A_95 = arith.cmpi slt, %jit3A_82, %sign3A_94 : i32
        %sign3A_96 = arith.extui %sign3A_95 : i1 to i32
        %sign3A_97 = arith.subi %sign3A_93, %sign3A_96 : i32
        %ne3A_98 = arith.cmpi ne, %sign3A_90, %sign3A_97 : i32
        %rem3A_99 = arith.remsi %add3A_81, %jit3A_82 : i32
        %ne3A_100 = arith.constant 0 : i32
        %ne3A_101 = arith.cmpi ne, %rem3A_99, %ne3A_100 : i32
        %and3A_102 = arith.andi %ne3A_98, %ne3A_101 : i1
        %sub3A_103 = arith.constant 1 : i32
        %sub3A_104 = arith.subi %div3A_83, %sub3A_103 : i32
        %select_n3A_105 = arith.select %and3A_102, %sub3A_104, %div3A_83 : i32
        %mul3A_106 = arith.constant 16 : i32
        %mul3A_107 = arith.muli %select_n3A_105, %mul3A_106 : i32
        %jit3A_108 = arith.constant 16 : i32
        %eq3A_109 = arith.constant 0 : i32
        %eq3A_110 = arith.cmpi eq, %jit3A_108, %eq3A_109 : i32
        %jit3A_111 = arith.constant 1 : i32
        %select_n3A_112 = arith.select %eq3A_110, %jit3A_111, %jit3A_108 : i32
        %rem3A_113 = arith.remsi %add3A_81, %select_n3A_112 : i32
        %ne3A_114 = arith.constant 0 : i32
        %ne3A_115 = arith.cmpi ne, %rem3A_113, %ne3A_114 : i32
        %lt3A_116 = arith.constant 0 : i32
        %lt3A_117 = arith.cmpi slt, %rem3A_113, %lt3A_116 : i32
        %lt3A_118 = arith.constant 0 : i32
        %lt3A_119 = arith.cmpi slt, %select_n3A_112, %lt3A_118 : i32
        %ne3A_120 = arith.xori %lt3A_117, %lt3A_119 : i1
        %and3A_121 = arith.andi %ne3A_120, %ne3A_115 : i1
        %add3A_122 = arith.addi %rem3A_113, %select_n3A_112 : i32
        %select_n3A_123 = arith.select %and3A_121, %add3A_122, %rem3A_113 : i32
        %add3A_124 = arith.constant 0 : i32
        %add3A_125 = arith.addi %add3A_124, %mul3A_107 : i32
        %get3A = arith.index_cast %add3A_125 : i32 to index
        %get3A_126 = tpu.vector_load %arg8[%get3A] {strides = array<i32>} : memref<768xf32, #tpu.memory_space<vmem>>, vector<16xf32>,
        %add3A_127 = arith.constant 256 : i32
        %add3A_128 = arith.addi %add3A_127, %mul3A_107 : i32
        %get3A_129 = arith.index_cast %add3A_128 : i32 to index
        %get3A_130 = tpu.vector_load %arg8[%get3A_129] {strides = array<i32>} : memref<768xf32, #tpu.memory_space<vmem>>, vector<16xf32>,
        %add3A_131 = arith.constant 512 : i32
        %add3A_132 = arith.addi %add3A_131, %mul3A_107 : i32
        %get3A_133 = arith.index_cast %add3A_132 : i32 to index
        %get3A_134 = tpu.vector_load %arg8[%get3A_133] {strides = array<i32>} : memref<768xf32, #tpu.memory_space<vmem>>, vector<16xf32>,
        %get3A_135 = arith.index_cast %mul3A_107 : i32 to index
        %get3A_136 = tpu.vector_load %arg9[%get3A_135] {strides = array<i32>} : memref<256xf32, #tpu.memory_space<vmem>>, vector<16xf32>,
        %add3A_137 = arith.constant 0 : i32
        %add3A_138 = arith.addi %select_n3A_123, %add3A_137 : i32
        %broadcast_in_dim3A_139 = vector.broadcast %add3A_138 : i32 to vector<16xi32>
        %lt3A_140 = arith.constant 0 : i32
        %lt3A_141 = vector.broadcast %lt3A_140 : i32 to vector<16xi32>
        %lt3A_142 = arith.cmpi slt, %broadcast_in_dim3A_139, %lt3A_141 : vector<16xi32>
        %add3A_143 = arith.constant 16 : i32
        %add3A_144 = vector.broadcast %add3A_143 : i32 to vector<16xi32>
        %add3A_145 = arith.addi %broadcast_in_dim3A_139, %add3A_144 : vector<16xi32>
        %select_n3A_146 = arith.select %lt3A_142, %add3A_145, %broadcast_in_dim3A_139 : vector<16xi1>, vector<16xi32>
        %broadcast_in_dim3A_147 = vector.shape_cast %select_n3A_146 : vector<16xi32> to vector<16x1xi32>
        %gather3A = vector.shape_cast %broadcast_in_dim3A_147 : vector<16x1xi32> to vector<16xi32>
        %gather3A_148 = tpu.dynamic_gather %get3A_126[%gather3A] in [0] : vector<16xf32>, vector<16xi32> -> vector<16xf32>
        %lt3A_149 = arith.constant 0 : i32
        %lt3A_150 = vector.broadcast %lt3A_149 : i32 to vector<16xi32>
        %lt3A_151 = arith.cmpi slt, %broadcast_in_dim3A_139, %lt3A_150 : vector<16xi32>
        %add3A_152 = arith.constant 16 : i32
        %add3A_153 = vector.broadcast %add3A_152 : i32 to vector<16xi32>
        %add3A_154 = arith.addi %broadcast_in_dim3A_139, %add3A_153 : vector<16xi32>
        %select_n3A_155 = arith.select %lt3A_151, %add3A_154, %broadcast_in_dim3A_139 : vector<16xi1>, vector<16xi32>
        %broadcast_in_dim3A_156 = vector.shape_cast %select_n3A_155 : vector<16xi32> to vector<16x1xi32>
        %gather3A_157 = vector.shape_cast %broadcast_in_dim3A_156 : vector<16x1xi32> to vector<16xi32>
        %gather3A_158 = tpu.dynamic_gather %get3A_130[%gather3A_157] in [0] : vector<16xf32>, vector<16xi32> -> vector<16xf32>
        %lt3A_159 = arith.constant 0 : i32
        %lt3A_160 = vector.broadcast %lt3A_159 : i32 to vector<16xi32>
        %lt3A_161 = arith.cmpi slt, %broadcast_in_dim3A_139, %lt3A_160 : vector<16xi32>
        %add3A_162 = arith.constant 16 : i32
        %add3A_163 = vector.broadcast %add3A_162 : i32 to vector<16xi32>
        %add3A_164 = arith.addi %broadcast_in_dim3A_139, %add3A_163 : vector<16xi32>
        %select_n3A_165 = arith.select %lt3A_161, %add3A_164, %broadcast_in_dim3A_139 : vector<16xi1>, vector<16xi32>
        %broadcast_in_dim3A_166 = vector.shape_cast %select_n3A_165 : vector<16xi32> to vector<16x1xi32>
        %gather3A_167 = vector.shape_cast %broadcast_in_dim3A_166 : vector<16x1xi32> to vector<16xi32>
        %gather3A_168 = tpu.dynamic_gather %get3A_134[%gather3A_167] in [0] : vector<16xf32>, vector<16xi32> -> vector<16xf32>
        %lt3A_169 = arith.constant 0 : i32
        %lt3A_170 = vector.broadcast %lt3A_169 : i32 to vector<16xi32>
        %lt3A_171 = arith.cmpi slt, %broadcast_in_dim3A_139, %lt3A_170 : vector<16xi32>
        %add3A_172 = arith.constant 16 : i32
        %add3A_173 = vector.broadcast %add3A_172 : i32 to vector<16xi32>
        %add3A_174 = arith.addi %broadcast_in_dim3A_139, %add3A_173 : vector<16xi32>
        %select_n3A_175 = arith.select %lt3A_171, %add3A_174, %broadcast_in_dim3A_139 : vector<16xi1>, vector<16xi32>
        %broadcast_in_dim3A_176 = vector.shape_cast %select_n3A_175 : vector<16xi32> to vector<16x1xi32>
        %gather3A_177 = vector.shape_cast %broadcast_in_dim3A_176 : vector<16x1xi32> to vector<16xi32>
        %gather3A_178 = tpu.dynamic_gather %get3A_136[%gather3A_177] in [0] : vector<16xf32>, vector<16xi32> -> vector<16xf32>
        %add3A_179 = arith.constant 1 : i32
        %add3A_180 = arith.addi %select_n3A_123, %add3A_179 : i32
        %broadcast_in_dim3A_181 = vector.broadcast %add3A_180 : i32 to vector<16xi32>
        %lt3A_182 = arith.constant 0 : i32
        %lt3A_183 = vector.broadcast %lt3A_182 : i32 to vector<16xi32>
        %lt3A_184 = arith.cmpi slt, %broadcast_in_dim3A_181, %lt3A_183 : vector<16xi32>
        %add3A_185 = arith.constant 16 : i32
        %add3A_186 = vector.broadcast %add3A_185 : i32 to vector<16xi32>
        %add3A_187 = arith.addi %broadcast_in_dim3A_181, %add3A_186 : vector<16xi32>
        %select_n3A_188 = arith.select %lt3A_184, %add3A_187, %broadcast_in_dim3A_181 : vector<16xi1>, vector<16xi32>
        %broadcast_in_dim3A_189 = vector.shape_cast %select_n3A_188 : vector<16xi32> to vector<16x1xi32>
        %gather3A_190 = vector.shape_cast %broadcast_in_dim3A_189 : vector<16x1xi32> to vector<16xi32>
        %gather3A_191 = tpu.dynamic_gather %get3A_126[%gather3A_190] in [0] : vector<16xf32>, vector<16xi32> -> vector<16xf32>
        %lt3A_192 = arith.constant 0 : i32
        %lt3A_193 = vector.broadcast %lt3A_192 : i32 to vector<16xi32>
        %lt3A_194 = arith.cmpi slt, %broadcast_in_dim3A_181, %lt3A_193 : vector<16xi32>
        %add3A_195 = arith.constant 16 : i32
        %add3A_196 = vector.broadcast %add3A_195 : i32 to vector<16xi32>
        %add3A_197 = arith.addi %broadcast_in_dim3A_181, %add3A_196 : vector<16xi32>
        %select_n3A_198 = arith.select %lt3A_194, %add3A_197, %broadcast_in_dim3A_181 : vector<16xi1>, vector<16xi32>
        %broadcast_in_dim3A_199 = vector.shape_cast %select_n3A_198 : vector<16xi32> to vector<16x1xi32>
        %gather3A_200 = vector.shape_cast %broadcast_in_dim3A_199 : vector<16x1xi32> to vector<16xi32>
        %gather3A_201 = tpu.dynamic_gather %get3A_130[%gather3A_200] in [0] : vector<16xf32>, vector<16xi32> -> vector<16xf32>
        %lt3A_202 = arith.constant 0 : i32
        %lt3A_203 = vector.broadcast %lt3A_202 : i32 to vector<16xi32>
        %lt3A_204 = arith.cmpi slt, %broadcast_in_dim3A_181, %lt3A_203 : vector<16xi32>
        %add3A_205 = arith.constant 16 : i32
        %add3A_206 = vector.broadcast %add3A_205 : i32 to vector<16xi32>
        %add3A_207 = arith.addi %broadcast_in_dim3A_181, %add3A_206 : vector<16xi32>
        %select_n3A_208 = arith.select %lt3A_204, %add3A_207, %broadcast_in_dim3A_181 : vector<16xi1>, vector<16xi32>
        %broadcast_in_dim3A_209 = vector.shape_cast %select_n3A_208 : vector<16xi32> to vector<16x1xi32>
        %gather3A_210 = vector.shape_cast %broadcast_in_dim3A_209 : vector<16x1xi32> to vector<16xi32>
        %gather3A_211 = tpu.dynamic_gather %get3A_134[%gather3A_210] in [0] : vector<16xf32>, vector<16xi32> -> vector<16xf32>
        %lt3A_212 = arith.constant 0 : i32
        %lt3A_213 = vector.broadcast %lt3A_212 : i32 to vector<16xi32>
        %lt3A_214 = arith.cmpi slt, %broadcast_in_dim3A_181, %lt3A_213 : vector<16xi32>
        %add3A_215 = arith.constant 16 : i32
        %add3A_216 = vector.broadcast %add3A_215 : i32 to vector<16xi32>
        %add3A_217 = arith.addi %broadcast_in_dim3A_181, %add3A_216 : vector<16xi32>
        %select_n3A_218 = arith.select %lt3A_214, %add3A_217, %broadcast_in_dim3A_181 : vector<16xi1>, vector<16xi32>
        %broadcast_in_dim3A_219 = vector.shape_cast %select_n3A_218 : vector<16xi32> to vector<16x1xi32>
        %gather3A_220 = vector.shape_cast %broadcast_in_dim3A_219 : vector<16x1xi32> to vector<16xi32>
        %gather3A_221 = tpu.dynamic_gather %get3A_136[%gather3A_220] in [0] : vector<16xf32>, vector<16xi32> -> vector<16xf32>
        %add3A_222 = arith.constant 2 : i32
        %add3A_223 = arith.addi %select_n3A_123, %add3A_222 : i32
        %broadcast_in_dim3A_224 = vector.broadcast %add3A_223 : i32 to vector<16xi32>
        %lt3A_225 = arith.constant 0 : i32
        %lt3A_226 = vector.broadcast %lt3A_225 : i32 to vector<16xi32>
        %lt3A_227 = arith.cmpi slt, %broadcast_in_dim3A_224, %lt3A_226 : vector<16xi32>
        %add3A_228 = arith.constant 16 : i32
        %add3A_229 = vector.broadcast %add3A_228 : i32 to vector<16xi32>
        %add3A_230 = arith.addi %broadcast_in_dim3A_224, %add3A_229 : vector<16xi32>
        %select_n3A_231 = arith.select %lt3A_227, %add3A_230, %broadcast_in_dim3A_224 : vector<16xi1>, vector<16xi32>
        %broadcast_in_dim3A_232 = vector.shape_cast %select_n3A_231 : vector<16xi32> to vector<16x1xi32>
        %gather3A_233 = vector.shape_cast %broadcast_in_dim3A_232 : vector<16x1xi32> to vector<16xi32>
        %gather3A_234 = tpu.dynamic_gather %get3A_126[%gather3A_233] in [0] : vector<16xf32>, vector<16xi32> -> vector<16xf32>
        %lt3A_235 = arith.constant 0 : i32
        %lt3A_236 = vector.broadcast %lt3A_235 : i32 to vector<16xi32>
        %lt3A_237 = arith.cmpi slt, %broadcast_in_dim3A_224, %lt3A_236 : vector<16xi32>
        %add3A_238 = arith.constant 16 : i32
        %add3A_239 = vector.broadcast %add3A_238 : i32 to vector<16xi32>
        %add3A_240 = arith.addi %broadcast_in_dim3A_224, %add3A_239 : vector<16xi32>
        %select_n3A_241 = arith.select %lt3A_237, %add3A_240, %broadcast_in_dim3A_224 : vector<16xi1>, vector<16xi32>
        %broadcast_in_dim3A_242 = vector.shape_cast %select_n3A_241 : vector<16xi32> to vector<16x1xi32>
        %gather3A_243 = vector.shape_cast %broadcast_in_dim3A_242 : vector<16x1xi32> to vector<16xi32>
        %gather3A_244 = tpu.dynamic_gather %get3A_130[%gather3A_243] in [0] : vector<16xf32>, vector<16xi32> -> vector<16xf32>
        %lt3A_245 = arith.constant 0 : i32
        %lt3A_246 = vector.broadcast %lt3A_245 : i32 to vector<16xi32>
        %lt3A_247 = arith.cmpi slt, %broadcast_in_dim3A_224, %lt3A_246 : vector<16xi32>
        %add3A_248 = arith.constant 16 : i32
        %add3A_249 = vector.broadcast %add3A_248 : i32 to vector<16xi32>
        %add3A_250 = arith.addi %broadcast_in_dim3A_224, %add3A_249 : vector<16xi32>
        %select_n3A_251 = arith.select %lt3A_247, %add3A_250, %broadcast_in_dim3A_224 : vector<16xi1>, vector<16xi32>
        %broadcast_in_dim3A_252 = vector.shape_cast %select_n3A_251 : vector<16xi32> to vector<16x1xi32>
        %gather3A_253 = vector.shape_cast %broadcast_in_dim3A_252 : vector<16x1xi32> to vector<16xi32>
        %gather3A_254 = tpu.dynamic_gather %get3A_134[%gather3A_253] in [0] : vector<16xf32>, vector<16xi32> -> vector<16xf32>
        %lt3A_255 = arith.constant 0 : i32
        %lt3A_256 = vector.broadcast %lt3A_255 : i32 to vector<16xi32>
        %lt3A_257 = arith.cmpi slt, %broadcast_in_dim3A_224, %lt3A_256 : vector<16xi32>
        %add3A_258 = arith.constant 16 : i32
        %add3A_259 = vector.broadcast %add3A_258 : i32 to vector<16xi32>
        %add3A_260 = arith.addi %broadcast_in_dim3A_224, %add3A_259 : vector<16xi32>
        %select_n3A_261 = arith.select %lt3A_257, %add3A_260, %broadcast_in_dim3A_224 : vector<16xi1>, vector<16xi32>
        %broadcast_in_dim3A_262 = vector.shape_cast %select_n3A_261 : vector<16xi32> to vector<16x1xi32>
        %gather3A_263 = vector.shape_cast %broadcast_in_dim3A_262 : vector<16x1xi32> to vector<16xi32>
        %gather3A_264 = tpu.dynamic_gather %get3A_136[%gather3A_263] in [0] : vector<16xf32>, vector<16xi32> -> vector<16xf32>
        %add3A_265 = arith.constant 3 : i32
        %add3A_266 = arith.addi %select_n3A_123, %add3A_265 : i32
        %broadcast_in_dim3A_267 = vector.broadcast %add3A_266 : i32 to vector<16xi32>
        %lt3A_268 = arith.constant 0 : i32
        %lt3A_269 = vector.broadcast %lt3A_268 : i32 to vector<16xi32>
        %lt3A_270 = arith.cmpi slt, %broadcast_in_dim3A_267, %lt3A_269 : vector<16xi32>
        %add3A_271 = arith.constant 16 : i32
        %add3A_272 = vector.broadcast %add3A_271 : i32 to vector<16xi32>
        %add3A_273 = arith.addi %broadcast_in_dim3A_267, %add3A_272 : vector<16xi32>
        %select_n3A_274 = arith.select %lt3A_270, %add3A_273, %broadcast_in_dim3A_267 : vector<16xi1>, vector<16xi32>
        %broadcast_in_dim3A_275 = vector.shape_cast %select_n3A_274 : vector<16xi32> to vector<16x1xi32>
        %gather3A_276 = vector.shape_cast %broadcast_in_dim3A_275 : vector<16x1xi32> to vector<16xi32>
        %gather3A_277 = tpu.dynamic_gather %get3A_126[%gather3A_276] in [0] : vector<16xf32>, vector<16xi32> -> vector<16xf32>
        %lt3A_278 = arith.constant 0 : i32
        %lt3A_279 = vector.broadcast %lt3A_278 : i32 to vector<16xi32>
        %lt3A_280 = arith.cmpi slt, %broadcast_in_dim3A_267, %lt3A_279 : vector<16xi32>
        %add3A_281 = arith.constant 16 : i32
        %add3A_282 = vector.broadcast %add3A_281 : i32 to vector<16xi32>
        %add3A_283 = arith.addi %broadcast_in_dim3A_267, %add3A_282 : vector<16xi32>
        %select_n3A_284 = arith.select %lt3A_280, %add3A_283, %broadcast_in_dim3A_267 : vector<16xi1>, vector<16xi32>
        %broadcast_in_dim3A_285 = vector.shape_cast %select_n3A_284 : vector<16xi32> to vector<16x1xi32>
        %gather3A_286 = vector.shape_cast %broadcast_in_dim3A_285 : vector<16x1xi32> to vector<16xi32>
        %gather3A_287 = tpu.dynamic_gather %get3A_130[%gather3A_286] in [0] : vector<16xf32>, vector<16xi32> -> vector<16xf32>
        %lt3A_288 = arith.constant 0 : i32
        %lt3A_289 = vector.broadcast %lt3A_288 : i32 to vector<16xi32>
        %lt3A_290 = arith.cmpi slt, %broadcast_in_dim3A_267, %lt3A_289 : vector<16xi32>
        %add3A_291 = arith.constant 16 : i32
        %add3A_292 = vector.broadcast %add3A_291 : i32 to vector<16xi32>
        %add3A_293 = arith.addi %broadcast_in_dim3A_267, %add3A_292 : vector<16xi32>
        %select_n3A_294 = arith.select %lt3A_290, %add3A_293, %broadcast_in_dim3A_267 : vector<16xi1>, vector<16xi32>
        %broadcast_in_dim3A_295 = vector.shape_cast %select_n3A_294 : vector<16xi32> to vector<16x1xi32>
        %gather3A_296 = vector.shape_cast %broadcast_in_dim3A_295 : vector<16x1xi32> to vector<16xi32>
        %gather3A_297 = tpu.dynamic_gather %get3A_134[%gather3A_296] in [0] : vector<16xf32>, vector<16xi32> -> vector<16xf32>
        %lt3A_298 = arith.constant 0 : i32
        %lt3A_299 = vector.broadcast %lt3A_298 : i32 to vector<16xi32>
        %lt3A_300 = arith.cmpi slt, %broadcast_in_dim3A_267, %lt3A_299 : vector<16xi32>
        %add3A_301 = arith.constant 16 : i32
        %add3A_302 = vector.broadcast %add3A_301 : i32 to vector<16xi32>
        %add3A_303 = arith.addi %broadcast_in_dim3A_267, %add3A_302 : vector<16xi32>
        %select_n3A_304 = arith.select %lt3A_300, %add3A_303, %broadcast_in_dim3A_267 : vector<16xi1>, vector<16xi32>
        %broadcast_in_dim3A_305 = vector.shape_cast %select_n3A_304 : vector<16xi32> to vector<16x1xi32>
        %gather3A_306 = vector.shape_cast %broadcast_in_dim3A_305 : vector<16x1xi32> to vector<16xi32>
        %gather3A_307 = tpu.dynamic_gather %get3A_136[%gather3A_306] in [0] : vector<16xf32>, vector<16xi32> -> vector<16xf32>
        %add3A_308 = arith.constant 4 : i32
        %add3A_309 = arith.addi %select_n3A_123, %add3A_308 : i32
        %broadcast_in_dim3A_310 = vector.broadcast %add3A_309 : i32 to vector<16xi32>
        %lt3A_311 = arith.constant 0 : i32
        %lt3A_312 = vector.broadcast %lt3A_311 : i32 to vector<16xi32>
        %lt3A_313 = arith.cmpi slt, %broadcast_in_dim3A_310, %lt3A_312 : vector<16xi32>
        %add3A_314 = arith.constant 16 : i32
        %add3A_315 = vector.broadcast %add3A_314 : i32 to vector<16xi32>
        %add3A_316 = arith.addi %broadcast_in_dim3A_310, %add3A_315 : vector<16xi32>
        %select_n3A_317 = arith.select %lt3A_313, %add3A_316, %broadcast_in_dim3A_310 : vector<16xi1>, vector<16xi32>
        %broadcast_in_dim3A_318 = vector.shape_cast %select_n3A_317 : vector<16xi32> to vector<16x1xi32>
        %gather3A_319 = vector.shape_cast %broadcast_in_dim3A_318 : vector<16x1xi32> to vector<16xi32>
        %gather3A_320 = tpu.dynamic_gather %get3A_126[%gather3A_319] in [0] : vector<16xf32>, vector<16xi32> -> vector<16xf32>
        %lt3A_321 = arith.constant 0 : i32
        %lt3A_322 = vector.broadcast %lt3A_321 : i32 to vector<16xi32>
        %lt3A_323 = arith.cmpi slt, %broadcast_in_dim3A_310, %lt3A_322 : vector<16xi32>
        %add3A_324 = arith.constant 16 : i32
        %add3A_325 = vector.broadcast %add3A_324 : i32 to vector<16xi32>
        %add3A_326 = arith.addi %broadcast_in_dim3A_310, %add3A_325 : vector<16xi32>
        %select_n3A_327 = arith.select %lt3A_323, %add3A_326, %broadcast_in_dim3A_310 : vector<16xi1>, vector<16xi32>
        %broadcast_in_dim3A_328 = vector.shape_cast %select_n3A_327 : vector<16xi32> to vector<16x1xi32>
        %gather3A_329 = vector.shape_cast %broadcast_in_dim3A_328 : vector<16x1xi32> to vector<16xi32>
        %gather3A_330 = tpu.dynamic_gather %get3A_130[%gather3A_329] in [0] : vector<16xf32>, vector<16xi32> -> vector<16xf32>
        %lt3A_331 = arith.constant 0 : i32
        %lt3A_332 = vector.broadcast %lt3A_331 : i32 to vector<16xi32>
        %lt3A_333 = arith.cmpi slt, %broadcast_in_dim3A_310, %lt3A_332 : vector<16xi32>
        %add3A_334 = arith.constant 16 : i32
        %add3A_335 = vector.broadcast %add3A_334 : i32 to vector<16xi32>
        %add3A_336 = arith.addi %broadcast_in_dim3A_310, %add3A_335 : vector<16xi32>
        %select_n3A_337 = arith.select %lt3A_333, %add3A_336, %broadcast_in_dim3A_310 : vector<16xi1>, vector<16xi32>
        %broadcast_in_dim3A_338 = vector.shape_cast %select_n3A_337 : vector<16xi32> to vector<16x1xi32>
        %gather3A_339 = vector.shape_cast %broadcast_in_dim3A_338 : vector<16x1xi32> to vector<16xi32>
        %gather3A_340 = tpu.dynamic_gather %get3A_134[%gather3A_339] in [0] : vector<16xf32>, vector<16xi32> -> vector<16xf32>
        %lt3A_341 = arith.constant 0 : i32
        %lt3A_342 = vector.broadcast %lt3A_341 : i32 to vector<16xi32>
        %lt3A_343 = arith.cmpi slt, %broadcast_in_dim3A_310, %lt3A_342 : vector<16xi32>
        %add3A_344 = arith.constant 16 : i32
        %add3A_345 = vector.broadcast %add3A_344 : i32 to vector<16xi32>
        %add3A_346 = arith.addi %broadcast_in_dim3A_310, %add3A_345 : vector<16xi32>
        %select_n3A_347 = arith.select %lt3A_343, %add3A_346, %broadcast_in_dim3A_310 : vector<16xi1>, vector<16xi32>
        %broadcast_in_dim3A_348 = vector.shape_cast %select_n3A_347 : vector<16xi32> to vector<16x1xi32>
        %gather3A_349 = vector.shape_cast %broadcast_in_dim3A_348 : vector<16x1xi32> to vector<16xi32>
        %gather3A_350 = tpu.dynamic_gather %get3A_136[%gather3A_349] in [0] : vector<16xf32>, vector<16xi32> -> vector<16xf32>
        %add3A_351 = arith.constant 5 : i32
        %add3A_352 = arith.addi %select_n3A_123, %add3A_351 : i32
        %broadcast_in_dim3A_353 = vector.broadcast %add3A_352 : i32 to vector<16xi32>
        %lt3A_354 = arith.constant 0 : i32
        %lt3A_355 = vector.broadcast %lt3A_354 : i32 to vector<16xi32>
        %lt3A_356 = arith.cmpi slt, %broadcast_in_dim3A_353, %lt3A_355 : vector<16xi32>
        %add3A_357 = arith.constant 16 : i32
        %add3A_358 = vector.broadcast %add3A_357 : i32 to vector<16xi32>
        %add3A_359 = arith.addi %broadcast_in_dim3A_353, %add3A_358 : vector<16xi32>
        %select_n3A_360 = arith.select %lt3A_356, %add3A_359, %broadcast_in_dim3A_353 : vector<16xi1>, vector<16xi32>
        %broadcast_in_dim3A_361 = vector.shape_cast %select_n3A_360 : vector<16xi32> to vector<16x1xi32>
        %gather3A_362 = vector.shape_cast %broadcast_in_dim3A_361 : vector<16x1xi32> to vector<16xi32>
        %gather3A_363 = tpu.dynamic_gather %get3A_126[%gather3A_362] in [0] : vector<16xf32>, vector<16xi32> -> vector<16xf32>
        %lt3A_364 = arith.constant 0 : i32
        %lt3A_365 = vector.broadcast %lt3A_364 : i32 to vector<16xi32>
        %lt3A_366 = arith.cmpi slt, %broadcast_in_dim3A_353, %lt3A_365 : vector<16xi32>
        %add3A_367 = arith.constant 16 : i32
        %add3A_368 = vector.broadcast %add3A_367 : i32 to vector<16xi32>
        %add3A_369 = arith.addi %broadcast_in_dim3A_353, %add3A_368 : vector<16xi32>
        %select_n3A_370 = arith.select %lt3A_366, %add3A_369, %broadcast_in_dim3A_353 : vector<16xi1>, vector<16xi32>
        %broadcast_in_dim3A_371 = vector.shape_cast %select_n3A_370 : vector<16xi32> to vector<16x1xi32>
        %gather3A_372 = vector.shape_cast %broadcast_in_dim3A_371 : vector<16x1xi32> to vector<16xi32>
        %gather3A_373 = tpu.dynamic_gather %get3A_130[%gather3A_372] in [0] : vector<16xf32>, vector<16xi32> -> vector<16xf32>
        %lt3A_374 = arith.constant 0 : i32
        %lt3A_375 = vector.broadcast %lt3A_374 : i32 to vector<16xi32>
        %lt3A_376 = arith.cmpi slt, %broadcast_in_dim3A_353, %lt3A_375 : vector<16xi32>
        %add3A_377 = arith.constant 16 : i32
        %add3A_378 = vector.broadcast %add3A_377 : i32 to vector<16xi32>
        %add3A_379 = arith.addi %broadcast_in_dim3A_353, %add3A_378 : vector<16xi32>
        %select_n3A_380 = arith.select %lt3A_376, %add3A_379, %broadcast_in_dim3A_353 : vector<16xi1>, vector<16xi32>
        %broadcast_in_dim3A_381 = vector.shape_cast %select_n3A_380 : vector<16xi32> to vector<16x1xi32>
        %gather3A_382 = vector.shape_cast %broadcast_in_dim3A_381 : vector<16x1xi32> to vector<16xi32>
        %gather3A_383 = tpu.dynamic_gather %get3A_134[%gather3A_382] in [0] : vector<16xf32>, vector<16xi32> -> vector<16xf32>
        %lt3A_384 = arith.constant 0 : i32
        %lt3A_385 = vector.broadcast %lt3A_384 : i32 to vector<16xi32>
        %lt3A_386 = arith.cmpi slt, %broadcast_in_dim3A_353, %lt3A_385 : vector<16xi32>
        %add3A_387 = arith.constant 16 : i32
        %add3A_388 = vector.broadcast %add3A_387 : i32 to vector<16xi32>
        %add3A_389 = arith.addi %broadcast_in_dim3A_353, %add3A_388 : vector<16xi32>
        %select_n3A_390 = arith.select %lt3A_386, %add3A_389, %broadcast_in_dim3A_353 : vector<16xi1>, vector<16xi32>
        %broadcast_in_dim3A_391 = vector.shape_cast %select_n3A_390 : vector<16xi32> to vector<16x1xi32>
        %gather3A_392 = vector.shape_cast %broadcast_in_dim3A_391 : vector<16x1xi32> to vector<16xi32>
        %gather3A_393 = tpu.dynamic_gather %get3A_136[%gather3A_392] in [0] : vector<16xf32>, vector<16xi32> -> vector<16xf32>
        %add3A_394 = arith.constant 6 : i32
        %add3A_395 = arith.addi %select_n3A_123, %add3A_394 : i32
        %broadcast_in_dim3A_396 = vector.broadcast %add3A_395 : i32 to vector<16xi32>
        %lt3A_397 = arith.constant 0 : i32
        %lt3A_398 = vector.broadcast %lt3A_397 : i32 to vector<16xi32>
        %lt3A_399 = arith.cmpi slt, %broadcast_in_dim3A_396, %lt3A_398 : vector<16xi32>
        %add3A_400 = arith.constant 16 : i32
        %add3A_401 = vector.broadcast %add3A_400 : i32 to vector<16xi32>
        %add3A_402 = arith.addi %broadcast_in_dim3A_396, %add3A_401 : vector<16xi32>
        %select_n3A_403 = arith.select %lt3A_399, %add3A_402, %broadcast_in_dim3A_396 : vector<16xi1>, vector<16xi32>
        %broadcast_in_dim3A_404 = vector.shape_cast %select_n3A_403 : vector<16xi32> to vector<16x1xi32>
        %gather3A_405 = vector.shape_cast %broadcast_in_dim3A_404 : vector<16x1xi32> to vector<16xi32>
        %gather3A_406 = tpu.dynamic_gather %get3A_126[%gather3A_405] in [0] : vector<16xf32>, vector<16xi32> -> vector<16xf32>
        %lt3A_407 = arith.constant 0 : i32
        %lt3A_408 = vector.broadcast %lt3A_407 : i32 to vector<16xi32>
        %lt3A_409 = arith.cmpi slt, %broadcast_in_dim3A_396, %lt3A_408 : vector<16xi32>
        %add3A_410 = arith.constant 16 : i32
        %add3A_411 = vector.broadcast %add3A_410 : i32 to vector<16xi32>
        %add3A_412 = arith.addi %broadcast_in_dim3A_396, %add3A_411 : vector<16xi32>
        %select_n3A_413 = arith.select %lt3A_409, %add3A_412, %broadcast_in_dim3A_396 : vector<16xi1>, vector<16xi32>
        %broadcast_in_dim3A_414 = vector.shape_cast %select_n3A_413 : vector<16xi32> to vector<16x1xi32>
        %gather3A_415 = vector.shape_cast %broadcast_in_dim3A_414 : vector<16x1xi32> to vector<16xi32>
        %gather3A_416 = tpu.dynamic_gather %get3A_130[%gather3A_415] in [0] : vector<16xf32>, vector<16xi32> -> vector<16xf32>
        %lt3A_417 = arith.constant 0 : i32
        %lt3A_418 = vector.broadcast %lt3A_417 : i32 to vector<16xi32>
        %lt3A_419 = arith.cmpi slt, %broadcast_in_dim3A_396, %lt3A_418 : vector<16xi32>
        %add3A_420 = arith.constant 16 : i32
        %add3A_421 = vector.broadcast %add3A_420 : i32 to vector<16xi32>
        %add3A_422 = arith.addi %broadcast_in_dim3A_396, %add3A_421 : vector<16xi32>
        %select_n3A_423 = arith.select %lt3A_419, %add3A_422, %broadcast_in_dim3A_396 : vector<16xi1>, vector<16xi32>
        %broadcast_in_dim3A_424 = vector.shape_cast %select_n3A_423 : vector<16xi32> to vector<16x1xi32>
        %gather3A_425 = vector.shape_cast %broadcast_in_dim3A_424 : vector<16x1xi32> to vector<16xi32>
        %gather3A_426 = tpu.dynamic_gather %get3A_134[%gather3A_425] in [0] : vector<16xf32>, vector<16xi32> -> vector<16xf32>
        %lt3A_427 = arith.constant 0 : i32
        %lt3A_428 = vector.broadcast %lt3A_427 : i32 to vector<16xi32>
        %lt3A_429 = arith.cmpi slt, %broadcast_in_dim3A_396, %lt3A_428 : vector<16xi32>
        %add3A_430 = arith.constant 16 : i32
        %add3A_431 = vector.broadcast %add3A_430 : i32 to vector<16xi32>
        %add3A_432 = arith.addi %broadcast_in_dim3A_396, %add3A_431 : vector<16xi32>
        %select_n3A_433 = arith.select %lt3A_429, %add3A_432, %broadcast_in_dim3A_396 : vector<16xi1>, vector<16xi32>
        %broadcast_in_dim3A_434 = vector.shape_cast %select_n3A_433 : vector<16xi32> to vector<16x1xi32>
        %gather3A_435 = vector.shape_cast %broadcast_in_dim3A_434 : vector<16x1xi32> to vector<16xi32>
        %gather3A_436 = tpu.dynamic_gather %get3A_136[%gather3A_435] in [0] : vector<16xf32>, vector<16xi32> -> vector<16xf32>
        %add3A_437 = arith.constant 7 : i32
        %add3A_438 = arith.addi %select_n3A_123, %add3A_437 : i32
        %broadcast_in_dim3A_439 = vector.broadcast %add3A_438 : i32 to vector<16xi32>
        %lt3A_440 = arith.constant 0 : i32
        %lt3A_441 = vector.broadcast %lt3A_440 : i32 to vector<16xi32>
        %lt3A_442 = arith.cmpi slt, %broadcast_in_dim3A_439, %lt3A_441 : vector<16xi32>
        %add3A_443 = arith.constant 16 : i32
        %add3A_444 = vector.broadcast %add3A_443 : i32 to vector<16xi32>
        %add3A_445 = arith.addi %broadcast_in_dim3A_439, %add3A_444 : vector<16xi32>
        %select_n3A_446 = arith.select %lt3A_442, %add3A_445, %broadcast_in_dim3A_439 : vector<16xi1>, vector<16xi32>
        %broadcast_in_dim3A_447 = vector.shape_cast %select_n3A_446 : vector<16xi32> to vector<16x1xi32>
        %gather3A_448 = vector.shape_cast %broadcast_in_dim3A_447 : vector<16x1xi32> to vector<16xi32>
        %gather3A_449 = tpu.dynamic_gather %get3A_126[%gather3A_448] in [0] : vector<16xf32>, vector<16xi32> -> vector<16xf32>
        %lt3A_450 = arith.constant 0 : i32
        %lt3A_451 = vector.broadcast %lt3A_450 : i32 to vector<16xi32>
        %lt3A_452 = arith.cmpi slt, %broadcast_in_dim3A_439, %lt3A_451 : vector<16xi32>
        %add3A_453 = arith.constant 16 : i32
        %add3A_454 = vector.broadcast %add3A_453 : i32 to vector<16xi32>
        %add3A_455 = arith.addi %broadcast_in_dim3A_439, %add3A_454 : vector<16xi32>
        %select_n3A_456 = arith.select %lt3A_452, %add3A_455, %broadcast_in_dim3A_439 : vector<16xi1>, vector<16xi32>
        %broadcast_in_dim3A_457 = vector.shape_cast %select_n3A_456 : vector<16xi32> to vector<16x1xi32>
        %gather3A_458 = vector.shape_cast %broadcast_in_dim3A_457 : vector<16x1xi32> to vector<16xi32>
        %gather3A_459 = tpu.dynamic_gather %get3A_130[%gather3A_458] in [0] : vector<16xf32>, vector<16xi32> -> vector<16xf32>
        %lt3A_460 = arith.constant 0 : i32
        %lt3A_461 = vector.broadcast %lt3A_460 : i32 to vector<16xi32>
        %lt3A_462 = arith.cmpi slt, %broadcast_in_dim3A_439, %lt3A_461 : vector<16xi32>
        %add3A_463 = arith.constant 16 : i32
        %add3A_464 = vector.broadcast %add3A_463 : i32 to vector<16xi32>
        %add3A_465 = arith.addi %broadcast_in_dim3A_439, %add3A_464 : vector<16xi32>
        %select_n3A_466 = arith.select %lt3A_462, %add3A_465, %broadcast_in_dim3A_439 : vector<16xi1>, vector<16xi32>
        %broadcast_in_dim3A_467 = vector.shape_cast %select_n3A_466 : vector<16xi32> to vector<16x1xi32>
        %gather3A_468 = vector.shape_cast %broadcast_in_dim3A_467 : vector<16x1xi32> to vector<16xi32>
        %gather3A_469 = tpu.dynamic_gather %get3A_134[%gather3A_468] in [0] : vector<16xf32>, vector<16xi32> -> vector<16xf32>
        %lt3A_470 = arith.constant 0 : i32
        %lt3A_471 = vector.broadcast %lt3A_470 : i32 to vector<16xi32>
        %lt3A_472 = arith.cmpi slt, %broadcast_in_dim3A_439, %lt3A_471 : vector<16xi32>
        %add3A_473 = arith.constant 16 : i32
        %add3A_474 = vector.broadcast %add3A_473 : i32 to vector<16xi32>
        %add3A_475 = arith.addi %broadcast_in_dim3A_439, %add3A_474 : vector<16xi32>
        %select_n3A_476 = arith.select %lt3A_472, %add3A_475, %broadcast_in_dim3A_439 : vector<16xi1>, vector<16xi32>
        %broadcast_in_dim3A_477 = vector.shape_cast %select_n3A_476 : vector<16xi32> to vector<16x1xi32>
        %gather3A_478 = vector.shape_cast %broadcast_in_dim3A_477 : vector<16x1xi32> to vector<16xi32>
        %gather3A_479 = tpu.dynamic_gather %get3A_136[%gather3A_478] in [0] : vector<16xf32>, vector<16xi32> -> vector<16xf32>
        %scan3A_480 = arith.constant 0 : i32
        %scan3A_481 = arith.constant 0 : i32
        %scan3A_482 = arith.constant 512 : i32
        %scan3A_483 = arith.addi %scan3A_481, %scan3A_482 : i32
        %scan3A_484 = arith.constant 1 : i32
        %scan3A_485 = scf.for %scan3A_1142 = %scan3A_481 to %scan3A_483 step %scan3A_484 iter_args(%scan3A_1143 = %scan3A_480) -> (i32)  : i32 {
          %mul3A_1144 = arith.constant 16 : i32
          %mul3A_1145 = arith.muli %scan3A_1142, %mul3A_1144 : i32
          %add3A_1146 = arith.constant 0 : i32
          %add3A_1147 = arith.addi %add3A_1146, %mul3A_1145 : i32
          %get3A_1148 = arith.index_cast %add3A_1147 : i32 to index
          %get3A_1149 = tpu.vector_load %arg6[%get3A_1148] {strides = array<i32>} : memref<24576xf32, #tpu.memory_space<vmem>>, vector<16xf32>,
          %add3A_1150 = arith.constant 8192 : i32
          %add3A_1151 = arith.addi %add3A_1150, %mul3A_1145 : i32
          %get3A_1152 = arith.index_cast %add3A_1151 : i32 to index
          %get3A_1153 = tpu.vector_load %arg6[%get3A_1152] {strides = array<i32>} : memref<24576xf32, #tpu.memory_space<vmem>>, vector<16xf32>,
          %add3A_1154 = arith.constant 16384 : i32
          %add3A_1155 = arith.addi %add3A_1154, %mul3A_1145 : i32
          %get3A_1156 = arith.index_cast %add3A_1155 : i32 to index
          %get3A_1157 = tpu.vector_load %arg6[%get3A_1156] {strides = array<i32>} : memref<24576xf32, #tpu.memory_space<vmem>>, vector<16xf32>,
          %get3A_1158 = arith.index_cast %mul3A_1145 : i32 to index
          %get3A_1159 = tpu.vector_load %arg7[%get3A_1158] {strides = array<i32>} : memref<8192xf32, #tpu.memory_space<vmem>>, vector<16xf32>,
          %mul3A_1160 = arith.mulf %get3A_1149, %gather3A_148 : vector<16xf32>
          %mul3A_1161 = arith.mulf %get3A_1153, %gather3A_158 : vector<16xf32>
          %add3A_1162 = arith.addf %mul3A_1160, %mul3A_1161 : vector<16xf32>
          %mul3A_1163 = arith.mulf %get3A_1157, %gather3A_168 : vector<16xf32>
          %add3A_1164 = arith.addf %add3A_1162, %mul3A_1163 : vector<16xf32>
          %add3A_1165 = arith.addf %get3A_1159, %add3A_1164 : vector<16xf32>
          %broadcast_in_dim3A_1166 = arith.constant true
          %broadcast_in_dim3A_1167 = vector.broadcast %broadcast_in_dim3A_1166 : i1 to vector<16xi1>
          %masked_cummax3A = tpu.scan <max>, %add3A_1165 masked %broadcast_in_dim3A_1167 : vector<16xf32>, vector<16xi1> -> vector<16xf32>
          %add3A_1168 = arith.constant 0 : i32
          %add3A_1169 = arith.addi %add3A_1168, %scan3A_1142 : i32
          %swap3A_1170 = arith.index_cast %add3A_1169 : i32 to index
          %swap3A_1171 = tpu.vector_load %arg10[%swap3A_1170] masked %eq3A_50 {strides = array<i32>} : memref<4112xf32, #tpu.memory_space<vmem>>, vector<16xf32>, vector<16xi1>
          tpu.vector_store %arg10[%swap3A_1170], %masked_cummax3A masked %eq3A_50 {strides = array<i32>} : memref<4112xf32, #tpu.memory_space<vmem>>, vector<16xf32>, vector<16xi1>
          %mul3A_1172 = arith.mulf %get3A_1149, %gather3A_191 : vector<16xf32>
          %mul3A_1173 = arith.mulf %get3A_1153, %gather3A_201 : vector<16xf32>
          %add3A_1174 = arith.addf %mul3A_1172, %mul3A_1173 : vector<16xf32>
          %mul3A_1175 = arith.mulf %get3A_1157, %gather3A_211 : vector<16xf32>
          %add3A_1176 = arith.addf %add3A_1174, %mul3A_1175 : vector<16xf32>
          %add3A_1177 = arith.addf %get3A_1159, %add3A_1176 : vector<16xf32>
          %broadcast_in_dim3A_1178 = arith.constant true
          %broadcast_in_dim3A_1179 = vector.broadcast %broadcast_in_dim3A_1178 : i1 to vector<16xi1>
          %masked_cummax3A_1180 = tpu.scan <max>, %add3A_1177 masked %broadcast_in_dim3A_1179 : vector<16xf32>, vector<16xi1> -> vector<16xf32>
          %add3A_1181 = arith.constant 512 : i32
          %add3A_1182 = arith.addi %add3A_1181, %scan3A_1142 : i32
          %swap3A_1183 = arith.index_cast %add3A_1182 : i32 to index
          %swap3A_1184 = tpu.vector_load %arg10[%swap3A_1183] masked %eq3A_50 {strides = array<i32>} : memref<4112xf32, #tpu.memory_space<vmem>>, vector<16xf32>, vector<16xi1>
          tpu.vector_store %arg10[%swap3A_1183], %masked_cummax3A_1180 masked %eq3A_50 {strides = array<i32>} : memref<4112xf32, #tpu.memory_space<vmem>>, vector<16xf32>, vector<16xi1>
          %mul3A_1185 = arith.mulf %get3A_1149, %gather3A_234 : vector<16xf32>
          %mul3A_1186 = arith.mulf %get3A_1153, %gather3A_244 : vector<16xf32>
          %add3A_1187 = arith.addf %mul3A_1185, %mul3A_1186 : vector<16xf32>
          %mul3A_1188 = arith.mulf %get3A_1157, %gather3A_254 : vector<16xf32>
          %add3A_1189 = arith.addf %add3A_1187, %mul3A_1188 : vector<16xf32>
          %add3A_1190 = arith.addf %get3A_1159, %add3A_1189 : vector<16xf32>
          %broadcast_in_dim3A_1191 = arith.constant true
          %broadcast_in_dim3A_1192 = vector.broadcast %broadcast_in_dim3A_1191 : i1 to vector<16xi1>
          %masked_cummax3A_1193 = tpu.scan <max>, %add3A_1190 masked %broadcast_in_dim3A_1192 : vector<16xf32>, vector<16xi1> -> vector<16xf32>
          %add3A_1194 = arith.constant 1024 : i32
          %add3A_1195 = arith.addi %add3A_1194, %scan3A_1142 : i32
          %swap3A_1196 = arith.index_cast %add3A_1195 : i32 to index
          %swap3A_1197 = tpu.vector_load %arg10[%swap3A_1196] masked %eq3A_50 {strides = array<i32>} : memref<4112xf32, #tpu.memory_space<vmem>>, vector<16xf32>, vector<16xi1>
          tpu.vector_store %arg10[%swap3A_1196], %masked_cummax3A_1193 masked %eq3A_50 {strides = array<i32>} : memref<4112xf32, #tpu.memory_space<vmem>>, vector<16xf32>, vector<16xi1>
          %mul3A_1198 = arith.mulf %get3A_1149, %gather3A_277 : vector<16xf32>
          %mul3A_1199 = arith.mulf %get3A_1153, %gather3A_287 : vector<16xf32>
          %add3A_1200 = arith.addf %mul3A_1198, %mul3A_1199 : vector<16xf32>
          %mul3A_1201 = arith.mulf %get3A_1157, %gather3A_297 : vector<16xf32>
          %add3A_1202 = arith.addf %add3A_1200, %mul3A_1201 : vector<16xf32>
          %add3A_1203 = arith.addf %get3A_1159, %add3A_1202 : vector<16xf32>
          %broadcast_in_dim3A_1204 = arith.constant true
          %broadcast_in_dim3A_1205 = vector.broadcast %broadcast_in_dim3A_1204 : i1 to vector<16xi1>
          %masked_cummax3A_1206 = tpu.scan <max>, %add3A_1203 masked %broadcast_in_dim3A_1205 : vector<16xf32>, vector<16xi1> -> vector<16xf32>
          %add3A_1207 = arith.constant 1536 : i32
          %add3A_1208 = arith.addi %add3A_1207, %scan3A_1142 : i32
          %swap3A_1209 = arith.index_cast %add3A_1208 : i32 to index
          %swap3A_1210 = tpu.vector_load %arg10[%swap3A_1209] masked %eq3A_50 {strides = array<i32>} : memref<4112xf32, #tpu.memory_space<vmem>>, vector<16xf32>, vector<16xi1>
          tpu.vector_store %arg10[%swap3A_1209], %masked_cummax3A_1206 masked %eq3A_50 {strides = array<i32>} : memref<4112xf32, #tpu.memory_space<vmem>>, vector<16xf32>, vector<16xi1>
          %mul3A_1211 = arith.mulf %get3A_1149, %gather3A_320 : vector<16xf32>
          %mul3A_1212 = arith.mulf %get3A_1153, %gather3A_330 : vector<16xf32>
          %add3A_1213 = arith.addf %mul3A_1211, %mul3A_1212 : vector<16xf32>
          %mul3A_1214 = arith.mulf %get3A_1157, %gather3A_340 : vector<16xf32>
          %add3A_1215 = arith.addf %add3A_1213, %mul3A_1214 : vector<16xf32>
          %add3A_1216 = arith.addf %get3A_1159, %add3A_1215 : vector<16xf32>
          %broadcast_in_dim3A_1217 = arith.constant true
          %broadcast_in_dim3A_1218 = vector.broadcast %broadcast_in_dim3A_1217 : i1 to vector<16xi1>
          %masked_cummax3A_1219 = tpu.scan <max>, %add3A_1216 masked %broadcast_in_dim3A_1218 : vector<16xf32>, vector<16xi1> -> vector<16xf32>
          %add3A_1220 = arith.constant 2048 : i32
          %add3A_1221 = arith.addi %add3A_1220, %scan3A_1142 : i32
          %swap3A_1222 = arith.index_cast %add3A_1221 : i32 to index
          %swap3A_1223 = tpu.vector_load %arg10[%swap3A_1222] masked %eq3A_50 {strides = array<i32>} : memref<4112xf32, #tpu.memory_space<vmem>>, vector<16xf32>, vector<16xi1>
          tpu.vector_store %arg10[%swap3A_1222], %masked_cummax3A_1219 masked %eq3A_50 {strides = array<i32>} : memref<4112xf32, #tpu.memory_space<vmem>>, vector<16xf32>, vector<16xi1>
          %mul3A_1224 = arith.mulf %get3A_1149, %gather3A_363 : vector<16xf32>
          %mul3A_1225 = arith.mulf %get3A_1153, %gather3A_373 : vector<16xf32>
          %add3A_1226 = arith.addf %mul3A_1224, %mul3A_1225 : vector<16xf32>
          %mul3A_1227 = arith.mulf %get3A_1157, %gather3A_383 : vector<16xf32>
          %add3A_1228 = arith.addf %add3A_1226, %mul3A_1227 : vector<16xf32>
          %add3A_1229 = arith.addf %get3A_1159, %add3A_1228 : vector<16xf32>
          %broadcast_in_dim3A_1230 = arith.constant true
          %broadcast_in_dim3A_1231 = vector.broadcast %broadcast_in_dim3A_1230 : i1 to vector<16xi1>
          %masked_cummax3A_1232 = tpu.scan <max>, %add3A_1229 masked %broadcast_in_dim3A_1231 : vector<16xf32>, vector<16xi1> -> vector<16xf32>
          %add3A_1233 = arith.constant 2560 : i32
          %add3A_1234 = arith.addi %add3A_1233, %scan3A_1142 : i32
          %swap3A_1235 = arith.index_cast %add3A_1234 : i32 to index
          %swap3A_1236 = tpu.vector_load %arg10[%swap3A_1235] masked %eq3A_50 {strides = array<i32>} : memref<4112xf32, #tpu.memory_space<vmem>>, vector<16xf32>, vector<16xi1>
          tpu.vector_store %arg10[%swap3A_1235], %masked_cummax3A_1232 masked %eq3A_50 {strides = array<i32>} : memref<4112xf32, #tpu.memory_space<vmem>>, vector<16xf32>, vector<16xi1>
          %mul3A_1237 = arith.mulf %get3A_1149, %gather3A_406 : vector<16xf32>
          %mul3A_1238 = arith.mulf %get3A_1153, %gather3A_416 : vector<16xf32>
          %add3A_1239 = arith.addf %mul3A_1237, %mul3A_1238 : vector<16xf32>
          %mul3A_1240 = arith.mulf %get3A_1157, %gather3A_426 : vector<16xf32>
          %add3A_1241 = arith.addf %add3A_1239, %mul3A_1240 : vector<16xf32>
          %add3A_1242 = arith.addf %get3A_1159, %add3A_1241 : vector<16xf32>
          %broadcast_in_dim3A_1243 = arith.constant true
          %broadcast_in_dim3A_1244 = vector.broadcast %broadcast_in_dim3A_1243 : i1 to vector<16xi1>
          %masked_cummax3A_1245 = tpu.scan <max>, %add3A_1242 masked %broadcast_in_dim3A_1244 : vector<16xf32>, vector<16xi1> -> vector<16xf32>
          %add3A_1246 = arith.constant 3072 : i32
          %add3A_1247 = arith.addi %add3A_1246, %scan3A_1142 : i32
          %swap3A_1248 = arith.index_cast %add3A_1247 : i32 to index
          %swap3A_1249 = tpu.vector_load %arg10[%swap3A_1248] masked %eq3A_50 {strides = array<i32>} : memref<4112xf32, #tpu.memory_space<vmem>>, vector<16xf32>, vector<16xi1>
          tpu.vector_store %arg10[%swap3A_1248], %masked_cummax3A_1245 masked %eq3A_50 {strides = array<i32>} : memref<4112xf32, #tpu.memory_space<vmem>>, vector<16xf32>, vector<16xi1>
          %mul3A_1250 = arith.mulf %get3A_1149, %gather3A_449 : vector<16xf32>
          %mul3A_1251 = arith.mulf %get3A_1153, %gather3A_459 : vector<16xf32>
          %add3A_1252 = arith.addf %mul3A_1250, %mul3A_1251 : vector<16xf32>
          %mul3A_1253 = arith.mulf %get3A_1157, %gather3A_469 : vector<16xf32>
          %add3A_1254 = arith.addf %add3A_1252, %mul3A_1253 : vector<16xf32>
          %add3A_1255 = arith.addf %get3A_1159, %add3A_1254 : vector<16xf32>
          %broadcast_in_dim3A_1256 = arith.constant true
          %broadcast_in_dim3A_1257 = vector.broadcast %broadcast_in_dim3A_1256 : i1 to vector<16xi1>
          %masked_cummax3A_1258 = tpu.scan <max>, %add3A_1255 masked %broadcast_in_dim3A_1257 : vector<16xf32>, vector<16xi1> -> vector<16xf32>
          %add3A_1259 = arith.constant 3584 : i32
          %add3A_1260 = arith.addi %add3A_1259, %scan3A_1142 : i32
          %swap3A_1261 = arith.index_cast %add3A_1260 : i32 to index
          %swap3A_1262 = tpu.vector_load %arg10[%swap3A_1261] masked %eq3A_50 {strides = array<i32>} : memref<4112xf32, #tpu.memory_space<vmem>>, vector<16xf32>, vector<16xi1>
          tpu.vector_store %arg10[%swap3A_1261], %masked_cummax3A_1258 masked %eq3A_50 {strides = array<i32>} : memref<4112xf32, #tpu.memory_space<vmem>>, vector<16xf32>, vector<16xi1>
          %scan3A_1263 = arith.constant 0 : i32
          scf.yield %scan3A_1263 : i32
        }
        %scan3A_486 = arith.constant 512 : i32
        %scan3A_487 = arith.constant 0 : i32
        %scan3A_488 = arith.constant 32 : i32
        %scan3A_489 = arith.addi %scan3A_487, %scan3A_488 : i32
        %scan3A_490 = arith.constant 1 : i32
        %scan3A_491:2 = scf.for %scan3A_1142 = %scan3A_487 to %scan3A_489 step %scan3A_490 iter_args(%scan3A_1143 = %broadcast_in_dim3A_53, %scan3A_1144 = %broadcast_in_dim3A_51) -> (vector<16xf32>, vector<16xi32>)  : i32 {
          %mul3A_1145 = arith.constant 16 : i32
          %mul3A_1146 = arith.muli %scan3A_1142, %mul3A_1145 : i32
          %add3A_1147 = arith.constant 0 : i32
          %add3A_1148 = arith.addi %add3A_1147, %mul3A_1146 : i32
          %get3A_1149 = arith.index_cast %add3A_1148 : i32 to index
          %get3A_1150 = tpu.vector_load %arg10[%get3A_1149] {strides = array<i32>} : memref<4112xf32, #tpu.memory_space<vmem>>, vector<16xf32>,
          %mul3A_1151 = arith.constant 16 : i32
          %mul3A_1152 = arith.muli %scan3A_1142, %mul3A_1151 : i32
          %add3A_1153 = vector.broadcast %mul3A_1152 : i32 to vector<16xi32>
          %add3A_1154 = arith.addi %add3A_1153, %iota3A : vector<16xi32>
          %masked_sort3A = arith.constant dense<true> : vector<16xi1>
          %masked_sort3A_1155, %masked_sort3A_1156, %masked_sort3A_1157 = tpu.sort %get3A_1150, %add3A_1154 masked %masked_sort3A {descending = true} : (vector<16xf32>, vector<16xi32>, vector<16xi1>) -> (vector<16xi1>, vector<16xf32>, vector<16xi32>)
          %gt3A = arith.cmpf ogt, %masked_sort3A_1156, %scan3A_1143 : vector<16xf32>
          %select_n3A_1158 = arith.select %gt3A, %masked_sort3A_1156, %scan3A_1143 : vector<16xi1>, vector<16xf32>
          %select_n3A_1159 = arith.select %gt3A, %masked_sort3A_1157, %scan3A_1144 : vector<16xi1>, vector<16xi32>
          %masked_sort3A_1160 = arith.constant dense<true> : vector<16xi1>
          %masked_sort3A_1161, %masked_sort3A_1162, %masked_sort3A_1163 = tpu.sort %select_n3A_1158, %select_n3A_1159 masked %masked_sort3A_1160 : (vector<16xf32>, vector<16xi32>, vector<16xi1>) -> (vector<16xi1>, vector<16xf32>, vector<16xi32>)
          scf.yield %masked_sort3A_1162, %masked_sort3A_1163 : vector<16xf32>, vector<16xi32>
        }
        %scan3A_492 = arith.constant 32 : i32
        %scan3A_493 = arith.constant 0 : i32
        %scan3A_494 = arith.constant 16 : i32
        %scan3A_495 = arith.addi %scan3A_493, %scan3A_494 : i32
        %scan3A_496 = arith.constant 1 : i32
        %scan3A_497:2 = scf.for %scan3A_1142 = %scan3A_493 to %scan3A_495 step %scan3A_496 iter_args(%scan3A_1143 = %broadcast_in_dim3A_53, %scan3A_1144 = %broadcast_in_dim3A_51) -> (vector<16xf32>, vector<16xi32>)  : i32 {
          %broadcast_in_dim3A_1145 = vector.broadcast %scan3A_1142 : i32 to vector<16xi32>
          %lt3A_1146 = arith.constant 0 : i32
          %lt3A_1147 = vector.broadcast %lt3A_1146 : i32 to vector<16xi32>
          %lt3A_1148 = arith.cmpi slt, %broadcast_in_dim3A_1145, %lt3A_1147 : vector<16xi32>
          %add3A_1149 = arith.constant 16 : i32
          %add3A_1150 = vector.broadcast %add3A_1149 : i32 to vector<16xi32>
          %add3A_1151 = arith.addi %broadcast_in_dim3A_1145, %add3A_1150 : vector<16xi32>
          %select_n3A_1152 = arith.select %lt3A_1148, %add3A_1151, %broadcast_in_dim3A_1145 : vector<16xi1>, vector<16xi32>
          %broadcast_in_dim3A_1153 = vector.shape_cast %select_n3A_1152 : vector<16xi32> to vector<16x1xi32>
          %gather3A_1154 = vector.shape_cast %broadcast_in_dim3A_1153 : vector<16x1xi32> to vector<16xi32>
          %gather3A_1155 = tpu.dynamic_gather %scan3A_491#1[%gather3A_1154] in [0] : vector<16xi32>, vector<16xi32> -> vector<16xi32>
          %mul3A_1156 = arith.constant 16 : i32
          %mul3A_1157 = vector.broadcast %mul3A_1156 : i32 to vector<16xi32>
          %mul3A_1158 = arith.muli %gather3A_1155, %mul3A_1157 : vector<16xi32>
          %add3A_1159 = arith.addi %mul3A_1158, %iota3A : vector<16xi32>
          %gather3A_1160 = tpu.vector_load_idx %arg6[%add3A_1159] : memref<24576xf32, #tpu.memory_space<vmem>>[vector<16xi32>], vector<16xf32>,
          %add3A_1161 = arith.constant 8192 : i32
          %add3A_1162 = vector.broadcast %add3A_1161 : i32 to vector<16xi32>
          %add3A_1163 = arith.addi %add3A_1159, %add3A_1162 : vector<16xi32>
          %gather3A_1164 = tpu.vector_load_idx %arg6[%add3A_1163] : memref<24576xf32, #tpu.memory_space<vmem>>[vector<16xi32>], vector<16xf32>,
          %add3A_1165 = arith.constant 16384 : i32
          %add3A_1166 = vector.broadcast %add3A_1165 : i32 to vector<16xi32>
          %add3A_1167 = arith.addi %add3A_1159, %add3A_1166 : vector<16xi32>
          %gather3A_1168 = tpu.vector_load_idx %arg6[%add3A_1167] : memref<24576xf32, #tpu.memory_space<vmem>>[vector<16xi32>], vector<16xf32>,
          %gather3A_1169 = tpu.vector_load_idx %arg7[%add3A_1159] : memref<8192xf32, #tpu.memory_space<vmem>>[vector<16xi32>], vector<16xf32>,
          %mul3A_1170 = arith.mulf %gather3A_1160, %gather3A_148 : vector<16xf32>
          %mul3A_1171 = arith.mulf %gather3A_1164, %gather3A_158 : vector<16xf32>
          %add3A_1172 = arith.addf %mul3A_1170, %mul3A_1171 : vector<16xf32>
          %mul3A_1173 = arith.mulf %gather3A_1168, %gather3A_168 : vector<16xf32>
          %add3A_1174 = arith.addf %add3A_1172, %mul3A_1173 : vector<16xf32>
          %add3A_1175 = arith.addf %gather3A_1169, %add3A_1174 : vector<16xf32>
          %sub3A_1176 = arith.subf %add3A_1175, %gather3A_178 : vector<16xf32>
          %masked_sort3A = arith.constant dense<true> : vector<16xi1>
          %masked_sort3A_1177, %masked_sort3A_1178, %masked_sort3A_1179 = tpu.sort %sub3A_1176, %add3A_1159 masked %masked_sort3A {descending = true} : (vector<16xf32>, vector<16xi32>, vector<16xi1>) -> (vector<16xi1>, vector<16xf32>, vector<16xi32>)
          %gt3A = arith.cmpf ogt, %masked_sort3A_1178, %scan3A_1143 : vector<16xf32>
          %select_n3A_1180 = arith.select %gt3A, %masked_sort3A_1178, %scan3A_1143 : vector<16xi1>, vector<16xf32>
          %select_n3A_1181 = arith.select %gt3A, %masked_sort3A_1179, %scan3A_1144 : vector<16xi1>, vector<16xi32>
          %masked_sort3A_1182 = arith.constant dense<true> : vector<16xi1>
          %masked_sort3A_1183, %masked_sort3A_1184, %masked_sort3A_1185 = tpu.sort %select_n3A_1180, %select_n3A_1181 masked %masked_sort3A_1182 : (vector<16xf32>, vector<16xi32>, vector<16xi1>) -> (vector<16xi1>, vector<16xf32>, vector<16xi32>)
          scf.yield %masked_sort3A_1184, %masked_sort3A_1185 : vector<16xf32>, vector<16xi32>
        }
        %scan3A_498 = arith.constant 16 : i32
        %rev3A = arith.constant 15 : i32
        %rev3A_499 = vector.broadcast %rev3A : i32 to vector<16xi32>
        %rev3A_500 = tpu.iota {dimensions = array<i32: 0>} : vector<16xi32>
        %rev3A_501 = arith.subi %rev3A_499, %rev3A_500 : vector<16xi32>
        %rev3A_502 = tpu.dynamic_gather %scan3A_497#1[%rev3A_501] in [0] : vector<16xi32>, vector<16xi32> -> vector<16xi32>
        %broadcast_in_dim3A_503 = arith.constant 0 : i32
        %broadcast_in_dim3A_504 = vector.broadcast %broadcast_in_dim3A_503 : i32 to vector<16xi32>
        %gather3A_505 = tpu.vector_load_idx %arg5[%broadcast_in_dim3A_504, %rev3A_502] : memref<5x8192xf32, #tpu.memory_space<vmem>>[vector<16xi32>, vector<16xi32>], vector<16xf32>,
        %mul3A_506 = arith.constant 8 : i32
        %mul3A_507 = arith.muli %scan3A_75, %mul3A_506 : i32
        %add3A_508 = arith.constant 0 : i32
        %add3A_509 = arith.addi %mul3A_507, %add3A_508 : i32
        %mul3A_510 = arith.constant 16 : i32
        %mul3A_511 = arith.muli %add3A_509, %mul3A_510 : i32
        %swap3A = arith.constant 0 : i32
        %swap3A_512 = arith.index_cast %swap3A : i32 to index
        %swap3A_513 = arith.index_cast %mul3A_511 : i32 to index
        %swap3A_514 = tpu.vector_load %arg11[%swap3A_512, %swap3A_513] {strides = array<i32>} : memref<5x1024xf32, #tpu.memory_space<vmem>>, vector<16xf32>,
        tpu.vector_store %arg11[%swap3A_512, %swap3A_513], %gather3A_505 {strides = array<i32>} : memref<5x1024xf32, #tpu.memory_space<vmem>>, vector<16xf32>,
        %broadcast_in_dim3A_515 = arith.constant 1 : i32
        %broadcast_in_dim3A_516 = vector.broadcast %broadcast_in_dim3A_515 : i32 to vector<16xi32>
        %gather3A_517 = tpu.vector_load_idx %arg5[%broadcast_in_dim3A_516, %rev3A_502] : memref<5x8192xf32, #tpu.memory_space<vmem>>[vector<16xi32>, vector<16xi32>], vector<16xf32>,
        %mul3A_518 = arith.constant 8 : i32
        %mul3A_519 = arith.muli %scan3A_75, %mul3A_518 : i32
        %add3A_520 = arith.constant 0 : i32
        %add3A_521 = arith.addi %mul3A_519, %add3A_520 : i32
        %mul3A_522 = arith.constant 16 : i32
        %mul3A_523 = arith.muli %add3A_521, %mul3A_522 : i32
        %swap3A_524 = arith.constant 1 : i32
        %swap3A_525 = arith.index_cast %swap3A_524 : i32 to index
        %swap3A_526 = arith.index_cast %mul3A_523 : i32 to index
        %swap3A_527 = tpu.vector_load %arg11[%swap3A_525, %swap3A_526] {strides = array<i32>} : memref<5x1024xf32, #tpu.memory_space<vmem>>, vector<16xf32>,
        tpu.vector_store %arg11[%swap3A_525, %swap3A_526], %gather3A_517 {strides = array<i32>} : memref<5x1024xf32, #tpu.memory_space<vmem>>, vector<16xf32>,
        %broadcast_in_dim3A_528 = arith.constant 2 : i32
        %broadcast_in_dim3A_529 = vector.broadcast %broadcast_in_dim3A_528 : i32 to vector<16xi32>
        %gather3A_530 = tpu.vector_load_idx %arg5[%broadcast_in_dim3A_529, %rev3A_502] : memref<5x8192xf32, #tpu.memory_space<vmem>>[vector<16xi32>, vector<16xi32>], vector<16xf32>,
        %mul3A_531 = arith.constant 8 : i32
        %mul3A_532 = arith.muli %scan3A_75, %mul3A_531 : i32
        %add3A_533 = arith.constant 0 : i32
        %add3A_534 = arith.addi %mul3A_532, %add3A_533 : i32
        %mul3A_535 = arith.constant 16 : i32
        %mul3A_536 = arith.muli %add3A_534, %mul3A_535 : i32
        %swap3A_537 = arith.constant 2 : i32
        %swap3A_538 = arith.index_cast %swap3A_537 : i32 to index
        %swap3A_539 = arith.index_cast %mul3A_536 : i32 to index
        %swap3A_540 = tpu.vector_load %arg11[%swap3A_538, %swap3A_539] {strides = array<i32>} : memref<5x1024xf32, #tpu.memory_space<vmem>>, vector<16xf32>,
        tpu.vector_store %arg11[%swap3A_538, %swap3A_539], %gather3A_530 {strides = array<i32>} : memref<5x1024xf32, #tpu.memory_space<vmem>>, vector<16xf32>,
        %broadcast_in_dim3A_541 = arith.constant 3 : i32
        %broadcast_in_dim3A_542 = vector.broadcast %broadcast_in_dim3A_541 : i32 to vector<16xi32>
        %gather3A_543 = tpu.vector_load_idx %arg5[%broadcast_in_dim3A_542, %rev3A_502] : memref<5x8192xf32, #tpu.memory_space<vmem>>[vector<16xi32>, vector<16xi32>], vector<16xf32>,
        %mul3A_544 = arith.constant 8 : i32
        %mul3A_545 = arith.muli %scan3A_75, %mul3A_544 : i32
        %add3A_546 = arith.constant 0 : i32
        %add3A_547 = arith.addi %mul3A_545, %add3A_546 : i32
        %mul3A_548 = arith.constant 16 : i32
        %mul3A_549 = arith.muli %add3A_547, %mul3A_548 : i32
        %swap3A_550 = arith.constant 3 : i32
        %swap3A_551 = arith.index_cast %swap3A_550 : i32 to index
        %swap3A_552 = arith.index_cast %mul3A_549 : i32 to index
        %swap3A_553 = tpu.vector_load %arg11[%swap3A_551, %swap3A_552] {strides = array<i32>} : memref<5x1024xf32, #tpu.memory_space<vmem>>, vector<16xf32>,
        tpu.vector_store %arg11[%swap3A_551, %swap3A_552], %gather3A_543 {strides = array<i32>} : memref<5x1024xf32, #tpu.memory_space<vmem>>, vector<16xf32>,
        %broadcast_in_dim3A_554 = arith.constant 4 : i32
        %broadcast_in_dim3A_555 = vector.broadcast %broadcast_in_dim3A_554 : i32 to vector<16xi32>
        %gather3A_556 = tpu.vector_load_idx %arg5[%broadcast_in_dim3A_555, %rev3A_502] : memref<5x8192xf32, #tpu.memory_space<vmem>>[vector<16xi32>, vector<16xi32>], vector<16xf32>,
        %mul3A_557 = arith.constant 8 : i32
        %mul3A_558 = arith.muli %scan3A_75, %mul3A_557 : i32
        %add3A_559 = arith.constant 0 : i32
        %add3A_560 = arith.addi %mul3A_558, %add3A_559 : i32
        %mul3A_561 = arith.constant 16 : i32
        %mul3A_562 = arith.muli %add3A_560, %mul3A_561 : i32
        %swap3A_563 = arith.constant 4 : i32
        %swap3A_564 = arith.index_cast %swap3A_563 : i32 to index
        %swap3A_565 = arith.index_cast %mul3A_562 : i32 to index
        %swap3A_566 = tpu.vector_load %arg11[%swap3A_564, %swap3A_565] {strides = array<i32>} : memref<5x1024xf32, #tpu.memory_space<vmem>>, vector<16xf32>,
        tpu.vector_store %arg11[%swap3A_564, %swap3A_565], %gather3A_556 {strides = array<i32>} : memref<5x1024xf32, #tpu.memory_space<vmem>>, vector<16xf32>,
        %scan3A_567 = arith.constant 0 : i32
        %scan3A_568 = arith.constant 32 : i32
        %scan3A_569 = arith.addi %scan3A_567, %scan3A_568 : i32
        %scan3A_570 = arith.constant 1 : i32
        %scan3A_571:2 = scf.for %scan3A_1142 = %scan3A_567 to %scan3A_569 step %scan3A_570 iter_args(%scan3A_1143 = %broadcast_in_dim3A_53, %scan3A_1144 = %broadcast_in_dim3A_51) -> (vector<16xf32>, vector<16xi32>)  : i32 {
          %mul3A_1145 = arith.constant 16 : i32
          %mul3A_1146 = arith.muli %scan3A_1142, %mul3A_1145 : i32
          %add3A_1147 = arith.constant 512 : i32
          %add3A_1148 = arith.addi %add3A_1147, %mul3A_1146 : i32
          %get3A_1149 = arith.index_cast %add3A_1148 : i32 to index
          %get3A_1150 = tpu.vector_load %arg10[%get3A_1149] {strides = array<i32>} : memref<4112xf32, #tpu.memory_space<vmem>>, vector<16xf32>,
          %mul3A_1151 = arith.constant 16 : i32
          %mul3A_1152 = arith.muli %scan3A_1142, %mul3A_1151 : i32
          %add3A_1153 = vector.broadcast %mul3A_1152 : i32 to vector<16xi32>
          %add3A_1154 = arith.addi %add3A_1153, %iota3A : vector<16xi32>
          %masked_sort3A = arith.constant dense<true> : vector<16xi1>
          %masked_sort3A_1155, %masked_sort3A_1156, %masked_sort3A_1157 = tpu.sort %get3A_1150, %add3A_1154 masked %masked_sort3A {descending = true} : (vector<16xf32>, vector<16xi32>, vector<16xi1>) -> (vector<16xi1>, vector<16xf32>, vector<16xi32>)
          %gt3A = arith.cmpf ogt, %masked_sort3A_1156, %scan3A_1143 : vector<16xf32>
          %select_n3A_1158 = arith.select %gt3A, %masked_sort3A_1156, %scan3A_1143 : vector<16xi1>, vector<16xf32>
          %select_n3A_1159 = arith.select %gt3A, %masked_sort3A_1157, %scan3A_1144 : vector<16xi1>, vector<16xi32>
          %masked_sort3A_1160 = arith.constant dense<true> : vector<16xi1>
          %masked_sort3A_1161, %masked_sort3A_1162, %masked_sort3A_1163 = tpu.sort %select_n3A_1158, %select_n3A_1159 masked %masked_sort3A_1160 : (vector<16xf32>, vector<16xi32>, vector<16xi1>) -> (vector<16xi1>, vector<16xf32>, vector<16xi32>)
          scf.yield %masked_sort3A_1162, %masked_sort3A_1163 : vector<16xf32>, vector<16xi32>
        }
        %scan3A_572 = arith.constant 32 : i32
        %scan3A_573 = arith.constant 0 : i32
        %scan3A_574 = arith.constant 16 : i32
        %scan3A_575 = arith.addi %scan3A_573, %scan3A_574 : i32
        %scan3A_576 = arith.constant 1 : i32
        %scan3A_577:2 = scf.for %scan3A_1142 = %scan3A_573 to %scan3A_575 step %scan3A_576 iter_args(%scan3A_1143 = %broadcast_in_dim3A_53, %scan3A_1144 = %broadcast_in_dim3A_51) -> (vector<16xf32>, vector<16xi32>)  : i32 {
          %broadcast_in_dim3A_1145 = vector.broadcast %scan3A_1142 : i32 to vector<16xi32>
          %lt3A_1146 = arith.constant 0 : i32
          %lt3A_1147 = vector.broadcast %lt3A_1146 : i32 to vector<16xi32>
          %lt3A_1148 = arith.cmpi slt, %broadcast_in_dim3A_1145, %lt3A_1147 : vector<16xi32>
          %add3A_1149 = arith.constant 16 : i32
          %add3A_1150 = vector.broadcast %add3A_1149 : i32 to vector<16xi32>
          %add3A_1151 = arith.addi %broadcast_in_dim3A_1145, %add3A_1150 : vector<16xi32>
          %select_n3A_1152 = arith.select %lt3A_1148, %add3A_1151, %broadcast_in_dim3A_1145 : vector<16xi1>, vector<16xi32>
          %broadcast_in_dim3A_1153 = vector.shape_cast %select_n3A_1152 : vector<16xi32> to vector<16x1xi32>
          %gather3A_1154 = vector.shape_cast %broadcast_in_dim3A_1153 : vector<16x1xi32> to vector<16xi32>
          %gather3A_1155 = tpu.dynamic_gather %scan3A_571#1[%gather3A_1154] in [0] : vector<16xi32>, vector<16xi32> -> vector<16xi32>
          %mul3A_1156 = arith.constant 16 : i32
          %mul3A_1157 = vector.broadcast %mul3A_1156 : i32 to vector<16xi32>
          %mul3A_1158 = arith.muli %gather3A_1155, %mul3A_1157 : vector<16xi32>
          %add3A_1159 = arith.addi %mul3A_1158, %iota3A : vector<16xi32>
          %gather3A_1160 = tpu.vector_load_idx %arg6[%add3A_1159] : memref<24576xf32, #tpu.memory_space<vmem>>[vector<16xi32>], vector<16xf32>,
          %add3A_1161 = arith.constant 8192 : i32
          %add3A_1162 = vector.broadcast %add3A_1161 : i32 to vector<16xi32>
          %add3A_1163 = arith.addi %add3A_1159, %add3A_1162 : vector<16xi32>
          %gather3A_1164 = tpu.vector_load_idx %arg6[%add3A_1163] : memref<24576xf32, #tpu.memory_space<vmem>>[vector<16xi32>], vector<16xf32>,
          %add3A_1165 = arith.constant 16384 : i32
          %add3A_1166 = vector.broadcast %add3A_1165 : i32 to vector<16xi32>
          %add3A_1167 = arith.addi %add3A_1159, %add3A_1166 : vector<16xi32>
          %gather3A_1168 = tpu.vector_load_idx %arg6[%add3A_1167] : memref<24576xf32, #tpu.memory_space<vmem>>[vector<16xi32>], vector<16xf32>,
          %gather3A_1169 = tpu.vector_load_idx %arg7[%add3A_1159] : memref<8192xf32, #tpu.memory_space<vmem>>[vector<16xi32>], vector<16xf32>,
          %mul3A_1170 = arith.mulf %gather3A_1160, %gather3A_191 : vector<16xf32>
          %mul3A_1171 = arith.mulf %gather3A_1164, %gather3A_201 : vector<16xf32>
          %add3A_1172 = arith.addf %mul3A_1170, %mul3A_1171 : vector<16xf32>
          %mul3A_1173 = arith.mulf %gather3A_1168, %gather3A_211 : vector<16xf32>
          %add3A_1174 = arith.addf %add3A_1172, %mul3A_1173 : vector<16xf32>
          %add3A_1175 = arith.addf %gather3A_1169, %add3A_1174 : vector<16xf32>
          %sub3A_1176 = arith.subf %add3A_1175, %gather3A_221 : vector<16xf32>
          %masked_sort3A = arith.constant dense<true> : vector<16xi1>
          %masked_sort3A_1177, %masked_sort3A_1178, %masked_sort3A_1179 = tpu.sort %sub3A_1176, %add3A_1159 masked %masked_sort3A {descending = true} : (vector<16xf32>, vector<16xi32>, vector<16xi1>) -> (vector<16xi1>, vector<16xf32>, vector<16xi32>)
          %gt3A = arith.cmpf ogt, %masked_sort3A_1178, %scan3A_1143 : vector<16xf32>
          %select_n3A_1180 = arith.select %gt3A, %masked_sort3A_1178, %scan3A_1143 : vector<16xi1>, vector<16xf32>
          %select_n3A_1181 = arith.select %gt3A, %masked_sort3A_1179, %scan3A_1144 : vector<16xi1>, vector<16xi32>
          %masked_sort3A_1182 = arith.constant dense<true> : vector<16xi1>
          %masked_sort3A_1183, %masked_sort3A_1184, %masked_sort3A_1185 = tpu.sort %select_n3A_1180, %select_n3A_1181 masked %masked_sort3A_1182 : (vector<16xf32>, vector<16xi32>, vector<16xi1>) -> (vector<16xi1>, vector<16xf32>, vector<16xi32>)
          scf.yield %masked_sort3A_1184, %masked_sort3A_1185 : vector<16xf32>, vector<16xi32>
        }
        %scan3A_578 = arith.constant 16 : i32
        %rev3A_579 = arith.constant 15 : i32
        %rev3A_580 = vector.broadcast %rev3A_579 : i32 to vector<16xi32>
        %rev3A_581 = tpu.iota {dimensions = array<i32: 0>} : vector<16xi32>
        %rev3A_582 = arith.subi %rev3A_580, %rev3A_581 : vector<16xi32>
        %rev3A_583 = tpu.dynamic_gather %scan3A_577#1[%rev3A_582] in [0] : vector<16xi32>, vector<16xi32> -> vector<16xi32>
        %broadcast_in_dim3A_584 = arith.constant 0 : i32
        %broadcast_in_dim3A_585 = vector.broadcast %broadcast_in_dim3A_584 : i32 to vector<16xi32>
        %gather3A_586 = tpu.vector_load_idx %arg5[%broadcast_in_dim3A_585, %rev3A_583] : memref<5x8192xf32, #tpu.memory_space<vmem>>[vector<16xi32>, vector<16xi32>], vector<16xf32>,
        %mul3A_587 = arith.constant 8 : i32
        %mul3A_588 = arith.muli %scan3A_75, %mul3A_587 : i32
        %add3A_589 = arith.constant 1 : i32
        %add3A_590 = arith.addi %mul3A_588, %add3A_589 : i32
        %mul3A_591 = arith.constant 16 : i32
        %mul3A_592 = arith.muli %add3A_590, %mul3A_591 : i32
        %swap3A_593 = arith.constant 0 : i32
        %swap3A_594 = arith.index_cast %swap3A_593 : i32 to index
        %swap3A_595 = arith.index_cast %mul3A_592 : i32 to index
        %swap3A_596 = tpu.vector_load %arg11[%swap3A_594, %swap3A_595] {strides = array<i32>} : memref<5x1024xf32, #tpu.memory_space<vmem>>, vector<16xf32>,
        tpu.vector_store %arg11[%swap3A_594, %swap3A_595], %gather3A_586 {strides = array<i32>} : memref<5x1024xf32, #tpu.memory_space<vmem>>, vector<16xf32>,
        %broadcast_in_dim3A_597 = arith.constant 1 : i32
        %broadcast_in_dim3A_598 = vector.broadcast %broadcast_in_dim3A_597 : i32 to vector<16xi32>
        %gather3A_599 = tpu.vector_load_idx %arg5[%broadcast_in_dim3A_598, %rev3A_583] : memref<5x8192xf32, #tpu.memory_space<vmem>>[vector<16xi32>, vector<16xi32>], vector<16xf32>,
        %mul3A_600 = arith.constant 8 : i32
        %mul3A_601 = arith.muli %scan3A_75, %mul3A_600 : i32
        %add3A_602 = arith.constant 1 : i32
        %add3A_603 = arith.addi %mul3A_601, %add3A_602 : i32
        %mul3A_604 = arith.constant 16 : i32
        %mul3A_605 = arith.muli %add3A_603, %mul3A_604 : i32
        %swap3A_606 = arith.constant 1 : i32
        %swap3A_607 = arith.index_cast %swap3A_606 : i32 to index
        %swap3A_608 = arith.index_cast %mul3A_605 : i32 to index
        %swap3A_609 = tpu.vector_load %arg11[%swap3A_607, %swap3A_608] {strides = array<i32>} : memref<5x1024xf32, #tpu.memory_space<vmem>>, vector<16xf32>,
        tpu.vector_store %arg11[%swap3A_607, %swap3A_608], %gather3A_599 {strides = array<i32>} : memref<5x1024xf32, #tpu.memory_space<vmem>>, vector<16xf32>,
        %broadcast_in_dim3A_610 = arith.constant 2 : i32
        %broadcast_in_dim3A_611 = vector.broadcast %broadcast_in_dim3A_610 : i32 to vector<16xi32>
        %gather3A_612 = tpu.vector_load_idx %arg5[%broadcast_in_dim3A_611, %rev3A_583] : memref<5x8192xf32, #tpu.memory_space<vmem>>[vector<16xi32>, vector<16xi32>], vector<16xf32>,
        %mul3A_613 = arith.constant 8 : i32
        %mul3A_614 = arith.muli %scan3A_75, %mul3A_613 : i32
        %add3A_615 = arith.constant 1 : i32
        %add3A_616 = arith.addi %mul3A_614, %add3A_615 : i32
        %mul3A_617 = arith.constant 16 : i32
        %mul3A_618 = arith.muli %add3A_616, %mul3A_617 : i32
        %swap3A_619 = arith.constant 2 : i32
        %swap3A_620 = arith.index_cast %swap3A_619 : i32 to index
        %swap3A_621 = arith.index_cast %mul3A_618 : i32 to index
        %swap3A_622 = tpu.vector_load %arg11[%swap3A_620, %swap3A_621] {strides = array<i32>} : memref<5x1024xf32, #tpu.memory_space<vmem>>, vector<16xf32>,
        tpu.vector_store %arg11[%swap3A_620, %swap3A_621], %gather3A_612 {strides = array<i32>} : memref<5x1024xf32, #tpu.memory_space<vmem>>, vector<16xf32>,
        %broadcast_in_dim3A_623 = arith.constant 3 : i32
        %broadcast_in_dim3A_624 = vector.broadcast %broadcast_in_dim3A_623 : i32 to vector<16xi32>
        %gather3A_625 = tpu.vector_load_idx %arg5[%broadcast_in_dim3A_624, %rev3A_583] : memref<5x8192xf32, #tpu.memory_space<vmem>>[vector<16xi32>, vector<16xi32>], vector<16xf32>,
        %mul3A_626 = arith.constant 8 : i32
        %mul3A_627 = arith.muli %scan3A_75, %mul3A_626 : i32
        %add3A_628 = arith.constant 1 : i32
        %add3A_629 = arith.addi %mul3A_627, %add3A_628 : i32
        %mul3A_630 = arith.constant 16 : i32
        %mul3A_631 = arith.muli %add3A_629, %mul3A_630 : i32
        %swap3A_632 = arith.constant 3 : i32
        %swap3A_633 = arith.index_cast %swap3A_632 : i32 to index
        %swap3A_634 = arith.index_cast %mul3A_631 : i32 to index
        %swap3A_635 = tpu.vector_load %arg11[%swap3A_633, %swap3A_634] {strides = array<i32>} : memref<5x1024xf32, #tpu.memory_space<vmem>>, vector<16xf32>,
        tpu.vector_store %arg11[%swap3A_633, %swap3A_634], %gather3A_625 {strides = array<i32>} : memref<5x1024xf32, #tpu.memory_space<vmem>>, vector<16xf32>,
        %broadcast_in_dim3A_636 = arith.constant 4 : i32
        %broadcast_in_dim3A_637 = vector.broadcast %broadcast_in_dim3A_636 : i32 to vector<16xi32>
        %gather3A_638 = tpu.vector_load_idx %arg5[%broadcast_in_dim3A_637, %rev3A_583] : memref<5x8192xf32, #tpu.memory_space<vmem>>[vector<16xi32>, vector<16xi32>], vector<16xf32>,
        %mul3A_639 = arith.constant 8 : i32
        %mul3A_640 = arith.muli %scan3A_75, %mul3A_639 : i32
        %add3A_641 = arith.constant 1 : i32
        %add3A_642 = arith.addi %mul3A_640, %add3A_641 : i32
        %mul3A_643 = arith.constant 16 : i32
        %mul3A_644 = arith.muli %add3A_642, %mul3A_643 : i32
        %swap3A_645 = arith.constant 4 : i32
        %swap3A_646 = arith.index_cast %swap3A_645 : i32 to index
        %swap3A_647 = arith.index_cast %mul3A_644 : i32 to index
        %swap3A_648 = tpu.vector_load %arg11[%swap3A_646, %swap3A_647] {strides = array<i32>} : memref<5x1024xf32, #tpu.memory_space<vmem>>, vector<16xf32>,
        tpu.vector_store %arg11[%swap3A_646, %swap3A_647], %gather3A_638 {strides = array<i32>} : memref<5x1024xf32, #tpu.memory_space<vmem>>, vector<16xf32>,
        %scan3A_649 = arith.constant 0 : i32
        %scan3A_650 = arith.constant 32 : i32
        %scan3A_651 = arith.addi %scan3A_649, %scan3A_650 : i32
        %scan3A_652 = arith.constant 1 : i32
        %scan3A_653:2 = scf.for %scan3A_1142 = %scan3A_649 to %scan3A_651 step %scan3A_652 iter_args(%scan3A_1143 = %broadcast_in_dim3A_53, %scan3A_1144 = %broadcast_in_dim3A_51) -> (vector<16xf32>, vector<16xi32>)  : i32 {
          %mul3A_1145 = arith.constant 16 : i32
          %mul3A_1146 = arith.muli %scan3A_1142, %mul3A_1145 : i32
          %add3A_1147 = arith.constant 1024 : i32
          %add3A_1148 = arith.addi %add3A_1147, %mul3A_1146 : i32
          %get3A_1149 = arith.index_cast %add3A_1148 : i32 to index
          %get3A_1150 = tpu.vector_load %arg10[%get3A_1149] {strides = array<i32>} : memref<4112xf32, #tpu.memory_space<vmem>>, vector<16xf32>,
          %mul3A_1151 = arith.constant 16 : i32
          %mul3A_1152 = arith.muli %scan3A_1142, %mul3A_1151 : i32
          %add3A_1153 = vector.broadcast %mul3A_1152 : i32 to vector<16xi32>
          %add3A_1154 = arith.addi %add3A_1153, %iota3A : vector<16xi32>
          %masked_sort3A = arith.constant dense<true> : vector<16xi1>
          %masked_sort3A_1155, %masked_sort3A_1156, %masked_sort3A_1157 = tpu.sort %get3A_1150, %add3A_1154 masked %masked_sort3A {descending = true} : (vector<16xf32>, vector<16xi32>, vector<16xi1>) -> (vector<16xi1>, vector<16xf32>, vector<16xi32>)
          %gt3A = arith.cmpf ogt, %masked_sort3A_1156, %scan3A_1143 : vector<16xf32>
          %select_n3A_1158 = arith.select %gt3A, %masked_sort3A_1156, %scan3A_1143 : vector<16xi1>, vector<16xf32>
          %select_n3A_1159 = arith.select %gt3A, %masked_sort3A_1157, %scan3A_1144 : vector<16xi1>, vector<16xi32>
          %masked_sort3A_1160 = arith.constant dense<true> : vector<16xi1>
          %masked_sort3A_1161, %masked_sort3A_1162, %masked_sort3A_1163 = tpu.sort %select_n3A_1158, %select_n3A_1159 masked %masked_sort3A_1160 : (vector<16xf32>, vector<16xi32>, vector<16xi1>) -> (vector<16xi1>, vector<16xf32>, vector<16xi32>)
          scf.yield %masked_sort3A_1162, %masked_sort3A_1163 : vector<16xf32>, vector<16xi32>
        }
        %scan3A_654 = arith.constant 32 : i32
        %scan3A_655 = arith.constant 0 : i32
        %scan3A_656 = arith.constant 16 : i32
        %scan3A_657 = arith.addi %scan3A_655, %scan3A_656 : i32
        %scan3A_658 = arith.constant 1 : i32
        %scan3A_659:2 = scf.for %scan3A_1142 = %scan3A_655 to %scan3A_657 step %scan3A_658 iter_args(%scan3A_1143 = %broadcast_in_dim3A_53, %scan3A_1144 = %broadcast_in_dim3A_51) -> (vector<16xf32>, vector<16xi32>)  : i32 {
          %broadcast_in_dim3A_1145 = vector.broadcast %scan3A_1142 : i32 to vector<16xi32>
          %lt3A_1146 = arith.constant 0 : i32
          %lt3A_1147 = vector.broadcast %lt3A_1146 : i32 to vector<16xi32>
          %lt3A_1148 = arith.cmpi slt, %broadcast_in_dim3A_1145, %lt3A_1147 : vector<16xi32>
          %add3A_1149 = arith.constant 16 : i32
          %add3A_1150 = vector.broadcast %add3A_1149 : i32 to vector<16xi32>
          %add3A_1151 = arith.addi %broadcast_in_dim3A_1145, %add3A_1150 : vector<16xi32>
          %select_n3A_1152 = arith.select %lt3A_1148, %add3A_1151, %broadcast_in_dim3A_1145 : vector<16xi1>, vector<16xi32>
          %broadcast_in_dim3A_1153 = vector.shape_cast %select_n3A_1152 : vector<16xi32> to vector<16x1xi32>
          %gather3A_1154 = vector.shape_cast %broadcast_in_dim3A_1153 : vector<16x1xi32> to vector<16xi32>
          %gather3A_1155 = tpu.dynamic_gather %scan3A_653#1[%gather3A_1154] in [0] : vector<16xi32>, vector<16xi32> -> vector<16xi32>
          %mul3A_1156 = arith.constant 16 : i32
          %mul3A_1157 = vector.broadcast %mul3A_1156 : i32 to vector<16xi32>
          %mul3A_1158 = arith.muli %gather3A_1155, %mul3A_1157 : vector<16xi32>
          %add3A_1159 = arith.addi %mul3A_1158, %iota3A : vector<16xi32>
          %gather3A_1160 = tpu.vector_load_idx %arg6[%add3A_1159] : memref<24576xf32, #tpu.memory_space<vmem>>[vector<16xi32>], vector<16xf32>,
          %add3A_1161 = arith.constant 8192 : i32
          %add3A_1162 = vector.broadcast %add3A_1161 : i32 to vector<16xi32>
          %add3A_1163 = arith.addi %add3A_1159, %add3A_1162 : vector<16xi32>
          %gather3A_1164 = tpu.vector_load_idx %arg6[%add3A_1163] : memref<24576xf32, #tpu.memory_space<vmem>>[vector<16xi32>], vector<16xf32>,
          %add3A_1165 = arith.constant 16384 : i32
          %add3A_1166 = vector.broadcast %add3A_1165 : i32 to vector<16xi32>
          %add3A_1167 = arith.addi %add3A_1159, %add3A_1166 : vector<16xi32>
          %gather3A_1168 = tpu.vector_load_idx %arg6[%add3A_1167] : memref<24576xf32, #tpu.memory_space<vmem>>[vector<16xi32>], vector<16xf32>,
          %gather3A_1169 = tpu.vector_load_idx %arg7[%add3A_1159] : memref<8192xf32, #tpu.memory_space<vmem>>[vector<16xi32>], vector<16xf32>,
          %mul3A_1170 = arith.mulf %gather3A_1160, %gather3A_234 : vector<16xf32>
          %mul3A_1171 = arith.mulf %gather3A_1164, %gather3A_244 : vector<16xf32>
          %add3A_1172 = arith.addf %mul3A_1170, %mul3A_1171 : vector<16xf32>
          %mul3A_1173 = arith.mulf %gather3A_1168, %gather3A_254 : vector<16xf32>
          %add3A_1174 = arith.addf %add3A_1172, %mul3A_1173 : vector<16xf32>
          %add3A_1175 = arith.addf %gather3A_1169, %add3A_1174 : vector<16xf32>
          %sub3A_1176 = arith.subf %add3A_1175, %gather3A_264 : vector<16xf32>
          %masked_sort3A = arith.constant dense<true> : vector<16xi1>
          %masked_sort3A_1177, %masked_sort3A_1178, %masked_sort3A_1179 = tpu.sort %sub3A_1176, %add3A_1159 masked %masked_sort3A {descending = true} : (vector<16xf32>, vector<16xi32>, vector<16xi1>) -> (vector<16xi1>, vector<16xf32>, vector<16xi32>)
          %gt3A = arith.cmpf ogt, %masked_sort3A_1178, %scan3A_1143 : vector<16xf32>
          %select_n3A_1180 = arith.select %gt3A, %masked_sort3A_1178, %scan3A_1143 : vector<16xi1>, vector<16xf32>
          %select_n3A_1181 = arith.select %gt3A, %masked_sort3A_1179, %scan3A_1144 : vector<16xi1>, vector<16xi32>
          %masked_sort3A_1182 = arith.constant dense<true> : vector<16xi1>
          %masked_sort3A_1183, %masked_sort3A_1184, %masked_sort3A_1185 = tpu.sort %select_n3A_1180, %select_n3A_1181 masked %masked_sort3A_1182 : (vector<16xf32>, vector<16xi32>, vector<16xi1>) -> (vector<16xi1>, vector<16xf32>, vector<16xi32>)
          scf.yield %masked_sort3A_1184, %masked_sort3A_1185 : vector<16xf32>, vector<16xi32>
        }
        %scan3A_660 = arith.constant 16 : i32
        %rev3A_661 = arith.constant 15 : i32
        %rev3A_662 = vector.broadcast %rev3A_661 : i32 to vector<16xi32>
        %rev3A_663 = tpu.iota {dimensions = array<i32: 0>} : vector<16xi32>
        %rev3A_664 = arith.subi %rev3A_662, %rev3A_663 : vector<16xi32>
        %rev3A_665 = tpu.dynamic_gather %scan3A_659#1[%rev3A_664] in [0] : vector<16xi32>, vector<16xi32> -> vector<16xi32>
        %broadcast_in_dim3A_666 = arith.constant 0 : i32
        %broadcast_in_dim3A_667 = vector.broadcast %broadcast_in_dim3A_666 : i32 to vector<16xi32>
        %gather3A_668 = tpu.vector_load_idx %arg5[%broadcast_in_dim3A_667, %rev3A_665] : memref<5x8192xf32, #tpu.memory_space<vmem>>[vector<16xi32>, vector<16xi32>], vector<16xf32>,
        %mul3A_669 = arith.constant 8 : i32
        %mul3A_670 = arith.muli %scan3A_75, %mul3A_669 : i32
        %add3A_671 = arith.constant 2 : i32
        %add3A_672 = arith.addi %mul3A_670, %add3A_671 : i32
        %mul3A_673 = arith.constant 16 : i32
        %mul3A_674 = arith.muli %add3A_672, %mul3A_673 : i32
        %swap3A_675 = arith.constant 0 : i32
        %swap3A_676 = arith.index_cast %swap3A_675 : i32 to index
        %swap3A_677 = arith.index_cast %mul3A_674 : i32 to index
        %swap3A_678 = tpu.vector_load %arg11[%swap3A_676, %swap3A_677] {strides = array<i32>} : memref<5x1024xf32, #tpu.memory_space<vmem>>, vector<16xf32>,
        tpu.vector_store %arg11[%swap3A_676, %swap3A_677], %gather3A_668 {strides = array<i32>} : memref<5x1024xf32, #tpu.memory_space<vmem>>, vector<16xf32>,
        %broadcast_in_dim3A_679 = arith.constant 1 : i32
        %broadcast_in_dim3A_680 = vector.broadcast %broadcast_in_dim3A_679 : i32 to vector<16xi32>
        %gather3A_681 = tpu.vector_load_idx %arg5[%broadcast_in_dim3A_680, %rev3A_665] : memref<5x8192xf32, #tpu.memory_space<vmem>>[vector<16xi32>, vector<16xi32>], vector<16xf32>,
        %mul3A_682 = arith.constant 8 : i32
        %mul3A_683 = arith.muli %scan3A_75, %mul3A_682 : i32
        %add3A_684 = arith.constant 2 : i32
        %add3A_685 = arith.addi %mul3A_683, %add3A_684 : i32
        %mul3A_686 = arith.constant 16 : i32
        %mul3A_687 = arith.muli %add3A_685, %mul3A_686 : i32
        %swap3A_688 = arith.constant 1 : i32
        %swap3A_689 = arith.index_cast %swap3A_688 : i32 to index
        %swap3A_690 = arith.index_cast %mul3A_687 : i32 to index
        %swap3A_691 = tpu.vector_load %arg11[%swap3A_689, %swap3A_690] {strides = array<i32>} : memref<5x1024xf32, #tpu.memory_space<vmem>>, vector<16xf32>,
        tpu.vector_store %arg11[%swap3A_689, %swap3A_690], %gather3A_681 {strides = array<i32>} : memref<5x1024xf32, #tpu.memory_space<vmem>>, vector<16xf32>,
        %broadcast_in_dim3A_692 = arith.constant 2 : i32
        %broadcast_in_dim3A_693 = vector.broadcast %broadcast_in_dim3A_692 : i32 to vector<16xi32>
        %gather3A_694 = tpu.vector_load_idx %arg5[%broadcast_in_dim3A_693, %rev3A_665] : memref<5x8192xf32, #tpu.memory_space<vmem>>[vector<16xi32>, vector<16xi32>], vector<16xf32>,
        %mul3A_695 = arith.constant 8 : i32
        %mul3A_696 = arith.muli %scan3A_75, %mul3A_695 : i32
        %add3A_697 = arith.constant 2 : i32
        %add3A_698 = arith.addi %mul3A_696, %add3A_697 : i32
        %mul3A_699 = arith.constant 16 : i32
        %mul3A_700 = arith.muli %add3A_698, %mul3A_699 : i32
        %swap3A_701 = arith.constant 2 : i32
        %swap3A_702 = arith.index_cast %swap3A_701 : i32 to index
        %swap3A_703 = arith.index_cast %mul3A_700 : i32 to index
        %swap3A_704 = tpu.vector_load %arg11[%swap3A_702, %swap3A_703] {strides = array<i32>} : memref<5x1024xf32, #tpu.memory_space<vmem>>, vector<16xf32>,
        tpu.vector_store %arg11[%swap3A_702, %swap3A_703], %gather3A_694 {strides = array<i32>} : memref<5x1024xf32, #tpu.memory_space<vmem>>, vector<16xf32>,
        %broadcast_in_dim3A_705 = arith.constant 3 : i32
        %broadcast_in_dim3A_706 = vector.broadcast %broadcast_in_dim3A_705 : i32 to vector<16xi32>
        %gather3A_707 = tpu.vector_load_idx %arg5[%broadcast_in_dim3A_706, %rev3A_665] : memref<5x8192xf32, #tpu.memory_space<vmem>>[vector<16xi32>, vector<16xi32>], vector<16xf32>,
        %mul3A_708 = arith.constant 8 : i32
        %mul3A_709 = arith.muli %scan3A_75, %mul3A_708 : i32
        %add3A_710 = arith.constant 2 : i32
        %add3A_711 = arith.addi %mul3A_709, %add3A_710 : i32
        %mul3A_712 = arith.constant 16 : i32
        %mul3A_713 = arith.muli %add3A_711, %mul3A_712 : i32
        %swap3A_714 = arith.constant 3 : i32
        %swap3A_715 = arith.index_cast %swap3A_714 : i32 to index
        %swap3A_716 = arith.index_cast %mul3A_713 : i32 to index
        %swap3A_717 = tpu.vector_load %arg11[%swap3A_715, %swap3A_716] {strides = array<i32>} : memref<5x1024xf32, #tpu.memory_space<vmem>>, vector<16xf32>,
        tpu.vector_store %arg11[%swap3A_715, %swap3A_716], %gather3A_707 {strides = array<i32>} : memref<5x1024xf32, #tpu.memory_space<vmem>>, vector<16xf32>,
        %broadcast_in_dim3A_718 = arith.constant 4 : i32
        %broadcast_in_dim3A_719 = vector.broadcast %broadcast_in_dim3A_718 : i32 to vector<16xi32>
        %gather3A_720 = tpu.vector_load_idx %arg5[%broadcast_in_dim3A_719, %rev3A_665] : memref<5x8192xf32, #tpu.memory_space<vmem>>[vector<16xi32>, vector<16xi32>], vector<16xf32>,
        %mul3A_721 = arith.constant 8 : i32
        %mul3A_722 = arith.muli %scan3A_75, %mul3A_721 : i32
        %add3A_723 = arith.constant 2 : i32
        %add3A_724 = arith.addi %mul3A_722, %add3A_723 : i32
        %mul3A_725 = arith.constant 16 : i32
        %mul3A_726 = arith.muli %add3A_724, %mul3A_725 : i32
        %swap3A_727 = arith.constant 4 : i32
        %swap3A_728 = arith.index_cast %swap3A_727 : i32 to index
        %swap3A_729 = arith.index_cast %mul3A_726 : i32 to index
        %swap3A_730 = tpu.vector_load %arg11[%swap3A_728, %swap3A_729] {strides = array<i32>} : memref<5x1024xf32, #tpu.memory_space<vmem>>, vector<16xf32>,
        tpu.vector_store %arg11[%swap3A_728, %swap3A_729], %gather3A_720 {strides = array<i32>} : memref<5x1024xf32, #tpu.memory_space<vmem>>, vector<16xf32>,
        %scan3A_731 = arith.constant 0 : i32
        %scan3A_732 = arith.constant 32 : i32
        %scan3A_733 = arith.addi %scan3A_731, %scan3A_732 : i32
        %scan3A_734 = arith.constant 1 : i32
        %scan3A_735:2 = scf.for %scan3A_1142 = %scan3A_731 to %scan3A_733 step %scan3A_734 iter_args(%scan3A_1143 = %broadcast_in_dim3A_53, %scan3A_1144 = %broadcast_in_dim3A_51) -> (vector<16xf32>, vector<16xi32>)  : i32 {
          %mul3A_1145 = arith.constant 16 : i32
          %mul3A_1146 = arith.muli %scan3A_1142, %mul3A_1145 : i32
          %add3A_1147 = arith.constant 1536 : i32
          %add3A_1148 = arith.addi %add3A_1147, %mul3A_1146 : i32
          %get3A_1149 = arith.index_cast %add3A_1148 : i32 to index
          %get3A_1150 = tpu.vector_load %arg10[%get3A_1149] {strides = array<i32>} : memref<4112xf32, #tpu.memory_space<vmem>>, vector<16xf32>,
          %mul3A_1151 = arith.constant 16 : i32
          %mul3A_1152 = arith.muli %scan3A_1142, %mul3A_1151 : i32
          %add3A_1153 = vector.broadcast %mul3A_1152 : i32 to vector<16xi32>
          %add3A_1154 = arith.addi %add3A_1153, %iota3A : vector<16xi32>
          %masked_sort3A = arith.constant dense<true> : vector<16xi1>
          %masked_sort3A_1155, %masked_sort3A_1156, %masked_sort3A_1157 = tpu.sort %get3A_1150, %add3A_1154 masked %masked_sort3A {descending = true} : (vector<16xf32>, vector<16xi32>, vector<16xi1>) -> (vector<16xi1>, vector<16xf32>, vector<16xi32>)
          %gt3A = arith.cmpf ogt, %masked_sort3A_1156, %scan3A_1143 : vector<16xf32>
          %select_n3A_1158 = arith.select %gt3A, %masked_sort3A_1156, %scan3A_1143 : vector<16xi1>, vector<16xf32>
          %select_n3A_1159 = arith.select %gt3A, %masked_sort3A_1157, %scan3A_1144 : vector<16xi1>, vector<16xi32>
          %masked_sort3A_1160 = arith.constant dense<true> : vector<16xi1>
          %masked_sort3A_1161, %masked_sort3A_1162, %masked_sort3A_1163 = tpu.sort %select_n3A_1158, %select_n3A_1159 masked %masked_sort3A_1160 : (vector<16xf32>, vector<16xi32>, vector<16xi1>) -> (vector<16xi1>, vector<16xf32>, vector<16xi32>)
          scf.yield %masked_sort3A_1162, %masked_sort3A_1163 : vector<16xf32>, vector<16xi32>
        }
        %scan3A_736 = arith.constant 32 : i32
        %scan3A_737 = arith.constant 0 : i32
        %scan3A_738 = arith.constant 16 : i32
        %scan3A_739 = arith.addi %scan3A_737, %scan3A_738 : i32
        %scan3A_740 = arith.constant 1 : i32
        %scan3A_741:2 = scf.for %scan3A_1142 = %scan3A_737 to %scan3A_739 step %scan3A_740 iter_args(%scan3A_1143 = %broadcast_in_dim3A_53, %scan3A_1144 = %broadcast_in_dim3A_51) -> (vector<16xf32>, vector<16xi32>)  : i32 {
          %broadcast_in_dim3A_1145 = vector.broadcast %scan3A_1142 : i32 to vector<16xi32>
          %lt3A_1146 = arith.constant 0 : i32
          %lt3A_1147 = vector.broadcast %lt3A_1146 : i32 to vector<16xi32>
          %lt3A_1148 = arith.cmpi slt, %broadcast_in_dim3A_1145, %lt3A_1147 : vector<16xi32>
          %add3A_1149 = arith.constant 16 : i32
          %add3A_1150 = vector.broadcast %add3A_1149 : i32 to vector<16xi32>
          %add3A_1151 = arith.addi %broadcast_in_dim3A_1145, %add3A_1150 : vector<16xi32>
          %select_n3A_1152 = arith.select %lt3A_1148, %add3A_1151, %broadcast_in_dim3A_1145 : vector<16xi1>, vector<16xi32>
          %broadcast_in_dim3A_1153 = vector.shape_cast %select_n3A_1152 : vector<16xi32> to vector<16x1xi32>
          %gather3A_1154 = vector.shape_cast %broadcast_in_dim3A_1153 : vector<16x1xi32> to vector<16xi32>
          %gather3A_1155 = tpu.dynamic_gather %scan3A_735#1[%gather3A_1154] in [0] : vector<16xi32>, vector<16xi32> -> vector<16xi32>
          %mul3A_1156 = arith.constant 16 : i32
          %mul3A_1157 = vector.broadcast %mul3A_1156 : i32 to vector<16xi32>
          %mul3A_1158 = arith.muli %gather3A_1155, %mul3A_1157 : vector<16xi32>
          %add3A_1159 = arith.addi %mul3A_1158, %iota3A : vector<16xi32>
          %gather3A_1160 = tpu.vector_load_idx %arg6[%add3A_1159] : memref<24576xf32, #tpu.memory_space<vmem>>[vector<16xi32>], vector<16xf32>,
          %add3A_1161 = arith.constant 8192 : i32
          %add3A_1162 = vector.broadcast %add3A_1161 : i32 to vector<16xi32>
          %add3A_1163 = arith.addi %add3A_1159, %add3A_1162 : vector<16xi32>
          %gather3A_1164 = tpu.vector_load_idx %arg6[%add3A_1163] : memref<24576xf32, #tpu.memory_space<vmem>>[vector<16xi32>], vector<16xf32>,
          %add3A_1165 = arith.constant 16384 : i32
          %add3A_1166 = vector.broadcast %add3A_1165 : i32 to vector<16xi32>
          %add3A_1167 = arith.addi %add3A_1159, %add3A_1166 : vector<16xi32>
          %gather3A_1168 = tpu.vector_load_idx %arg6[%add3A_1167] : memref<24576xf32, #tpu.memory_space<vmem>>[vector<16xi32>], vector<16xf32>,
          %gather3A_1169 = tpu.vector_load_idx %arg7[%add3A_1159] : memref<8192xf32, #tpu.memory_space<vmem>>[vector<16xi32>], vector<16xf32>,
          %mul3A_1170 = arith.mulf %gather3A_1160, %gather3A_277 : vector<16xf32>
          %mul3A_1171 = arith.mulf %gather3A_1164, %gather3A_287 : vector<16xf32>
          %add3A_1172 = arith.addf %mul3A_1170, %mul3A_1171 : vector<16xf32>
          %mul3A_1173 = arith.mulf %gather3A_1168, %gather3A_297 : vector<16xf32>
          %add3A_1174 = arith.addf %add3A_1172, %mul3A_1173 : vector<16xf32>
          %add3A_1175 = arith.addf %gather3A_1169, %add3A_1174 : vector<16xf32>
          %sub3A_1176 = arith.subf %add3A_1175, %gather3A_307 : vector<16xf32>
          %masked_sort3A = arith.constant dense<true> : vector<16xi1>
          %masked_sort3A_1177, %masked_sort3A_1178, %masked_sort3A_1179 = tpu.sort %sub3A_1176, %add3A_1159 masked %masked_sort3A {descending = true} : (vector<16xf32>, vector<16xi32>, vector<16xi1>) -> (vector<16xi1>, vector<16xf32>, vector<16xi32>)
          %gt3A = arith.cmpf ogt, %masked_sort3A_1178, %scan3A_1143 : vector<16xf32>
          %select_n3A_1180 = arith.select %gt3A, %masked_sort3A_1178, %scan3A_1143 : vector<16xi1>, vector<16xf32>
          %select_n3A_1181 = arith.select %gt3A, %masked_sort3A_1179, %scan3A_1144 : vector<16xi1>, vector<16xi32>
          %masked_sort3A_1182 = arith.constant dense<true> : vector<16xi1>
          %masked_sort3A_1183, %masked_sort3A_1184, %masked_sort3A_1185 = tpu.sort %select_n3A_1180, %select_n3A_1181 masked %masked_sort3A_1182 : (vector<16xf32>, vector<16xi32>, vector<16xi1>) -> (vector<16xi1>, vector<16xf32>, vector<16xi32>)
          scf.yield %masked_sort3A_1184, %masked_sort3A_1185 : vector<16xf32>, vector<16xi32>
        }
        %scan3A_742 = arith.constant 16 : i32
        %rev3A_743 = arith.constant 15 : i32
        %rev3A_744 = vector.broadcast %rev3A_743 : i32 to vector<16xi32>
        %rev3A_745 = tpu.iota {dimensions = array<i32: 0>} : vector<16xi32>
        %rev3A_746 = arith.subi %rev3A_744, %rev3A_745 : vector<16xi32>
        %rev3A_747 = tpu.dynamic_gather %scan3A_741#1[%rev3A_746] in [0] : vector<16xi32>, vector<16xi32> -> vector<16xi32>
        %broadcast_in_dim3A_748 = arith.constant 0 : i32
        %broadcast_in_dim3A_749 = vector.broadcast %broadcast_in_dim3A_748 : i32 to vector<16xi32>
        %gather3A_750 = tpu.vector_load_idx %arg5[%broadcast_in_dim3A_749, %rev3A_747] : memref<5x8192xf32, #tpu.memory_space<vmem>>[vector<16xi32>, vector<16xi32>], vector<16xf32>,
        %mul3A_751 = arith.constant 8 : i32
        %mul3A_752 = arith.muli %scan3A_75, %mul3A_751 : i32
        %add3A_753 = arith.constant 3 : i32
        %add3A_754 = arith.addi %mul3A_752, %add3A_753 : i32
        %mul3A_755 = arith.constant 16 : i32
        %mul3A_756 = arith.muli %add3A_754, %mul3A_755 : i32
        %swap3A_757 = arith.constant 0 : i32
        %swap3A_758 = arith.index_cast %swap3A_757 : i32 to index
        %swap3A_759 = arith.index_cast %mul3A_756 : i32 to index
        %swap3A_760 = tpu.vector_load %arg11[%swap3A_758, %swap3A_759] {strides = array<i32>} : memref<5x1024xf32, #tpu.memory_space<vmem>>, vector<16xf32>,
        tpu.vector_store %arg11[%swap3A_758, %swap3A_759], %gather3A_750 {strides = array<i32>} : memref<5x1024xf32, #tpu.memory_space<vmem>>, vector<16xf32>,
        %broadcast_in_dim3A_761 = arith.constant 1 : i32
        %broadcast_in_dim3A_762 = vector.broadcast %broadcast_in_dim3A_761 : i32 to vector<16xi32>
        %gather3A_763 = tpu.vector_load_idx %arg5[%broadcast_in_dim3A_762, %rev3A_747] : memref<5x8192xf32, #tpu.memory_space<vmem>>[vector<16xi32>, vector<16xi32>], vector<16xf32>,
        %mul3A_764 = arith.constant 8 : i32
        %mul3A_765 = arith.muli %scan3A_75, %mul3A_764 : i32
        %add3A_766 = arith.constant 3 : i32
        %add3A_767 = arith.addi %mul3A_765, %add3A_766 : i32
        %mul3A_768 = arith.constant 16 : i32
        %mul3A_769 = arith.muli %add3A_767, %mul3A_768 : i32
        %swap3A_770 = arith.constant 1 : i32
        %swap3A_771 = arith.index_cast %swap3A_770 : i32 to index
        %swap3A_772 = arith.index_cast %mul3A_769 : i32 to index
        %swap3A_773 = tpu.vector_load %arg11[%swap3A_771, %swap3A_772] {strides = array<i32>} : memref<5x1024xf32, #tpu.memory_space<vmem>>, vector<16xf32>,
        tpu.vector_store %arg11[%swap3A_771, %swap3A_772], %gather3A_763 {strides = array<i32>} : memref<5x1024xf32, #tpu.memory_space<vmem>>, vector<16xf32>,
        %broadcast_in_dim3A_774 = arith.constant 2 : i32
        %broadcast_in_dim3A_775 = vector.broadcast %broadcast_in_dim3A_774 : i32 to vector<16xi32>
        %gather3A_776 = tpu.vector_load_idx %arg5[%broadcast_in_dim3A_775, %rev3A_747] : memref<5x8192xf32, #tpu.memory_space<vmem>>[vector<16xi32>, vector<16xi32>], vector<16xf32>,
        %mul3A_777 = arith.constant 8 : i32
        %mul3A_778 = arith.muli %scan3A_75, %mul3A_777 : i32
        %add3A_779 = arith.constant 3 : i32
        %add3A_780 = arith.addi %mul3A_778, %add3A_779 : i32
        %mul3A_781 = arith.constant 16 : i32
        %mul3A_782 = arith.muli %add3A_780, %mul3A_781 : i32
        %swap3A_783 = arith.constant 2 : i32
        %swap3A_784 = arith.index_cast %swap3A_783 : i32 to index
        %swap3A_785 = arith.index_cast %mul3A_782 : i32 to index
        %swap3A_786 = tpu.vector_load %arg11[%swap3A_784, %swap3A_785] {strides = array<i32>} : memref<5x1024xf32, #tpu.memory_space<vmem>>, vector<16xf32>,
        tpu.vector_store %arg11[%swap3A_784, %swap3A_785], %gather3A_776 {strides = array<i32>} : memref<5x1024xf32, #tpu.memory_space<vmem>>, vector<16xf32>,
        %broadcast_in_dim3A_787 = arith.constant 3 : i32
        %broadcast_in_dim3A_788 = vector.broadcast %broadcast_in_dim3A_787 : i32 to vector<16xi32>
        %gather3A_789 = tpu.vector_load_idx %arg5[%broadcast_in_dim3A_788, %rev3A_747] : memref<5x8192xf32, #tpu.memory_space<vmem>>[vector<16xi32>, vector<16xi32>], vector<16xf32>,
        %mul3A_790 = arith.constant 8 : i32
        %mul3A_791 = arith.muli %scan3A_75, %mul3A_790 : i32
        %add3A_792 = arith.constant 3 : i32
        %add3A_793 = arith.addi %mul3A_791, %add3A_792 : i32
        %mul3A_794 = arith.constant 16 : i32
        %mul3A_795 = arith.muli %add3A_793, %mul3A_794 : i32
        %swap3A_796 = arith.constant 3 : i32
        %swap3A_797 = arith.index_cast %swap3A_796 : i32 to index
        %swap3A_798 = arith.index_cast %mul3A_795 : i32 to index
        %swap3A_799 = tpu.vector_load %arg11[%swap3A_797, %swap3A_798] {strides = array<i32>} : memref<5x1024xf32, #tpu.memory_space<vmem>>, vector<16xf32>,
        tpu.vector_store %arg11[%swap3A_797, %swap3A_798], %gather3A_789 {strides = array<i32>} : memref<5x1024xf32, #tpu.memory_space<vmem>>, vector<16xf32>,
        %broadcast_in_dim3A_800 = arith.constant 4 : i32
        %broadcast_in_dim3A_801 = vector.broadcast %broadcast_in_dim3A_800 : i32 to vector<16xi32>
        %gather3A_802 = tpu.vector_load_idx %arg5[%broadcast_in_dim3A_801, %rev3A_747] : memref<5x8192xf32, #tpu.memory_space<vmem>>[vector<16xi32>, vector<16xi32>], vector<16xf32>,
        %mul3A_803 = arith.constant 8 : i32
        %mul3A_804 = arith.muli %scan3A_75, %mul3A_803 : i32
        %add3A_805 = arith.constant 3 : i32
        %add3A_806 = arith.addi %mul3A_804, %add3A_805 : i32
        %mul3A_807 = arith.constant 16 : i32
        %mul3A_808 = arith.muli %add3A_806, %mul3A_807 : i32
        %swap3A_809 = arith.constant 4 : i32
        %swap3A_810 = arith.index_cast %swap3A_809 : i32 to index
        %swap3A_811 = arith.index_cast %mul3A_808 : i32 to index
        %swap3A_812 = tpu.vector_load %arg11[%swap3A_810, %swap3A_811] {strides = array<i32>} : memref<5x1024xf32, #tpu.memory_space<vmem>>, vector<16xf32>,
        tpu.vector_store %arg11[%swap3A_810, %swap3A_811], %gather3A_802 {strides = array<i32>} : memref<5x1024xf32, #tpu.memory_space<vmem>>, vector<16xf32>,
        %scan3A_813 = arith.constant 0 : i32
        %scan3A_814 = arith.constant 32 : i32
        %scan3A_815 = arith.addi %scan3A_813, %scan3A_814 : i32
        %scan3A_816 = arith.constant 1 : i32
        %scan3A_817:2 = scf.for %scan3A_1142 = %scan3A_813 to %scan3A_815 step %scan3A_816 iter_args(%scan3A_1143 = %broadcast_in_dim3A_53, %scan3A_1144 = %broadcast_in_dim3A_51) -> (vector<16xf32>, vector<16xi32>)  : i32 {
          %mul3A_1145 = arith.constant 16 : i32
          %mul3A_1146 = arith.muli %scan3A_1142, %mul3A_1145 : i32
          %add3A_1147 = arith.constant 2048 : i32
          %add3A_1148 = arith.addi %add3A_1147, %mul3A_1146 : i32
          %get3A_1149 = arith.index_cast %add3A_1148 : i32 to index
          %get3A_1150 = tpu.vector_load %arg10[%get3A_1149] {strides = array<i32>} : memref<4112xf32, #tpu.memory_space<vmem>>, vector<16xf32>,
          %mul3A_1151 = arith.constant 16 : i32
          %mul3A_1152 = arith.muli %scan3A_1142, %mul3A_1151 : i32
          %add3A_1153 = vector.broadcast %mul3A_1152 : i32 to vector<16xi32>
          %add3A_1154 = arith.addi %add3A_1153, %iota3A : vector<16xi32>
          %masked_sort3A = arith.constant dense<true> : vector<16xi1>
          %masked_sort3A_1155, %masked_sort3A_1156, %masked_sort3A_1157 = tpu.sort %get3A_1150, %add3A_1154 masked %masked_sort3A {descending = true} : (vector<16xf32>, vector<16xi32>, vector<16xi1>) -> (vector<16xi1>, vector<16xf32>, vector<16xi32>)
          %gt3A = arith.cmpf ogt, %masked_sort3A_1156, %scan3A_1143 : vector<16xf32>
          %select_n3A_1158 = arith.select %gt3A, %masked_sort3A_1156, %scan3A_1143 : vector<16xi1>, vector<16xf32>
          %select_n3A_1159 = arith.select %gt3A, %masked_sort3A_1157, %scan3A_1144 : vector<16xi1>, vector<16xi32>
          %masked_sort3A_1160 = arith.constant dense<true> : vector<16xi1>
          %masked_sort3A_1161, %masked_sort3A_1162, %masked_sort3A_1163 = tpu.sort %select_n3A_1158, %select_n3A_1159 masked %masked_sort3A_1160 : (vector<16xf32>, vector<16xi32>, vector<16xi1>) -> (vector<16xi1>, vector<16xf32>, vector<16xi32>)
          scf.yield %masked_sort3A_1162, %masked_sort3A_1163 : vector<16xf32>, vector<16xi32>
        }
        %scan3A_818 = arith.constant 32 : i32
        %scan3A_819 = arith.constant 0 : i32
        %scan3A_820 = arith.constant 16 : i32
        %scan3A_821 = arith.addi %scan3A_819, %scan3A_820 : i32
        %scan3A_822 = arith.constant 1 : i32
        %scan3A_823:2 = scf.for %scan3A_1142 = %scan3A_819 to %scan3A_821 step %scan3A_822 iter_args(%scan3A_1143 = %broadcast_in_dim3A_53, %scan3A_1144 = %broadcast_in_dim3A_51) -> (vector<16xf32>, vector<16xi32>)  : i32 {
          %broadcast_in_dim3A_1145 = vector.broadcast %scan3A_1142 : i32 to vector<16xi32>
          %lt3A_1146 = arith.constant 0 : i32
          %lt3A_1147 = vector.broadcast %lt3A_1146 : i32 to vector<16xi32>
          %lt3A_1148 = arith.cmpi slt, %broadcast_in_dim3A_1145, %lt3A_1147 : vector<16xi32>
          %add3A_1149 = arith.constant 16 : i32
          %add3A_1150 = vector.broadcast %add3A_1149 : i32 to vector<16xi32>
          %add3A_1151 = arith.addi %broadcast_in_dim3A_1145, %add3A_1150 : vector<16xi32>
          %select_n3A_1152 = arith.select %lt3A_1148, %add3A_1151, %broadcast_in_dim3A_1145 : vector<16xi1>, vector<16xi32>
          %broadcast_in_dim3A_1153 = vector.shape_cast %select_n3A_1152 : vector<16xi32> to vector<16x1xi32>
          %gather3A_1154 = vector.shape_cast %broadcast_in_dim3A_1153 : vector<16x1xi32> to vector<16xi32>
          %gather3A_1155 = tpu.dynamic_gather %scan3A_817#1[%gather3A_1154] in [0] : vector<16xi32>, vector<16xi32> -> vector<16xi32>
          %mul3A_1156 = arith.constant 16 : i32
          %mul3A_1157 = vector.broadcast %mul3A_1156 : i32 to vector<16xi32>
          %mul3A_1158 = arith.muli %gather3A_1155, %mul3A_1157 : vector<16xi32>
          %add3A_1159 = arith.addi %mul3A_1158, %iota3A : vector<16xi32>
          %gather3A_1160 = tpu.vector_load_idx %arg6[%add3A_1159] : memref<24576xf32, #tpu.memory_space<vmem>>[vector<16xi32>], vector<16xf32>,
          %add3A_1161 = arith.constant 8192 : i32
          %add3A_1162 = vector.broadcast %add3A_1161 : i32 to vector<16xi32>
          %add3A_1163 = arith.addi %add3A_1159, %add3A_1162 : vector<16xi32>
          %gather3A_1164 = tpu.vector_load_idx %arg6[%add3A_1163] : memref<24576xf32, #tpu.memory_space<vmem>>[vector<16xi32>], vector<16xf32>,
          %add3A_1165 = arith.constant 16384 : i32
          %add3A_1166 = vector.broadcast %add3A_1165 : i32 to vector<16xi32>
          %add3A_1167 = arith.addi %add3A_1159, %add3A_1166 : vector<16xi32>
          %gather3A_1168 = tpu.vector_load_idx %arg6[%add3A_1167] : memref<24576xf32, #tpu.memory_space<vmem>>[vector<16xi32>], vector<16xf32>,
          %gather3A_1169 = tpu.vector_load_idx %arg7[%add3A_1159] : memref<8192xf32, #tpu.memory_space<vmem>>[vector<16xi32>], vector<16xf32>,
          %mul3A_1170 = arith.mulf %gather3A_1160, %gather3A_320 : vector<16xf32>
          %mul3A_1171 = arith.mulf %gather3A_1164, %gather3A_330 : vector<16xf32>
          %add3A_1172 = arith.addf %mul3A_1170, %mul3A_1171 : vector<16xf32>
          %mul3A_1173 = arith.mulf %gather3A_1168, %gather3A_340 : vector<16xf32>
          %add3A_1174 = arith.addf %add3A_1172, %mul3A_1173 : vector<16xf32>
          %add3A_1175 = arith.addf %gather3A_1169, %add3A_1174 : vector<16xf32>
          %sub3A_1176 = arith.subf %add3A_1175, %gather3A_350 : vector<16xf32>
          %masked_sort3A = arith.constant dense<true> : vector<16xi1>
          %masked_sort3A_1177, %masked_sort3A_1178, %masked_sort3A_1179 = tpu.sort %sub3A_1176, %add3A_1159 masked %masked_sort3A {descending = true} : (vector<16xf32>, vector<16xi32>, vector<16xi1>) -> (vector<16xi1>, vector<16xf32>, vector<16xi32>)
          %gt3A = arith.cmpf ogt, %masked_sort3A_1178, %scan3A_1143 : vector<16xf32>
          %select_n3A_1180 = arith.select %gt3A, %masked_sort3A_1178, %scan3A_1143 : vector<16xi1>, vector<16xf32>
          %select_n3A_1181 = arith.select %gt3A, %masked_sort3A_1179, %scan3A_1144 : vector<16xi1>, vector<16xi32>
          %masked_sort3A_1182 = arith.constant dense<true> : vector<16xi1>
          %masked_sort3A_1183, %masked_sort3A_1184, %masked_sort3A_1185 = tpu.sort %select_n3A_1180, %select_n3A_1181 masked %masked_sort3A_1182 : (vector<16xf32>, vector<16xi32>, vector<16xi1>) -> (vector<16xi1>, vector<16xf32>, vector<16xi32>)
          scf.yield %masked_sort3A_1184, %masked_sort3A_1185 : vector<16xf32>, vector<16xi32>
        }
        %scan3A_824 = arith.constant 16 : i32
        %rev3A_825 = arith.constant 15 : i32
        %rev3A_826 = vector.broadcast %rev3A_825 : i32 to vector<16xi32>
        %rev3A_827 = tpu.iota {dimensions = array<i32: 0>} : vector<16xi32>
        %rev3A_828 = arith.subi %rev3A_826, %rev3A_827 : vector<16xi32>
        %rev3A_829 = tpu.dynamic_gather %scan3A_823#1[%rev3A_828] in [0] : vector<16xi32>, vector<16xi32> -> vector<16xi32>
        %broadcast_in_dim3A_830 = arith.constant 0 : i32
        %broadcast_in_dim3A_831 = vector.broadcast %broadcast_in_dim3A_830 : i32 to vector<16xi32>
        %gather3A_832 = tpu.vector_load_idx %arg5[%broadcast_in_dim3A_831, %rev3A_829] : memref<5x8192xf32, #tpu.memory_space<vmem>>[vector<16xi32>, vector<16xi32>], vector<16xf32>,
        %mul3A_833 = arith.constant 8 : i32
        %mul3A_834 = arith.muli %scan3A_75, %mul3A_833 : i32
        %add3A_835 = arith.constant 4 : i32
        %add3A_836 = arith.addi %mul3A_834, %add3A_835 : i32
        %mul3A_837 = arith.constant 16 : i32
        %mul3A_838 = arith.muli %add3A_836, %mul3A_837 : i32
        %swap3A_839 = arith.constant 0 : i32
        %swap3A_840 = arith.index_cast %swap3A_839 : i32 to index
        %swap3A_841 = arith.index_cast %mul3A_838 : i32 to index
        %swap3A_842 = tpu.vector_load %arg11[%swap3A_840, %swap3A_841] {strides = array<i32>} : memref<5x1024xf32, #tpu.memory_space<vmem>>, vector<16xf32>,
        tpu.vector_store %arg11[%swap3A_840, %swap3A_841], %gather3A_832 {strides = array<i32>} : memref<5x1024xf32, #tpu.memory_space<vmem>>, vector<16xf32>,
        %broadcast_in_dim3A_843 = arith.constant 1 : i32
        %broadcast_in_dim3A_844 = vector.broadcast %broadcast_in_dim3A_843 : i32 to vector<16xi32>
        %gather3A_845 = tpu.vector_load_idx %arg5[%broadcast_in_dim3A_844, %rev3A_829] : memref<5x8192xf32, #tpu.memory_space<vmem>>[vector<16xi32>, vector<16xi32>], vector<16xf32>,
        %mul3A_846 = arith.constant 8 : i32
        %mul3A_847 = arith.muli %scan3A_75, %mul3A_846 : i32
        %add3A_848 = arith.constant 4 : i32
        %add3A_849 = arith.addi %mul3A_847, %add3A_848 : i32
        %mul3A_850 = arith.constant 16 : i32
        %mul3A_851 = arith.muli %add3A_849, %mul3A_850 : i32
        %swap3A_852 = arith.constant 1 : i32
        %swap3A_853 = arith.index_cast %swap3A_852 : i32 to index
        %swap3A_854 = arith.index_cast %mul3A_851 : i32 to index
        %swap3A_855 = tpu.vector_load %arg11[%swap3A_853, %swap3A_854] {strides = array<i32>} : memref<5x1024xf32, #tpu.memory_space<vmem>>, vector<16xf32>,
        tpu.vector_store %arg11[%swap3A_853, %swap3A_854], %gather3A_845 {strides = array<i32>} : memref<5x1024xf32, #tpu.memory_space<vmem>>, vector<16xf32>,
        %broadcast_in_dim3A_856 = arith.constant 2 : i32
        %broadcast_in_dim3A_857 = vector.broadcast %broadcast_in_dim3A_856 : i32 to vector<16xi32>
        %gather3A_858 = tpu.vector_load_idx %arg5[%broadcast_in_dim3A_857, %rev3A_829] : memref<5x8192xf32, #tpu.memory_space<vmem>>[vector<16xi32>, vector<16xi32>], vector<16xf32>,
        %mul3A_859 = arith.constant 8 : i32
        %mul3A_860 = arith.muli %scan3A_75, %mul3A_859 : i32
        %add3A_861 = arith.constant 4 : i32
        %add3A_862 = arith.addi %mul3A_860, %add3A_861 : i32
        %mul3A_863 = arith.constant 16 : i32
        %mul3A_864 = arith.muli %add3A_862, %mul3A_863 : i32
        %swap3A_865 = arith.constant 2 : i32
        %swap3A_866 = arith.index_cast %swap3A_865 : i32 to index
        %swap3A_867 = arith.index_cast %mul3A_864 : i32 to index
        %swap3A_868 = tpu.vector_load %arg11[%swap3A_866, %swap3A_867] {strides = array<i32>} : memref<5x1024xf32, #tpu.memory_space<vmem>>, vector<16xf32>,
        tpu.vector_store %arg11[%swap3A_866, %swap3A_867], %gather3A_858 {strides = array<i32>} : memref<5x1024xf32, #tpu.memory_space<vmem>>, vector<16xf32>,
        %broadcast_in_dim3A_869 = arith.constant 3 : i32
        %broadcast_in_dim3A_870 = vector.broadcast %broadcast_in_dim3A_869 : i32 to vector<16xi32>
        %gather3A_871 = tpu.vector_load_idx %arg5[%broadcast_in_dim3A_870, %rev3A_829] : memref<5x8192xf32, #tpu.memory_space<vmem>>[vector<16xi32>, vector<16xi32>], vector<16xf32>,
        %mul3A_872 = arith.constant 8 : i32
        %mul3A_873 = arith.muli %scan3A_75, %mul3A_872 : i32
        %add3A_874 = arith.constant 4 : i32
        %add3A_875 = arith.addi %mul3A_873, %add3A_874 : i32
        %mul3A_876 = arith.constant 16 : i32
        %mul3A_877 = arith.muli %add3A_875, %mul3A_876 : i32
        %swap3A_878 = arith.constant 3 : i32
        %swap3A_879 = arith.index_cast %swap3A_878 : i32 to index
        %swap3A_880 = arith.index_cast %mul3A_877 : i32 to index
        %swap3A_881 = tpu.vector_load %arg11[%swap3A_879, %swap3A_880] {strides = array<i32>} : memref<5x1024xf32, #tpu.memory_space<vmem>>, vector<16xf32>,
        tpu.vector_store %arg11[%swap3A_879, %swap3A_880], %gather3A_871 {strides = array<i32>} : memref<5x1024xf32, #tpu.memory_space<vmem>>, vector<16xf32>,
        %broadcast_in_dim3A_882 = arith.constant 4 : i32
        %broadcast_in_dim3A_883 = vector.broadcast %broadcast_in_dim3A_882 : i32 to vector<16xi32>
        %gather3A_884 = tpu.vector_load_idx %arg5[%broadcast_in_dim3A_883, %rev3A_829] : memref<5x8192xf32, #tpu.memory_space<vmem>>[vector<16xi32>, vector<16xi32>], vector<16xf32>,
        %mul3A_885 = arith.constant 8 : i32
        %mul3A_886 = arith.muli %scan3A_75, %mul3A_885 : i32
        %add3A_887 = arith.constant 4 : i32
        %add3A_888 = arith.addi %mul3A_886, %add3A_887 : i32
        %mul3A_889 = arith.constant 16 : i32
        %mul3A_890 = arith.muli %add3A_888, %mul3A_889 : i32
        %swap3A_891 = arith.constant 4 : i32
        %swap3A_892 = arith.index_cast %swap3A_891 : i32 to index
        %swap3A_893 = arith.index_cast %mul3A_890 : i32 to index
        %swap3A_894 = tpu.vector_load %arg11[%swap3A_892, %swap3A_893] {strides = array<i32>} : memref<5x1024xf32, #tpu.memory_space<vmem>>, vector<16xf32>,
        tpu.vector_store %arg11[%swap3A_892, %swap3A_893], %gather3A_884 {strides = array<i32>} : memref<5x1024xf32, #tpu.memory_space<vmem>>, vector<16xf32>,
        %scan3A_895 = arith.constant 0 : i32
        %scan3A_896 = arith.constant 32 : i32
        %scan3A_897 = arith.addi %scan3A_895, %scan3A_896 : i32
        %scan3A_898 = arith.constant 1 : i32
        %scan3A_899:2 = scf.for %scan3A_1142 = %scan3A_895 to %scan3A_897 step %scan3A_898 iter_args(%scan3A_1143 = %broadcast_in_dim3A_53, %scan3A_1144 = %broadcast_in_dim3A_51) -> (vector<16xf32>, vector<16xi32>)  : i32 {
          %mul3A_1145 = arith.constant 16 : i32
          %mul3A_1146 = arith.muli %scan3A_1142, %mul3A_1145 : i32
          %add3A_1147 = arith.constant 2560 : i32
          %add3A_1148 = arith.addi %add3A_1147, %mul3A_1146 : i32
          %get3A_1149 = arith.index_cast %add3A_1148 : i32 to index
          %get3A_1150 = tpu.vector_load %arg10[%get3A_1149] {strides = array<i32>} : memref<4112xf32, #tpu.memory_space<vmem>>, vector<16xf32>,
          %mul3A_1151 = arith.constant 16 : i32
          %mul3A_1152 = arith.muli %scan3A_1142, %mul3A_1151 : i32
          %add3A_1153 = vector.broadcast %mul3A_1152 : i32 to vector<16xi32>
          %add3A_1154 = arith.addi %add3A_1153, %iota3A : vector<16xi32>
          %masked_sort3A = arith.constant dense<true> : vector<16xi1>
          %masked_sort3A_1155, %masked_sort3A_1156, %masked_sort3A_1157 = tpu.sort %get3A_1150, %add3A_1154 masked %masked_sort3A {descending = true} : (vector<16xf32>, vector<16xi32>, vector<16xi1>) -> (vector<16xi1>, vector<16xf32>, vector<16xi32>)
          %gt3A = arith.cmpf ogt, %masked_sort3A_1156, %scan3A_1143 : vector<16xf32>
          %select_n3A_1158 = arith.select %gt3A, %masked_sort3A_1156, %scan3A_1143 : vector<16xi1>, vector<16xf32>
          %select_n3A_1159 = arith.select %gt3A, %masked_sort3A_1157, %scan3A_1144 : vector<16xi1>, vector<16xi32>
          %masked_sort3A_1160 = arith.constant dense<true> : vector<16xi1>
          %masked_sort3A_1161, %masked_sort3A_1162, %masked_sort3A_1163 = tpu.sort %select_n3A_1158, %select_n3A_1159 masked %masked_sort3A_1160 : (vector<16xf32>, vector<16xi32>, vector<16xi1>) -> (vector<16xi1>, vector<16xf32>, vector<16xi32>)
          scf.yield %masked_sort3A_1162, %masked_sort3A_1163 : vector<16xf32>, vector<16xi32>
        }
        %scan3A_900 = arith.constant 32 : i32
        %scan3A_901 = arith.constant 0 : i32
        %scan3A_902 = arith.constant 16 : i32
        %scan3A_903 = arith.addi %scan3A_901, %scan3A_902 : i32
        %scan3A_904 = arith.constant 1 : i32
        %scan3A_905:2 = scf.for %scan3A_1142 = %scan3A_901 to %scan3A_903 step %scan3A_904 iter_args(%scan3A_1143 = %broadcast_in_dim3A_53, %scan3A_1144 = %broadcast_in_dim3A_51) -> (vector<16xf32>, vector<16xi32>)  : i32 {
          %broadcast_in_dim3A_1145 = vector.broadcast %scan3A_1142 : i32 to vector<16xi32>
          %lt3A_1146 = arith.constant 0 : i32
          %lt3A_1147 = vector.broadcast %lt3A_1146 : i32 to vector<16xi32>
          %lt3A_1148 = arith.cmpi slt, %broadcast_in_dim3A_1145, %lt3A_1147 : vector<16xi32>
          %add3A_1149 = arith.constant 16 : i32
          %add3A_1150 = vector.broadcast %add3A_1149 : i32 to vector<16xi32>
          %add3A_1151 = arith.addi %broadcast_in_dim3A_1145, %add3A_1150 : vector<16xi32>
          %select_n3A_1152 = arith.select %lt3A_1148, %add3A_1151, %broadcast_in_dim3A_1145 : vector<16xi1>, vector<16xi32>
          %broadcast_in_dim3A_1153 = vector.shape_cast %select_n3A_1152 : vector<16xi32> to vector<16x1xi32>
          %gather3A_1154 = vector.shape_cast %broadcast_in_dim3A_1153 : vector<16x1xi32> to vector<16xi32>
          %gather3A_1155 = tpu.dynamic_gather %scan3A_899#1[%gather3A_1154] in [0] : vector<16xi32>, vector<16xi32> -> vector<16xi32>
          %mul3A_1156 = arith.constant 16 : i32
          %mul3A_1157 = vector.broadcast %mul3A_1156 : i32 to vector<16xi32>
          %mul3A_1158 = arith.muli %gather3A_1155, %mul3A_1157 : vector<16xi32>
          %add3A_1159 = arith.addi %mul3A_1158, %iota3A : vector<16xi32>
          %gather3A_1160 = tpu.vector_load_idx %arg6[%add3A_1159] : memref<24576xf32, #tpu.memory_space<vmem>>[vector<16xi32>], vector<16xf32>,
          %add3A_1161 = arith.constant 8192 : i32
          %add3A_1162 = vector.broadcast %add3A_1161 : i32 to vector<16xi32>
          %add3A_1163 = arith.addi %add3A_1159, %add3A_1162 : vector<16xi32>
          %gather3A_1164 = tpu.vector_load_idx %arg6[%add3A_1163] : memref<24576xf32, #tpu.memory_space<vmem>>[vector<16xi32>], vector<16xf32>,
          %add3A_1165 = arith.constant 16384 : i32
          %add3A_1166 = vector.broadcast %add3A_1165 : i32 to vector<16xi32>
          %add3A_1167 = arith.addi %add3A_1159, %add3A_1166 : vector<16xi32>
          %gather3A_1168 = tpu.vector_load_idx %arg6[%add3A_1167] : memref<24576xf32, #tpu.memory_space<vmem>>[vector<16xi32>], vector<16xf32>,
          %gather3A_1169 = tpu.vector_load_idx %arg7[%add3A_1159] : memref<8192xf32, #tpu.memory_space<vmem>>[vector<16xi32>], vector<16xf32>,
          %mul3A_1170 = arith.mulf %gather3A_1160, %gather3A_363 : vector<16xf32>
          %mul3A_1171 = arith.mulf %gather3A_1164, %gather3A_373 : vector<16xf32>
          %add3A_1172 = arith.addf %mul3A_1170, %mul3A_1171 : vector<16xf32>
          %mul3A_1173 = arith.mulf %gather3A_1168, %gather3A_383 : vector<16xf32>
          %add3A_1174 = arith.addf %add3A_1172, %mul3A_1173 : vector<16xf32>
          %add3A_1175 = arith.addf %gather3A_1169, %add3A_1174 : vector<16xf32>
          %sub3A_1176 = arith.subf %add3A_1175, %gather3A_393 : vector<16xf32>
          %masked_sort3A = arith.constant dense<true> : vector<16xi1>
          %masked_sort3A_1177, %masked_sort3A_1178, %masked_sort3A_1179 = tpu.sort %sub3A_1176, %add3A_1159 masked %masked_sort3A {descending = true} : (vector<16xf32>, vector<16xi32>, vector<16xi1>) -> (vector<16xi1>, vector<16xf32>, vector<16xi32>)
          %gt3A = arith.cmpf ogt, %masked_sort3A_1178, %scan3A_1143 : vector<16xf32>
          %select_n3A_1180 = arith.select %gt3A, %masked_sort3A_1178, %scan3A_1143 : vector<16xi1>, vector<16xf32>
          %select_n3A_1181 = arith.select %gt3A, %masked_sort3A_1179, %scan3A_1144 : vector<16xi1>, vector<16xi32>
          %masked_sort3A_1182 = arith.constant dense<true> : vector<16xi1>
          %masked_sort3A_1183, %masked_sort3A_1184, %masked_sort3A_1185 = tpu.sort %select_n3A_1180, %select_n3A_1181 masked %masked_sort3A_1182 : (vector<16xf32>, vector<16xi32>, vector<16xi1>) -> (vector<16xi1>, vector<16xf32>, vector<16xi32>)
          scf.yield %masked_sort3A_1184, %masked_sort3A_1185 : vector<16xf32>, vector<16xi32>
        }
        %scan3A_906 = arith.constant 16 : i32
        %rev3A_907 = arith.constant 15 : i32
        %rev3A_908 = vector.broadcast %rev3A_907 : i32 to vector<16xi32>
        %rev3A_909 = tpu.iota {dimensions = array<i32: 0>} : vector<16xi32>
        %rev3A_910 = arith.subi %rev3A_908, %rev3A_909 : vector<16xi32>
        %rev3A_911 = tpu.dynamic_gather %scan3A_905#1[%rev3A_910] in [0] : vector<16xi32>, vector<16xi32> -> vector<16xi32>
        %broadcast_in_dim3A_912 = arith.constant 0 : i32
        %broadcast_in_dim3A_913 = vector.broadcast %broadcast_in_dim3A_912 : i32 to vector<16xi32>
        %gather3A_914 = tpu.vector_load_idx %arg5[%broadcast_in_dim3A_913, %rev3A_911] : memref<5x8192xf32, #tpu.memory_space<vmem>>[vector<16xi32>, vector<16xi32>], vector<16xf32>,
        %mul3A_915 = arith.constant 8 : i32
        %mul3A_916 = arith.muli %scan3A_75, %mul3A_915 : i32
        %add3A_917 = arith.constant 5 : i32
        %add3A_918 = arith.addi %mul3A_916, %add3A_917 : i32
        %mul3A_919 = arith.constant 16 : i32
        %mul3A_920 = arith.muli %add3A_918, %mul3A_919 : i32
        %swap3A_921 = arith.constant 0 : i32
        %swap3A_922 = arith.index_cast %swap3A_921 : i32 to index
        %swap3A_923 = arith.index_cast %mul3A_920 : i32 to index
        %swap3A_924 = tpu.vector_load %arg11[%swap3A_922, %swap3A_923] {strides = array<i32>} : memref<5x1024xf32, #tpu.memory_space<vmem>>, vector<16xf32>,
        tpu.vector_store %arg11[%swap3A_922, %swap3A_923], %gather3A_914 {strides = array<i32>} : memref<5x1024xf32, #tpu.memory_space<vmem>>, vector<16xf32>,
        %broadcast_in_dim3A_925 = arith.constant 1 : i32
        %broadcast_in_dim3A_926 = vector.broadcast %broadcast_in_dim3A_925 : i32 to vector<16xi32>
        %gather3A_927 = tpu.vector_load_idx %arg5[%broadcast_in_dim3A_926, %rev3A_911] : memref<5x8192xf32, #tpu.memory_space<vmem>>[vector<16xi32>, vector<16xi32>], vector<16xf32>,
        %mul3A_928 = arith.constant 8 : i32
        %mul3A_929 = arith.muli %scan3A_75, %mul3A_928 : i32
        %add3A_930 = arith.constant 5 : i32
        %add3A_931 = arith.addi %mul3A_929, %add3A_930 : i32
        %mul3A_932 = arith.constant 16 : i32
        %mul3A_933 = arith.muli %add3A_931, %mul3A_932 : i32
        %swap3A_934 = arith.constant 1 : i32
        %swap3A_935 = arith.index_cast %swap3A_934 : i32 to index
        %swap3A_936 = arith.index_cast %mul3A_933 : i32 to index
        %swap3A_937 = tpu.vector_load %arg11[%swap3A_935, %swap3A_936] {strides = array<i32>} : memref<5x1024xf32, #tpu.memory_space<vmem>>, vector<16xf32>,
        tpu.vector_store %arg11[%swap3A_935, %swap3A_936], %gather3A_927 {strides = array<i32>} : memref<5x1024xf32, #tpu.memory_space<vmem>>, vector<16xf32>,
        %broadcast_in_dim3A_938 = arith.constant 2 : i32
        %broadcast_in_dim3A_939 = vector.broadcast %broadcast_in_dim3A_938 : i32 to vector<16xi32>
        %gather3A_940 = tpu.vector_load_idx %arg5[%broadcast_in_dim3A_939, %rev3A_911] : memref<5x8192xf32, #tpu.memory_space<vmem>>[vector<16xi32>, vector<16xi32>], vector<16xf32>,
        %mul3A_941 = arith.constant 8 : i32
        %mul3A_942 = arith.muli %scan3A_75, %mul3A_941 : i32
        %add3A_943 = arith.constant 5 : i32
        %add3A_944 = arith.addi %mul3A_942, %add3A_943 : i32
        %mul3A_945 = arith.constant 16 : i32
        %mul3A_946 = arith.muli %add3A_944, %mul3A_945 : i32
        %swap3A_947 = arith.constant 2 : i32
        %swap3A_948 = arith.index_cast %swap3A_947 : i32 to index
        %swap3A_949 = arith.index_cast %mul3A_946 : i32 to index
        %swap3A_950 = tpu.vector_load %arg11[%swap3A_948, %swap3A_949] {strides = array<i32>} : memref<5x1024xf32, #tpu.memory_space<vmem>>, vector<16xf32>,
        tpu.vector_store %arg11[%swap3A_948, %swap3A_949], %gather3A_940 {strides = array<i32>} : memref<5x1024xf32, #tpu.memory_space<vmem>>, vector<16xf32>,
        %broadcast_in_dim3A_951 = arith.constant 3 : i32
        %broadcast_in_dim3A_952 = vector.broadcast %broadcast_in_dim3A_951 : i32 to vector<16xi32>
        %gather3A_953 = tpu.vector_load_idx %arg5[%broadcast_in_dim3A_952, %rev3A_911] : memref<5x8192xf32, #tpu.memory_space<vmem>>[vector<16xi32>, vector<16xi32>], vector<16xf32>,
        %mul3A_954 = arith.constant 8 : i32
        %mul3A_955 = arith.muli %scan3A_75, %mul3A_954 : i32
        %add3A_956 = arith.constant 5 : i32
        %add3A_957 = arith.addi %mul3A_955, %add3A_956 : i32
        %mul3A_958 = arith.constant 16 : i32
        %mul3A_959 = arith.muli %add3A_957, %mul3A_958 : i32
        %swap3A_960 = arith.constant 3 : i32
        %swap3A_961 = arith.index_cast %swap3A_960 : i32 to index
        %swap3A_962 = arith.index_cast %mul3A_959 : i32 to index
        %swap3A_963 = tpu.vector_load %arg11[%swap3A_961, %swap3A_962] {strides = array<i32>} : memref<5x1024xf32, #tpu.memory_space<vmem>>, vector<16xf32>,
        tpu.vector_store %arg11[%swap3A_961, %swap3A_962], %gather3A_953 {strides = array<i32>} : memref<5x1024xf32, #tpu.memory_space<vmem>>, vector<16xf32>,
        %broadcast_in_dim3A_964 = arith.constant 4 : i32
        %broadcast_in_dim3A_965 = vector.broadcast %broadcast_in_dim3A_964 : i32 to vector<16xi32>
        %gather3A_966 = tpu.vector_load_idx %arg5[%broadcast_in_dim3A_965, %rev3A_911] : memref<5x8192xf32, #tpu.memory_space<vmem>>[vector<16xi32>, vector<16xi32>], vector<16xf32>,
        %mul3A_967 = arith.constant 8 : i32
        %mul3A_968 = arith.muli %scan3A_75, %mul3A_967 : i32
        %add3A_969 = arith.constant 5 : i32
        %add3A_970 = arith.addi %mul3A_968, %add3A_969 : i32
        %mul3A_971 = arith.constant 16 : i32
        %mul3A_972 = arith.muli %add3A_970, %mul3A_971 : i32
        %swap3A_973 = arith.constant 4 : i32
        %swap3A_974 = arith.index_cast %swap3A_973 : i32 to index
        %swap3A_975 = arith.index_cast %mul3A_972 : i32 to index
        %swap3A_976 = tpu.vector_load %arg11[%swap3A_974, %swap3A_975] {strides = array<i32>} : memref<5x1024xf32, #tpu.memory_space<vmem>>, vector<16xf32>,
        tpu.vector_store %arg11[%swap3A_974, %swap3A_975], %gather3A_966 {strides = array<i32>} : memref<5x1024xf32, #tpu.memory_space<vmem>>, vector<16xf32>,
        %scan3A_977 = arith.constant 0 : i32
        %scan3A_978 = arith.constant 32 : i32
        %scan3A_979 = arith.addi %scan3A_977, %scan3A_978 : i32
        %scan3A_980 = arith.constant 1 : i32
        %scan3A_981:2 = scf.for %scan3A_1142 = %scan3A_977 to %scan3A_979 step %scan3A_980 iter_args(%scan3A_1143 = %broadcast_in_dim3A_53, %scan3A_1144 = %broadcast_in_dim3A_51) -> (vector<16xf32>, vector<16xi32>)  : i32 {
          %mul3A_1145 = arith.constant 16 : i32
          %mul3A_1146 = arith.muli %scan3A_1142, %mul3A_1145 : i32
          %add3A_1147 = arith.constant 3072 : i32
          %add3A_1148 = arith.addi %add3A_1147, %mul3A_1146 : i32
          %get3A_1149 = arith.index_cast %add3A_1148 : i32 to index
          %get3A_1150 = tpu.vector_load %arg10[%get3A_1149] {strides = array<i32>} : memref<4112xf32, #tpu.memory_space<vmem>>, vector<16xf32>,
          %mul3A_1151 = arith.constant 16 : i32
          %mul3A_1152 = arith.muli %scan3A_1142, %mul3A_1151 : i32
          %add3A_1153 = vector.broadcast %mul3A_1152 : i32 to vector<16xi32>
          %add3A_1154 = arith.addi %add3A_1153, %iota3A : vector<16xi32>
          %masked_sort3A = arith.constant dense<true> : vector<16xi1>
          %masked_sort3A_1155, %masked_sort3A_1156, %masked_sort3A_1157 = tpu.sort %get3A_1150, %add3A_1154 masked %masked_sort3A {descending = true} : (vector<16xf32>, vector<16xi32>, vector<16xi1>) -> (vector<16xi1>, vector<16xf32>, vector<16xi32>)
          %gt3A = arith.cmpf ogt, %masked_sort3A_1156, %scan3A_1143 : vector<16xf32>
          %select_n3A_1158 = arith.select %gt3A, %masked_sort3A_1156, %scan3A_1143 : vector<16xi1>, vector<16xf32>
          %select_n3A_1159 = arith.select %gt3A, %masked_sort3A_1157, %scan3A_1144 : vector<16xi1>, vector<16xi32>
          %masked_sort3A_1160 = arith.constant dense<true> : vector<16xi1>
          %masked_sort3A_1161, %masked_sort3A_1162, %masked_sort3A_1163 = tpu.sort %select_n3A_1158, %select_n3A_1159 masked %masked_sort3A_1160 : (vector<16xf32>, vector<16xi32>, vector<16xi1>) -> (vector<16xi1>, vector<16xf32>, vector<16xi32>)
          scf.yield %masked_sort3A_1162, %masked_sort3A_1163 : vector<16xf32>, vector<16xi32>
        }
        %scan3A_982 = arith.constant 32 : i32
        %scan3A_983 = arith.constant 0 : i32
        %scan3A_984 = arith.constant 16 : i32
        %scan3A_985 = arith.addi %scan3A_983, %scan3A_984 : i32
        %scan3A_986 = arith.constant 1 : i32
        %scan3A_987:2 = scf.for %scan3A_1142 = %scan3A_983 to %scan3A_985 step %scan3A_986 iter_args(%scan3A_1143 = %broadcast_in_dim3A_53, %scan3A_1144 = %broadcast_in_dim3A_51) -> (vector<16xf32>, vector<16xi32>)  : i32 {
          %broadcast_in_dim3A_1145 = vector.broadcast %scan3A_1142 : i32 to vector<16xi32>
          %lt3A_1146 = arith.constant 0 : i32
          %lt3A_1147 = vector.broadcast %lt3A_1146 : i32 to vector<16xi32>
          %lt3A_1148 = arith.cmpi slt, %broadcast_in_dim3A_1145, %lt3A_1147 : vector<16xi32>
          %add3A_1149 = arith.constant 16 : i32
          %add3A_1150 = vector.broadcast %add3A_1149 : i32 to vector<16xi32>
          %add3A_1151 = arith.addi %broadcast_in_dim3A_1145, %add3A_1150 : vector<16xi32>
          %select_n3A_1152 = arith.select %lt3A_1148, %add3A_1151, %broadcast_in_dim3A_1145 : vector<16xi1>, vector<16xi32>
          %broadcast_in_dim3A_1153 = vector.shape_cast %select_n3A_1152 : vector<16xi32> to vector<16x1xi32>
          %gather3A_1154 = vector.shape_cast %broadcast_in_dim3A_1153 : vector<16x1xi32> to vector<16xi32>
          %gather3A_1155 = tpu.dynamic_gather %scan3A_981#1[%gather3A_1154] in [0] : vector<16xi32>, vector<16xi32> -> vector<16xi32>
          %mul3A_1156 = arith.constant 16 : i32
          %mul3A_1157 = vector.broadcast %mul3A_1156 : i32 to vector<16xi32>
          %mul3A_1158 = arith.muli %gather3A_1155, %mul3A_1157 : vector<16xi32>
          %add3A_1159 = arith.addi %mul3A_1158, %iota3A : vector<16xi32>
          %gather3A_1160 = tpu.vector_load_idx %arg6[%add3A_1159] : memref<24576xf32, #tpu.memory_space<vmem>>[vector<16xi32>], vector<16xf32>,
          %add3A_1161 = arith.constant 8192 : i32
          %add3A_1162 = vector.broadcast %add3A_1161 : i32 to vector<16xi32>
          %add3A_1163 = arith.addi %add3A_1159, %add3A_1162 : vector<16xi32>
          %gather3A_1164 = tpu.vector_load_idx %arg6[%add3A_1163] : memref<24576xf32, #tpu.memory_space<vmem>>[vector<16xi32>], vector<16xf32>,
          %add3A_1165 = arith.constant 16384 : i32
          %add3A_1166 = vector.broadcast %add3A_1165 : i32 to vector<16xi32>
          %add3A_1167 = arith.addi %add3A_1159, %add3A_1166 : vector<16xi32>
          %gather3A_1168 = tpu.vector_load_idx %arg6[%add3A_1167] : memref<24576xf32, #tpu.memory_space<vmem>>[vector<16xi32>], vector<16xf32>,
          %gather3A_1169 = tpu.vector_load_idx %arg7[%add3A_1159] : memref<8192xf32, #tpu.memory_space<vmem>>[vector<16xi32>], vector<16xf32>,
          %mul3A_1170 = arith.mulf %gather3A_1160, %gather3A_406 : vector<16xf32>
          %mul3A_1171 = arith.mulf %gather3A_1164, %gather3A_416 : vector<16xf32>
          %add3A_1172 = arith.addf %mul3A_1170, %mul3A_1171 : vector<16xf32>
          %mul3A_1173 = arith.mulf %gather3A_1168, %gather3A_426 : vector<16xf32>
          %add3A_1174 = arith.addf %add3A_1172, %mul3A_1173 : vector<16xf32>
          %add3A_1175 = arith.addf %gather3A_1169, %add3A_1174 : vector<16xf32>
          %sub3A_1176 = arith.subf %add3A_1175, %gather3A_436 : vector<16xf32>
          %masked_sort3A = arith.constant dense<true> : vector<16xi1>
          %masked_sort3A_1177, %masked_sort3A_1178, %masked_sort3A_1179 = tpu.sort %sub3A_1176, %add3A_1159 masked %masked_sort3A {descending = true} : (vector<16xf32>, vector<16xi32>, vector<16xi1>) -> (vector<16xi1>, vector<16xf32>, vector<16xi32>)
          %gt3A = arith.cmpf ogt, %masked_sort3A_1178, %scan3A_1143 : vector<16xf32>
          %select_n3A_1180 = arith.select %gt3A, %masked_sort3A_1178, %scan3A_1143 : vector<16xi1>, vector<16xf32>
          %select_n3A_1181 = arith.select %gt3A, %masked_sort3A_1179, %scan3A_1144 : vector<16xi1>, vector<16xi32>
          %masked_sort3A_1182 = arith.constant dense<true> : vector<16xi1>
          %masked_sort3A_1183, %masked_sort3A_1184, %masked_sort3A_1185 = tpu.sort %select_n3A_1180, %select_n3A_1181 masked %masked_sort3A_1182 : (vector<16xf32>, vector<16xi32>, vector<16xi1>) -> (vector<16xi1>, vector<16xf32>, vector<16xi32>)
          scf.yield %masked_sort3A_1184, %masked_sort3A_1185 : vector<16xf32>, vector<16xi32>
        }
        %scan3A_988 = arith.constant 16 : i32
        %rev3A_989 = arith.constant 15 : i32
        %rev3A_990 = vector.broadcast %rev3A_989 : i32 to vector<16xi32>
        %rev3A_991 = tpu.iota {dimensions = array<i32: 0>} : vector<16xi32>
        %rev3A_992 = arith.subi %rev3A_990, %rev3A_991 : vector<16xi32>
        %rev3A_993 = tpu.dynamic_gather %scan3A_987#1[%rev3A_992] in [0] : vector<16xi32>, vector<16xi32> -> vector<16xi32>
        %broadcast_in_dim3A_994 = arith.constant 0 : i32
        %broadcast_in_dim3A_995 = vector.broadcast %broadcast_in_dim3A_994 : i32 to vector<16xi32>
        %gather3A_996 = tpu.vector_load_idx %arg5[%broadcast_in_dim3A_995, %rev3A_993] : memref<5x8192xf32, #tpu.memory_space<vmem>>[vector<16xi32>, vector<16xi32>], vector<16xf32>,
        %mul3A_997 = arith.constant 8 : i32
        %mul3A_998 = arith.muli %scan3A_75, %mul3A_997 : i32
        %add3A_999 = arith.constant 6 : i32
        %add3A_1000 = arith.addi %mul3A_998, %add3A_999 : i32
        %mul3A_1001 = arith.constant 16 : i32
        %mul3A_1002 = arith.muli %add3A_1000, %mul3A_1001 : i32
        %swap3A_1003 = arith.constant 0 : i32
        %swap3A_1004 = arith.index_cast %swap3A_1003 : i32 to index
        %swap3A_1005 = arith.index_cast %mul3A_1002 : i32 to index
        %swap3A_1006 = tpu.vector_load %arg11[%swap3A_1004, %swap3A_1005] {strides = array<i32>} : memref<5x1024xf32, #tpu.memory_space<vmem>>, vector<16xf32>,
        tpu.vector_store %arg11[%swap3A_1004, %swap3A_1005], %gather3A_996 {strides = array<i32>} : memref<5x1024xf32, #tpu.memory_space<vmem>>, vector<16xf32>,
        %broadcast_in_dim3A_1007 = arith.constant 1 : i32
        %broadcast_in_dim3A_1008 = vector.broadcast %broadcast_in_dim3A_1007 : i32 to vector<16xi32>
        %gather3A_1009 = tpu.vector_load_idx %arg5[%broadcast_in_dim3A_1008, %rev3A_993] : memref<5x8192xf32, #tpu.memory_space<vmem>>[vector<16xi32>, vector<16xi32>], vector<16xf32>,
        %mul3A_1010 = arith.constant 8 : i32
        %mul3A_1011 = arith.muli %scan3A_75, %mul3A_1010 : i32
        %add3A_1012 = arith.constant 6 : i32
        %add3A_1013 = arith.addi %mul3A_1011, %add3A_1012 : i32
        %mul3A_1014 = arith.constant 16 : i32
        %mul3A_1015 = arith.muli %add3A_1013, %mul3A_1014 : i32
        %swap3A_1016 = arith.constant 1 : i32
        %swap3A_1017 = arith.index_cast %swap3A_1016 : i32 to index
        %swap3A_1018 = arith.index_cast %mul3A_1015 : i32 to index
        %swap3A_1019 = tpu.vector_load %arg11[%swap3A_1017, %swap3A_1018] {strides = array<i32>} : memref<5x1024xf32, #tpu.memory_space<vmem>>, vector<16xf32>,
        tpu.vector_store %arg11[%swap3A_1017, %swap3A_1018], %gather3A_1009 {strides = array<i32>} : memref<5x1024xf32, #tpu.memory_space<vmem>>, vector<16xf32>,
        %broadcast_in_dim3A_1020 = arith.constant 2 : i32
        %broadcast_in_dim3A_1021 = vector.broadcast %broadcast_in_dim3A_1020 : i32 to vector<16xi32>
        %gather3A_1022 = tpu.vector_load_idx %arg5[%broadcast_in_dim3A_1021, %rev3A_993] : memref<5x8192xf32, #tpu.memory_space<vmem>>[vector<16xi32>, vector<16xi32>], vector<16xf32>,
        %mul3A_1023 = arith.constant 8 : i32
        %mul3A_1024 = arith.muli %scan3A_75, %mul3A_1023 : i32
        %add3A_1025 = arith.constant 6 : i32
        %add3A_1026 = arith.addi %mul3A_1024, %add3A_1025 : i32
        %mul3A_1027 = arith.constant 16 : i32
        %mul3A_1028 = arith.muli %add3A_1026, %mul3A_1027 : i32
        %swap3A_1029 = arith.constant 2 : i32
        %swap3A_1030 = arith.index_cast %swap3A_1029 : i32 to index
        %swap3A_1031 = arith.index_cast %mul3A_1028 : i32 to index
        %swap3A_1032 = tpu.vector_load %arg11[%swap3A_1030, %swap3A_1031] {strides = array<i32>} : memref<5x1024xf32, #tpu.memory_space<vmem>>, vector<16xf32>,
        tpu.vector_store %arg11[%swap3A_1030, %swap3A_1031], %gather3A_1022 {strides = array<i32>} : memref<5x1024xf32, #tpu.memory_space<vmem>>, vector<16xf32>,
        %broadcast_in_dim3A_1033 = arith.constant 3 : i32
        %broadcast_in_dim3A_1034 = vector.broadcast %broadcast_in_dim3A_1033 : i32 to vector<16xi32>
        %gather3A_1035 = tpu.vector_load_idx %arg5[%broadcast_in_dim3A_1034, %rev3A_993] : memref<5x8192xf32, #tpu.memory_space<vmem>>[vector<16xi32>, vector<16xi32>], vector<16xf32>,
        %mul3A_1036 = arith.constant 8 : i32
        %mul3A_1037 = arith.muli %scan3A_75, %mul3A_1036 : i32
        %add3A_1038 = arith.constant 6 : i32
        %add3A_1039 = arith.addi %mul3A_1037, %add3A_1038 : i32
        %mul3A_1040 = arith.constant 16 : i32
        %mul3A_1041 = arith.muli %add3A_1039, %mul3A_1040 : i32
        %swap3A_1042 = arith.constant 3 : i32
        %swap3A_1043 = arith.index_cast %swap3A_1042 : i32 to index
        %swap3A_1044 = arith.index_cast %mul3A_1041 : i32 to index
        %swap3A_1045 = tpu.vector_load %arg11[%swap3A_1043, %swap3A_1044] {strides = array<i32>} : memref<5x1024xf32, #tpu.memory_space<vmem>>, vector<16xf32>,
        tpu.vector_store %arg11[%swap3A_1043, %swap3A_1044], %gather3A_1035 {strides = array<i32>} : memref<5x1024xf32, #tpu.memory_space<vmem>>, vector<16xf32>,
        %broadcast_in_dim3A_1046 = arith.constant 4 : i32
        %broadcast_in_dim3A_1047 = vector.broadcast %broadcast_in_dim3A_1046 : i32 to vector<16xi32>
        %gather3A_1048 = tpu.vector_load_idx %arg5[%broadcast_in_dim3A_1047, %rev3A_993] : memref<5x8192xf32, #tpu.memory_space<vmem>>[vector<16xi32>, vector<16xi32>], vector<16xf32>,
        %mul3A_1049 = arith.constant 8 : i32
        %mul3A_1050 = arith.muli %scan3A_75, %mul3A_1049 : i32
        %add3A_1051 = arith.constant 6 : i32
        %add3A_1052 = arith.addi %mul3A_1050, %add3A_1051 : i32
        %mul3A_1053 = arith.constant 16 : i32
        %mul3A_1054 = arith.muli %add3A_1052, %mul3A_1053 : i32
        %swap3A_1055 = arith.constant 4 : i32
        %swap3A_1056 = arith.index_cast %swap3A_1055 : i32 to index
        %swap3A_1057 = arith.index_cast %mul3A_1054 : i32 to index
        %swap3A_1058 = tpu.vector_load %arg11[%swap3A_1056, %swap3A_1057] {strides = array<i32>} : memref<5x1024xf32, #tpu.memory_space<vmem>>, vector<16xf32>,
        tpu.vector_store %arg11[%swap3A_1056, %swap3A_1057], %gather3A_1048 {strides = array<i32>} : memref<5x1024xf32, #tpu.memory_space<vmem>>, vector<16xf32>,
        %scan3A_1059 = arith.constant 0 : i32
        %scan3A_1060 = arith.constant 32 : i32
        %scan3A_1061 = arith.addi %scan3A_1059, %scan3A_1060 : i32
        %scan3A_1062 = arith.constant 1 : i32
        %scan3A_1063:2 = scf.for %scan3A_1142 = %scan3A_1059 to %scan3A_1061 step %scan3A_1062 iter_args(%scan3A_1143 = %broadcast_in_dim3A_53, %scan3A_1144 = %broadcast_in_dim3A_51) -> (vector<16xf32>, vector<16xi32>)  : i32 {
          %mul3A_1145 = arith.constant 16 : i32
          %mul3A_1146 = arith.muli %scan3A_1142, %mul3A_1145 : i32
          %add3A_1147 = arith.constant 3584 : i32
          %add3A_1148 = arith.addi %add3A_1147, %mul3A_1146 : i32
          %get3A_1149 = arith.index_cast %add3A_1148 : i32 to index
          %get3A_1150 = tpu.vector_load %arg10[%get3A_1149] {strides = array<i32>} : memref<4112xf32, #tpu.memory_space<vmem>>, vector<16xf32>,
          %mul3A_1151 = arith.constant 16 : i32
          %mul3A_1152 = arith.muli %scan3A_1142, %mul3A_1151 : i32
          %add3A_1153 = vector.broadcast %mul3A_1152 : i32 to vector<16xi32>
          %add3A_1154 = arith.addi %add3A_1153, %iota3A : vector<16xi32>
          %masked_sort3A = arith.constant dense<true> : vector<16xi1>
          %masked_sort3A_1155, %masked_sort3A_1156, %masked_sort3A_1157 = tpu.sort %get3A_1150, %add3A_1154 masked %masked_sort3A {descending = true} : (vector<16xf32>, vector<16xi32>, vector<16xi1>) -> (vector<16xi1>, vector<16xf32>, vector<16xi32>)
          %gt3A = arith.cmpf ogt, %masked_sort3A_1156, %scan3A_1143 : vector<16xf32>
          %select_n3A_1158 = arith.select %gt3A, %masked_sort3A_1156, %scan3A_1143 : vector<16xi1>, vector<16xf32>
          %select_n3A_1159 = arith.select %gt3A, %masked_sort3A_1157, %scan3A_1144 : vector<16xi1>, vector<16xi32>
          %masked_sort3A_1160 = arith.constant dense<true> : vector<16xi1>
          %masked_sort3A_1161, %masked_sort3A_1162, %masked_sort3A_1163 = tpu.sort %select_n3A_1158, %select_n3A_1159 masked %masked_sort3A_1160 : (vector<16xf32>, vector<16xi32>, vector<16xi1>) -> (vector<16xi1>, vector<16xf32>, vector<16xi32>)
          scf.yield %masked_sort3A_1162, %masked_sort3A_1163 : vector<16xf32>, vector<16xi32>
        }
        %scan3A_1064 = arith.constant 32 : i32
        %scan3A_1065 = arith.constant 0 : i32
        %scan3A_1066 = arith.constant 16 : i32
        %scan3A_1067 = arith.addi %scan3A_1065, %scan3A_1066 : i32
        %scan3A_1068 = arith.constant 1 : i32
        %scan3A_1069:2 = scf.for %scan3A_1142 = %scan3A_1065 to %scan3A_1067 step %scan3A_1068 iter_args(%scan3A_1143 = %broadcast_in_dim3A_53, %scan3A_1144 = %broadcast_in_dim3A_51) -> (vector<16xf32>, vector<16xi32>)  : i32 {
          %broadcast_in_dim3A_1145 = vector.broadcast %scan3A_1142 : i32 to vector<16xi32>
          %lt3A_1146 = arith.constant 0 : i32
          %lt3A_1147 = vector.broadcast %lt3A_1146 : i32 to vector<16xi32>
          %lt3A_1148 = arith.cmpi slt, %broadcast_in_dim3A_1145, %lt3A_1147 : vector<16xi32>
          %add3A_1149 = arith.constant 16 : i32
          %add3A_1150 = vector.broadcast %add3A_1149 : i32 to vector<16xi32>
          %add3A_1151 = arith.addi %broadcast_in_dim3A_1145, %add3A_1150 : vector<16xi32>
          %select_n3A_1152 = arith.select %lt3A_1148, %add3A_1151, %broadcast_in_dim3A_1145 : vector<16xi1>, vector<16xi32>
          %broadcast_in_dim3A_1153 = vector.shape_cast %select_n3A_1152 : vector<16xi32> to vector<16x1xi32>
          %gather3A_1154 = vector.shape_cast %broadcast_in_dim3A_1153 : vector<16x1xi32> to vector<16xi32>
          %gather3A_1155 = tpu.dynamic_gather %scan3A_1063#1[%gather3A_1154] in [0] : vector<16xi32>, vector<16xi32> -> vector<16xi32>
          %mul3A_1156 = arith.constant 16 : i32
          %mul3A_1157 = vector.broadcast %mul3A_1156 : i32 to vector<16xi32>
          %mul3A_1158 = arith.muli %gather3A_1155, %mul3A_1157 : vector<16xi32>
          %add3A_1159 = arith.addi %mul3A_1158, %iota3A : vector<16xi32>
          %gather3A_1160 = tpu.vector_load_idx %arg6[%add3A_1159] : memref<24576xf32, #tpu.memory_space<vmem>>[vector<16xi32>], vector<16xf32>,
          %add3A_1161 = arith.constant 8192 : i32
          %add3A_1162 = vector.broadcast %add3A_1161 : i32 to vector<16xi32>
          %add3A_1163 = arith.addi %add3A_1159, %add3A_1162 : vector<16xi32>
          %gather3A_1164 = tpu.vector_load_idx %arg6[%add3A_1163] : memref<24576xf32, #tpu.memory_space<vmem>>[vector<16xi32>], vector<16xf32>,
          %add3A_1165 = arith.constant 16384 : i32
          %add3A_1166 = vector.broadcast %add3A_1165 : i32 to vector<16xi32>
          %add3A_1167 = arith.addi %add3A_1159, %add3A_1166 : vector<16xi32>
          %gather3A_1168 = tpu.vector_load_idx %arg6[%add3A_1167] : memref<24576xf32, #tpu.memory_space<vmem>>[vector<16xi32>], vector<16xf32>,
          %gather3A_1169 = tpu.vector_load_idx %arg7[%add3A_1159] : memref<8192xf32, #tpu.memory_space<vmem>>[vector<16xi32>], vector<16xf32>,
          %mul3A_1170 = arith.mulf %gather3A_1160, %gather3A_449 : vector<16xf32>
          %mul3A_1171 = arith.mulf %gather3A_1164, %gather3A_459 : vector<16xf32>
          %add3A_1172 = arith.addf %mul3A_1170, %mul3A_1171 : vector<16xf32>
          %mul3A_1173 = arith.mulf %gather3A_1168, %gather3A_469 : vector<16xf32>
          %add3A_1174 = arith.addf %add3A_1172, %mul3A_1173 : vector<16xf32>
          %add3A_1175 = arith.addf %gather3A_1169, %add3A_1174 : vector<16xf32>
          %sub3A_1176 = arith.subf %add3A_1175, %gather3A_479 : vector<16xf32>
          %masked_sort3A = arith.constant dense<true> : vector<16xi1>
          %masked_sort3A_1177, %masked_sort3A_1178, %masked_sort3A_1179 = tpu.sort %sub3A_1176, %add3A_1159 masked %masked_sort3A {descending = true} : (vector<16xf32>, vector<16xi32>, vector<16xi1>) -> (vector<16xi1>, vector<16xf32>, vector<16xi32>)
          %gt3A = arith.cmpf ogt, %masked_sort3A_1178, %scan3A_1143 : vector<16xf32>
          %select_n3A_1180 = arith.select %gt3A, %masked_sort3A_1178, %scan3A_1143 : vector<16xi1>, vector<16xf32>
          %select_n3A_1181 = arith.select %gt3A, %masked_sort3A_1179, %scan3A_1144 : vector<16xi1>, vector<16xi32>
          %masked_sort3A_1182 = arith.constant dense<true> : vector<16xi1>
          %masked_sort3A_1183, %masked_sort3A_1184, %masked_sort3A_1185 = tpu.sort %select_n3A_1180, %select_n3A_1181 masked %masked_sort3A_1182 : (vector<16xf32>, vector<16xi32>, vector<16xi1>) -> (vector<16xi1>, vector<16xf32>, vector<16xi32>)
          scf.yield %masked_sort3A_1184, %masked_sort3A_1185 : vector<16xf32>, vector<16xi32>
        }
        %scan3A_1070 = arith.constant 16 : i32
        %rev3A_1071 = arith.constant 15 : i32
        %rev3A_1072 = vector.broadcast %rev3A_1071 : i32 to vector<16xi32>
        %rev3A_1073 = tpu.iota {dimensions = array<i32: 0>} : vector<16xi32>
        %rev3A_1074 = arith.subi %rev3A_1072, %rev3A_1073 : vector<16xi32>
        %rev3A_1075 = tpu.dynamic_gather %scan3A_1069#1[%rev3A_1074] in [0] : vector<16xi32>, vector<16xi32> -> vector<16xi32>
        %broadcast_in_dim3A_1076 = arith.constant 0 : i32
        %broadcast_in_dim3A_1077 = vector.broadcast %broadcast_in_dim3A_1076 : i32 to vector<16xi32>
        %gather3A_1078 = tpu.vector_load_idx %arg5[%broadcast_in_dim3A_1077, %rev3A_1075] : memref<5x8192xf32, #tpu.memory_space<vmem>>[vector<16xi32>, vector<16xi32>], vector<16xf32>,
        %mul3A_1079 = arith.constant 8 : i32
        %mul3A_1080 = arith.muli %scan3A_75, %mul3A_1079 : i32
        %add3A_1081 = arith.constant 7 : i32
        %add3A_1082 = arith.addi %mul3A_1080, %add3A_1081 : i32
        %mul3A_1083 = arith.constant 16 : i32
        %mul3A_1084 = arith.muli %add3A_1082, %mul3A_1083 : i32
        %swap3A_1085 = arith.constant 0 : i32
        %swap3A_1086 = arith.index_cast %swap3A_1085 : i32 to index
        %swap3A_1087 = arith.index_cast %mul3A_1084 : i32 to index
        %swap3A_1088 = tpu.vector_load %arg11[%swap3A_1086, %swap3A_1087] {strides = array<i32>} : memref<5x1024xf32, #tpu.memory_space<vmem>>, vector<16xf32>,
        tpu.vector_store %arg11[%swap3A_1086, %swap3A_1087], %gather3A_1078 {strides = array<i32>} : memref<5x1024xf32, #tpu.memory_space<vmem>>, vector<16xf32>,
        %broadcast_in_dim3A_1089 = arith.constant 1 : i32
        %broadcast_in_dim3A_1090 = vector.broadcast %broadcast_in_dim3A_1089 : i32 to vector<16xi32>
        %gather3A_1091 = tpu.vector_load_idx %arg5[%broadcast_in_dim3A_1090, %rev3A_1075] : memref<5x8192xf32, #tpu.memory_space<vmem>>[vector<16xi32>, vector<16xi32>], vector<16xf32>,
        %mul3A_1092 = arith.constant 8 : i32
        %mul3A_1093 = arith.muli %scan3A_75, %mul3A_1092 : i32
        %add3A_1094 = arith.constant 7 : i32
        %add3A_1095 = arith.addi %mul3A_1093, %add3A_1094 : i32
        %mul3A_1096 = arith.constant 16 : i32
        %mul3A_1097 = arith.muli %add3A_1095, %mul3A_1096 : i32
        %swap3A_1098 = arith.constant 1 : i32
        %swap3A_1099 = arith.index_cast %swap3A_1098 : i32 to index
        %swap3A_1100 = arith.index_cast %mul3A_1097 : i32 to index
        %swap3A_1101 = tpu.vector_load %arg11[%swap3A_1099, %swap3A_1100] {strides = array<i32>} : memref<5x1024xf32, #tpu.memory_space<vmem>>, vector<16xf32>,
        tpu.vector_store %arg11[%swap3A_1099, %swap3A_1100], %gather3A_1091 {strides = array<i32>} : memref<5x1024xf32, #tpu.memory_space<vmem>>, vector<16xf32>,
        %broadcast_in_dim3A_1102 = arith.constant 2 : i32
        %broadcast_in_dim3A_1103 = vector.broadcast %broadcast_in_dim3A_1102 : i32 to vector<16xi32>
        %gather3A_1104 = tpu.vector_load_idx %arg5[%broadcast_in_dim3A_1103, %rev3A_1075] : memref<5x8192xf32, #tpu.memory_space<vmem>>[vector<16xi32>, vector<16xi32>], vector<16xf32>,
        %mul3A_1105 = arith.constant 8 : i32
        %mul3A_1106 = arith.muli %scan3A_75, %mul3A_1105 : i32
        %add3A_1107 = arith.constant 7 : i32
        %add3A_1108 = arith.addi %mul3A_1106, %add3A_1107 : i32
        %mul3A_1109 = arith.constant 16 : i32
        %mul3A_1110 = arith.muli %add3A_1108, %mul3A_1109 : i32
        %swap3A_1111 = arith.constant 2 : i32
        %swap3A_1112 = arith.index_cast %swap3A_1111 : i32 to index
        %swap3A_1113 = arith.index_cast %mul3A_1110 : i32 to index
        %swap3A_1114 = tpu.vector_load %arg11[%swap3A_1112, %swap3A_1113] {strides = array<i32>} : memref<5x1024xf32, #tpu.memory_space<vmem>>, vector<16xf32>,
        tpu.vector_store %arg11[%swap3A_1112, %swap3A_1113], %gather3A_1104 {strides = array<i32>} : memref<5x1024xf32, #tpu.memory_space<vmem>>, vector<16xf32>,
        %broadcast_in_dim3A_1115 = arith.constant 3 : i32
        %broadcast_in_dim3A_1116 = vector.broadcast %broadcast_in_dim3A_1115 : i32 to vector<16xi32>
        %gather3A_1117 = tpu.vector_load_idx %arg5[%broadcast_in_dim3A_1116, %rev3A_1075] : memref<5x8192xf32, #tpu.memory_space<vmem>>[vector<16xi32>, vector<16xi32>], vector<16xf32>,
        %mul3A_1118 = arith.constant 8 : i32
        %mul3A_1119 = arith.muli %scan3A_75, %mul3A_1118 : i32
        %add3A_1120 = arith.constant 7 : i32
        %add3A_1121 = arith.addi %mul3A_1119, %add3A_1120 : i32
        %mul3A_1122 = arith.constant 16 : i32
        %mul3A_1123 = arith.muli %add3A_1121, %mul3A_1122 : i32
        %swap3A_1124 = arith.constant 3 : i32
        %swap3A_1125 = arith.index_cast %swap3A_1124 : i32 to index
        %swap3A_1126 = arith.index_cast %mul3A_1123 : i32 to index
        %swap3A_1127 = tpu.vector_load %arg11[%swap3A_1125, %swap3A_1126] {strides = array<i32>} : memref<5x1024xf32, #tpu.memory_space<vmem>>, vector<16xf32>,
        tpu.vector_store %arg11[%swap3A_1125, %swap3A_1126], %gather3A_1117 {strides = array<i32>} : memref<5x1024xf32, #tpu.memory_space<vmem>>, vector<16xf32>,
        %broadcast_in_dim3A_1128 = arith.constant 4 : i32
        %broadcast_in_dim3A_1129 = vector.broadcast %broadcast_in_dim3A_1128 : i32 to vector<16xi32>
        %gather3A_1130 = tpu.vector_load_idx %arg5[%broadcast_in_dim3A_1129, %rev3A_1075] : memref<5x8192xf32, #tpu.memory_space<vmem>>[vector<16xi32>, vector<16xi32>], vector<16xf32>,
        %mul3A_1131 = arith.constant 8 : i32
        %mul3A_1132 = arith.muli %scan3A_75, %mul3A_1131 : i32
        %add3A_1133 = arith.constant 7 : i32
        %add3A_1134 = arith.addi %mul3A_1132, %add3A_1133 : i32
        %mul3A_1135 = arith.constant 16 : i32
        %mul3A_1136 = arith.muli %add3A_1134, %mul3A_1135 : i32
        %swap3A_1137 = arith.constant 4 : i32
        %swap3A_1138 = arith.index_cast %swap3A_1137 : i32 to index
        %swap3A_1139 = arith.index_cast %mul3A_1136 : i32 to index
        %swap3A_1140 = tpu.vector_load %arg11[%swap3A_1138, %swap3A_1139] {strides = array<i32>} : memref<5x1024xf32, #tpu.memory_space<vmem>>, vector<16xf32>,
        tpu.vector_store %arg11[%swap3A_1138, %swap3A_1139], %gather3A_1130 {strides = array<i32>} : memref<5x1024xf32, #tpu.memory_space<vmem>>, vector<16xf32>,
        %scan3A_1141 = arith.constant 0 : i32
        scf.yield %scan3A_1141 : i32
      }
      %scan3A_69 = arith.constant 8 : i32
      %mul3A_70 = arith.constant 64 : i32
      %mul3A_71 = arith.muli %scan3A_61, %mul3A_70 : i32
      %mul3A_72 = arith.constant 16 : i32
      %mul3A_73 = arith.muli %mul3A_71, %mul3A_72 : i32
      "tpu.region"() ({
        %run_scoped3A_75 = tpu.sem_alloc : memref<!tpu.dma_semaphore, #tpu.memory_space<semaphore_mem>>
        %dma_start3A = arith.constant 0 : i32
        %dma_start3A_76 = tpu.memref_slice %arg4[%add3A, %dma_start3A, %mul3A_73] : memref<32x5x4096xf32, #tpu.memory_space<hbm>> -> memref<1x5x1024xf32, #tpu.memory_space<hbm>>
        %dma_start3A_77 = tpu.memref_squeeze %dma_start3A_76 : memref<1x5x1024xf32, #tpu.memory_space<hbm>> -> memref<5x1024xf32, #tpu.memory_space<hbm>>
        %dma_start3A_78 = arith.constant 0 : i32
        %dma_start3A_79 = tpu.memref_slice %arg4[%add3A, %dma_start3A_78, %mul3A_73] : memref<32x5x4096xf32, #tpu.memory_space<hbm>> -> memref<1x5x1024xf32, #tpu.memory_space<hbm>>
        %dma_start3A_80 = tpu.memref_squeeze %dma_start3A_79 : memref<1x5x1024xf32, #tpu.memory_space<hbm>> -> memref<5x1024xf32, #tpu.memory_space<hbm>>
        tpu.enqueue_dma source(%arg11 : memref<5x1024xf32, #tpu.memory_space<vmem>>) target(%dma_start3A_80 : memref<5x1024xf32, #tpu.memory_space<hbm>>) target_semaphore(%run_scoped3A_75 : memref<!tpu.dma_semaphore, #tpu.memory_space<semaphore_mem>>)
        %dma_wait3A = arith.constant 0 : i32
        %dma_wait3A_81 = tpu.memref_slice %arg4[%add3A, %dma_wait3A, %mul3A_73] : memref<32x5x4096xf32, #tpu.memory_space<hbm>> -> memref<1x5x1024xf32, #tpu.memory_space<hbm>>
        %dma_wait3A_82 = tpu.memref_squeeze %dma_wait3A_81 : memref<1x5x1024xf32, #tpu.memory_space<hbm>> -> memref<5x1024xf32, #tpu.memory_space<hbm>>
        %dma_wait3A_83 = arith.constant 0 : i32
        %dma_wait3A_84 = tpu.memref_slice %arg4[%add3A, %dma_wait3A_83, %mul3A_73] : memref<32x5x4096xf32, #tpu.memory_space<hbm>> -> memref<1x5x1024xf32, #tpu.memory_space<hbm>>
        %dma_wait3A_85 = tpu.memref_squeeze %dma_wait3A_84 : memref<1x5x1024xf32, #tpu.memory_space<hbm>> -> memref<5x1024xf32, #tpu.memory_space<hbm>>
        tpu.wait_dma2 semaphore(%run_scoped3A_75 : memref<!tpu.dma_semaphore, #tpu.memory_space<semaphore_mem>>) src(%arg11 : memref<5x1024xf32, #tpu.memory_space<vmem>>) dst(%dma_wait3A_85 : memref<5x1024xf32, #tpu.memory_space<hbm>>)
        tpu.yield
      }) : () -> ()
      %scan3A_74 = arith.constant 0 : i32
      scf.yield %scan3A_74 : i32
    }
    %scan3A_60 = arith.constant 4 : i32
    return
  }
}

</mosaic_0001>

<sc_bundles>
// kernel: kernel.3.cloned.1.call-start
scs
__scs_entry_jumppad:
0x0: {  	(pc) =	sbr.rel $0x88, $3  }
0x1: {  	(tag) =	ssettag $0x0;
	lr =	simm.s32 $0x1  }
0x2: {  	[smem:$0x3F9F] =	sst lr;
	_ =	strace $0xD0000000  }
0x3: {  	_ = 	snop  }
0x4: {  	_ = 	snop  }
0x5: {  	_ = 	snop  }
0x6: {  	_ = 	snop  }
0x7: {  	_ = 	snop  }
__scs_overlays_trampoline_lowered:
0x8: {  	[smem:$0x3FAE] =	sst s0  }
0x9: {  	[smem:$0x3FAF] =	sst s1  }
0xa: {  	[smem:$0x3FB0] =	sst s2  }
0xb: {  	[smem:$0x3FB1] =	sst s3  }
0xc: {  	[smem:$0x3FB2] =	sst s4  }
0xd: {  	[smem:$0x3FB3] =	sst s5  }
0xe: {  	[smem:$0x3FB4] =	sst s6  }
0xf: {  	[smem:$0x3FB5] =	sst s7  }
0x10: {  	[smem:$0x3FB6] =	sst s8  }
0x11: {  	[smem:$0x3FB7] =	sst s9;
	s0 =	simm.s32 @!p0 $0x0  }
0x12: {  	s1 =	sld [smem:$0x3F9D];
	s0 =	simm.s32 @p0 $0x1  }
0x13: {  	[smem:$0x3FB8] =	sst s0;
	s0 =	simm.s32 @!p1 $0x0  }
0x14: {  	s2 =	sld [smem:$0x3F9C];
	s0 =	simm.s32 @p1 $0x1  }
0x15: {  	[smem:$0x3FB9] =	sst s0;
	s0 =	simm.s32 @!p2 $0x0  }
0x16: {  	s3 =	sld [smem:$0x3FDB];
	s0 =	simm.s32 @p2 $0x1  }
0x17: {  	s4 =	simm.s32 $0x1BF5;
	[smem:$0x3FBB] =	sst s0  }
0x18: {  	s0 =	sld [smem:$0x3F9E];
	_ =	swait.ge [sflag:s4], $0x0  }
0x19: {  	s7 =	sld [smem:$0x3F9F]  }
0x1a: {  	s8 =	sadd.s32 $0xFFFFE003, lr  }
0x1b: {  	s9 =	sadd.s32 $0xFFFFFEF7, lr;
	s5 =	simm.s32 $0xFFFFFFFF;
	p2 =	slt.u32 s8, $0xFFFFF086  }
0x1c: {  	p1 =	slt.u32 s9, $0xF7A;
	s5 =	simm.s32 @!p2 $0x0  }
0x1d: {  	s5 =	simm.s32 @p1 $0x1;
	p0 =	seq.s32 s7, s2  }
0x1e: {  	s7 =	smul.u32 @!p0 $0xF7A, s2;
	p2 =	seq.s32 @!p0 s5, $0x0  }
0x1f: {  	s9 =	smul.u32 $0xF7A, s1;
	s8 =	simm.s32 @!p0 $0x1BF5;
	p2 =	por !p2, p0  }
0x20: {  	[sflag:s8] =	ssyncset.s32 @!p0 $0xFFFFF086;
	s6 =	sadd.s32 @!p0 s3, s7;
	s7 =	simm.s32 @!p0 $0x108  }
0x21: {  	s3 =	sadd.s32 s3, s9;
	s6 =	sadd.s32 @!p0 $0x88, s6;
	s7 =	simm.s32 @p2 $0x1082  }
0x22: {  	[simem:s7], [sflag:s8] =	dma.local @!p0 [hbm:s6], $0xF7A  }
0x23: {  	s9 =	sor.u32 $0xD0000000, s2;
	s6 =	simm.s32 $0x108;
	_ =	swait.ge @!p0 [sflag:s8], $0x0  }
0x24: {  	s3 =	sadd.s32 $0x88, s3;
	s6 =	simm.s32 @!p1 $0x1082;
	[sflag:s4] =	ssyncset.s32 $0xFFFFF086  }
0x25: {  	[simem:s6], [sflag:s4] =	dma.local [hbm:s3], $0xF7A  }
0x26: {  	[smem:$0x3F9F] =	sst s1;
	(tag) =	ssettag s2;
	_ =	strace s9  }
0x27: {  	s1 =	sld [smem:$0x3FAF]  }
0x28: {  	s2 =	sld [smem:$0x3FB0]  }
0x29: {  	s4 =	sld [smem:$0x3FB2]  }
0x2a: {  	p0 =	seq.s32 s5, $0x0;
	s5 =	sld [smem:$0x3FB3]  }
0x2b: {  	s6 =	sld [smem:$0x3FB4]  }
0x2c: {  	s7 =	sld [smem:$0x3FB5]  }
0x2d: {  	s3 =	simm.s32 $0x108;
	s8 =	sld [smem:$0x3FB6]  }
0x2e: {  	s3 =	simm.s32 @!p0 $0x1082;
	s9 =	sld [smem:$0x3FB7]  }
0x2f: {  	lr =	sadd.s32 s0, s3;
	s0 =	sld [smem:$0x3FAE]  }
0x30: {  	s3 =	sld [smem:$0x3FB1]  }
0x31: {  	[smem:$0x3FBA] =	sst s10  }
0x32: {  	s10 =	sld [smem:$0x3FB8];
	_ =	sdelay $0x3  }
0x33: {  	p0 =	seq.s32 s10, $0x1;
	s10 =	sld [smem:$0x3FBA];
	_ =	sdelay $0x3  }
0x34: {  	[smem:$0x3FBA] =	sst s10  }
0x35: {  	s10 =	sld [smem:$0x3FB9];
	_ =	sdelay $0x3  }
0x36: {  	p1 =	seq.s32 s10, $0x1;
	s10 =	sld [smem:$0x3FBA];
	_ =	sdelay $0x3  }
0x37: {  	[smem:$0x3FBA] =	sst s10  }
0x38: {  	s10 =	sld [smem:$0x3FBB]  }
0x39: {  	_ = 	snop;
	(pc) =	sbr.ind lr, $3  }
0x3a: {  	_ = 	snop  }
0x3b: {  	_ = 	snop  }
0x3c: {  	p2 =	seq.s32 s10, $0x1;
	s10 =	sld [smem:$0x3FBA]  }
0x3d: {  	_ =	shalt  }
0x3e: {  	_ =	shalt  }
0x3f: {  	_ =	shalt  }
0x40: {  	_ =	shalt  }
0x41: {  	_ =	shalt  }
0x42: {  	_ =	shalt  }
0x43: {  	_ =	shalt  }
0x44: {  	_ =	shalt  }
0x45: {  	_ =	shalt  }
0x46: {  	_ =	shalt  }
0x47: {  	_ =	shalt  }
0x48: {  	_ =	shalt  }
0x49: {  	_ =	shalt  }
0x4a: {  	_ =	shalt  }
0x4b: {  	_ =	shalt  }
0x4c: {  	_ =	shalt  }
0x4d: {  	_ =	shalt  }
0x4e: {  	_ =	shalt  }
0x4f: {  	_ =	shalt  }
0x50: {  	_ =	shalt  }
0x51: {  	_ =	shalt  }
0x52: {  	_ =	shalt  }
0x53: {  	_ =	shalt  }
0x54: {  	_ =	shalt  }
0x55: {  	_ =	shalt  }
0x56: {  	_ =	shalt  }
0x57: {  	_ =	shalt  }
0x58: {  	_ =	shalt  }
0x59: {  	_ =	shalt  }
0x5a: {  	_ =	shalt  }
0x5b: {  	_ =	shalt  }
0x5c: {  	_ =	shalt  }
0x5d: {  	_ =	shalt  }
0x5e: {  	_ =	shalt  }
0x5f: {  	_ =	shalt  }
0x60: {  	_ =	shalt  }
0x61: {  	_ =	shalt  }
0x62: {  	_ =	shalt  }
0x63: {  	_ =	shalt  }
0x64: {  	_ =	shalt  }
0x65: {  	_ =	shalt  }
0x66: {  	_ =	shalt  }
0x67: {  	_ =	shalt  }
0x68: {  	_ =	shalt  }
0x69: {  	_ =	shalt  }
0x6a: {  	_ =	shalt  }
0x6b: {  	_ =	shalt  }
0x6c: {  	_ =	shalt  }
0x6d: {  	_ =	shalt  }
0x6e: {  	_ =	shalt  }
0x6f: {  	_ =	shalt  }
0x70: {  	_ =	shalt  }
0x71: {  	_ =	shalt  }
0x72: {  	_ =	shalt  }
0x73: {  	_ =	shalt  }
0x74: {  	_ =	shalt  }
0x75: {  	_ =	shalt  }
0x76: {  	_ =	shalt  }
0x77: {  	_ =	shalt  }
0x78: {  	_ =	shalt  }
0x79: {  	_ =	shalt  }
0x7a: {  	_ =	shalt  }
0x7b: {  	_ =	shalt  }
0x7c: {  	_ =	shalt  }
0x7d: {  	_ =	shalt  }
0x7e: {  	_ =	shalt  }
0x7f: {  	_ =	shalt  }
0x80: {  	_ =	shalt  }
0x81: {  	_ =	shalt  }
0x82: {  	_ =	shalt  }
0x83: {  	_ =	shalt  }
0x84: {  	_ =	shalt  }
0x85: {  	_ =	shalt  }
0x86: {  	_ =	shalt  }
0x87: {  	_ =	shalt  }
.Lfunc_end0:
.L_simem_size_0:
called_computation_lowered:
.L_overlay_start_0:
0x88: {  	s2 =	sld [smem:$0x3FD9]  }
0x89: {  	s3 =	sld [smem:$0x3FFE];
	_ =	sdelay $0x1  }
0x8a: {  	s1 =	srdreg.scid  }
0x8b: {  	s0 =	sand.u32 $0x1, s1  }
0x8c: {  	s17 =	sshll.u32 s0, $0xA;
	s2 =	sadd.s32 s3, s2  }
0x8d: {  	s2 =	sadd.s32 s2, s17  }
0x8e: {  	[smem:$0x3FC6] =	sst s2  }
0x8f: {  	_ = 	snop  }
0x90: {  	s2 =	sld [smem:$0x3FD0];
	(tm) =	ssettm $0x1  }
0x91: {  	s18 =	sld [smem:$0x3FFB];
	_ =	sdelay $0x3  }
0x92: {  	_ =	strace s18  }
0x93: {  	s3 =	sld [smem:$0x3FFC];
	_ =	sdelay $0x3  }
0x94: {  	_ =	strace s3  }
0x95: {  	s3 =	sld [smem:$0x3FFD];
	_ =	sdelay $0x3  }
0x96: {  	_ =	strace s3  }
0x97: {  	_ =	strace $0x8FFFFFFF  }
0x98: {  	s19 =	sld [smem:$0x3FDB];
	_ =	sdelay $0x1  }
0x99: {  	s4 =	simm.s32 $_scs_section_size  }
0x9a: {  	s5 =	simm.s32 $_size__tile_overlayer_lowered;
	s6 =	simm.s32 $_tile_overlayer_lowered  }
0x9b: {  	s22 =	simm.s32 $0x1BFF;
	s21 =	sshll.u32 s6, $0x1;
	s3 =	sadd.s32 s4, s19  }
0x9c: {  	s7 =	simm.s32 $0x0;
	s20 =	sshll.u32 s5, $0x1;
	s5 =	sadd.s32 s21, s3  }
0x9d: {  	[timem:s7], [sflag:s22] =	dma.local [hbm:s5], s20  }
0x9e: {  	_ =	swait.ge [sflag:s22], s20  }
0x9f: {  	s4 =	ssub.s32 $0x0, s20;
	[sflag:s22] =	ssyncset.done $0x0  }
0xa0: {  	[sflag:s22] =	ssyncadd.s32 s4;
	_ =	sdelay $0x1  }
0xa1: {  	s23 =	simm.s32 $0x1B8B  }
0xa2: {  	_ =	swait.ge [sflag:s23], $0x1  }
0xa3: {  	[sflag:s23] =	ssyncset.done $0x0  }
0xa4: {  	s25 =	simm.s32 $0x1B8E;
	s24 =	sld [smem:$0x3FFE];
	[sflag:s23] =	ssyncadd.s32 $0xFFFFFFFF  }
0xa5: {  	s26 =	simm.s32 $execute0_lowered;
	[smem:$0x3FD2] =	sst s25  }
0xa6: {  	s5 =	sshll.u32 s26, $0x1;
	_ =	strace $0x80000046;
	[dreg:$0x1] =	wrdreg $0xFFFFFFFF  }
0xa7: {  	s28 =	simm.s32 $_size_execute0_lowered;
	s3 =	sadd.s32 s3, s5;
	[dreg:$0x0] =	wrdreg $0x0  }
0xa8: {  	s5 =	sshll.u32 s28, $0x1;
	[dreg:$0x2] =	wrdreg s3  }
0xa9: {  	[dreg:$0x3] =	wrdreg s5  }
0xaa: {  	[dreg:$0x4] =	wrdreg $0xC0  }
0xab: {  	_ =	task [dreg:s7], $0x5FFFF  }
0xac: {  	[dreg:$0x1] =	wrdreg $0xFFFFFFFF  }
0xad: {  	[dreg:$0x0] =	wrdreg $0x60  }
0xae: {  	[dreg:$0x2] =	wrdreg s2  }
0xaf: {  	[dreg:$0x3] =	wrdreg s24  }
0xb0: {  	[dreg:$0x4] =	wrdreg $0x9  }
0xb1: {  	_ =	task.clear_ibuf [dreg:s7], $0x5FFFF;
	_ =	strace $0x90000046  }
0xb2: {  	s29 =	simm.s32 $0x9;
	_ =	strace $0x80000048  }
0xb3: {  	_ =	swait.ge [sflag:s29], $0x1  }
0xb4: {  	[sflag:s29] =	ssyncadd.s32 $0xFFFFFFFF  }
0xb5: {  	_ =	strace $0x90000048  }
0xb6: {  	_ =	sfence  }
0xb7: {  	s30 =	sld [smem:$0x0];
	_ =	sdelay $0x2  }
0xb8: {  	s31 =	sshll.u32 s1, $0xD;
	s1 =	sshrl.u32 s1, $0x2  }
0xb9: {  	s3 =	sand.u32 $0x4000, s31;
	s1 =	sadd.s32 s1, s30  }
0xba: {  	s0 =	sor.u32 s3, s0;
	s1 =	sshll.u32 s1, $0x11  }
0xbb: {  	s0 =	sor.u32 s1, s0  }
0xbc: {  	s0 =	sadd.s32 $0x8F2B, s0  }
0xbd: {  	[sflag:s0] =	ssyncadd.remote.s32 $0x1  }
0xbe: {  	_ =	sfence.sel $0xFFFF  }
0xbf: {  	[dreg:$0x0] =	wrdreg $0xFFFFFFFF;
	(pc) =	sbr.abs _section_cstart, $3  }
0xc0: {  	[dreg:$0x1] =	wrdreg $0xFFFFFFFF  }
0xc1: {  	_ =	task.clear_ibuf [dreg:s7], $0x2FFFF;
	_ =	strace $0x9FFFFFFF  }
0xc2: {  	(tm) =	ssettm $0x7FFFFFFF  }
0xc3: {  	_ =	shalt  }
tec
execute0_lowered:
.L_overlay_start_1:
0x0: {  	(tag) =	ssettag $0x1  }
0x1: {  	s0 =	srdreg.scid;
	s1 =	rddreg [dreg:$0x0]  }
0x2: {  	s5 =	stileid.u32;
	s3 =	rddreg [dreg:$0x1]  }
0x3: {  	s9 =	simm.s32 $0x1;
	s10 =	simm.s32 $0x80;
	s11 =	simm.s32 $0x400  }
0x4: {  	s13 =	simm.s32 $0x18100;
	s14 =	simm.s32 $0x18200;
	s15 =	simm.s32 $0x10000  }
0x5: {  	s16 =	simm.s32 $0x16000;
	s17 =	simm.s32 $0x19480;
	s18 =	simm.s32 $0x0  }
0x6: {  	s0 =	sand.u32 $0x1, s0;
	s2 =	sshll.u32 s5, $0x1;
	s5 =	sshrl.u32 s5, $0x2  }
0x7: {  	s4 =	sor.u32 s0, s2;
	s2 =	simm.s32 $0x0;
	s7 =	sshll.u32 s5, $0xB  }
0x8: {  	s0 =	ssub.s32 $0x2, s0;
	s5 =	sshll.u32 s5, $0xD;
	s6 =	sshll.u32 s4, $0x8  }
0x9: {  	[smem:$0x7FF] =	sst s2;
	s4 =	sshll.u32 s4, $0xC;
	s31 =	sshrl.u32 s0, $0x1  }
0xa: {  	s6 =	sand.u32 $0x700, s6;
	_ =	strace $0x80000047;
	s8 =	sadd.s32 s4, s3  }
0xb: {  	s0 =	ssub.s32 s0, s31;
	s6 =	sor.u32 s7, s6;
	s7 =	sadd.s32 $0x2400, s8  }
0xc: {  	s8 =	smax.u32 s0, $0x1;
	s6 =	sadd.s32 s6, s3;
	s3 =	sadd.s32 s1, s5  }
0xd: {  	vm0 =	vcmask $0x3F3C;
	v0 =	vlaneseq.u32;
	s4 =	sadd.s32 $0x400, s6;
	s5 =	sadd.s32 $0x410, s6;
	s6 =	sadd.s32 $0x420, s6  }
.LBB2_1:
0xe: {  	[tilespmem:s2], [sflag:$0x1] =	stream.linear.gather [hbm4b:s3+s2], $0x10000, $0x38;
	[tilespmem:$0x1B480] =	vst v63  }
0xf: {  	_ =	swait.ge [sflag:s9], $0x10000  }
0x10: {  	[sflag:s9] =	ssyncset.done $0x0  }
0x11: {  	s0 =	simm.s32 $0x18000;
	[sflag:s9] =	ssyncadd.s32 $0xFFFF0000  }
0x12: {  	[tilespmem:s0], [sflag:$0x1] =	stream.strided.gather [hbm4b:s4+s10], $0x100, s11, s10, $0x38;
	[tilespmem:$0x1B480] =	vst v63  }
0x13: {  	_ =	swait.ge [sflag:s9], $0x100  }
0x14: {  	[sflag:s9] =	ssyncset.done $0x0  }
0x15: {  	[sflag:s9] =	ssyncadd.s32 $0xFFFFFF00  }
0x16: {  	[tilespmem:s13], [sflag:$0x1] =	stream.strided.gather [hbm4b:s5+s10], $0x100, s11, s10, $0x38;
	[tilespmem:$0x1B480] =	vst v63  }
0x17: {  	_ =	swait.ge [sflag:s9], $0x100  }
0x18: {  	[sflag:s9] =	ssyncset.done $0x0  }
0x19: {  	[sflag:s9] =	ssyncadd.s32 $0xFFFFFF00  }
0x1a: {  	[tilespmem:s14], [sflag:$0x1] =	stream.strided.gather [hbm4b:s6+s10], $0x100, s11, s10, $0x38;
	[tilespmem:$0x1B480] =	vst v63  }
0x1b: {  	_ =	swait.ge [sflag:s9], $0x100  }
0x1c: {  	s31 =	sand.u32 $0x70, s2;
	s1 =	sand.u32 $0xFC00, s2;
	[sflag:s9] =	ssyncset.done $0x0  }
0x1d: {  	s0 =	sor.u32 s31, s1;
	[sflag:s9] =	ssyncadd.s32 $0xFFFFFF00  }
0x1e: {  	v1 =	vld [tilespmem:s0+$0x0]  }
0x1f: {  	v2 =	vld [tilespmem:s0+$0x80];
	_ =	sdelay $0x1  }
0x20: {  	v3 =	vld [tilespmem:s0+$0x100];
	_ =	sdelay $0x2  }
0x21: {  	v4 =	vmul.f32 v1, v1;
	v5 =	vmul.f32 v2, v2;
	_ =	sdelay $0x1  }
0x22: {  	v7 =	vmul.f32 v3, v3;
	v4 =	vadd.f32 v5, v4  }
0x23: {  	v6 =	vshrl.u32 v1, $0x10;
	v63 =	vshrl.u32 v2, $0x10  }
0x24: {  	v8 =	vshrl.u32 v3, $0x10;
	v5 =	vand.u32 $0x1, v6;
	v4 =	vadd.f32 v7, v4  }
0x25: {  	v6 =	vand.u32 $0x1, v63;
	v1 =	vadd.s32 v5, v1;
	v5 =	vand.u32 $0x1, v8  }
0x26: {  	v2 =	vadd.s32 v6, v2;
	v3 =	vadd.s32 v5, v3;
	v4 =	vsub.f32 $0.0e+00, v4  }
0x27: {  	s22 =	simm.s32 $0x10;
	s19 =	simm.s32 $0x10010;
	s21 =	simm.s32 $0x10000;
	v5 =	vadd.s32 $0x7FFF, v1;
	v2 =	vadd.s32 $0x7FFF, v2;
	v1 =	vadd.s32 $0x7FFF, v3  }
0x28: {  	s20 =	simm.s32 $0x0;
	s1 =	sand.u32 $0x1FF0, s2;
	s0 =	simm.s32 $0x16010;
	v2 =	vand.u32 $0xFFFF0000, v2;
	v3 =	vand.u32 $0xFFFF0000, v5;
	v1 =	vand.u32 $0xFFFF0000, v1;
	[tilespmem:s16+$0x0] =	vst v4  }
.LBB2_2:
0x29: {  	s23 =	sand.u32 $0x1FF0, s22;
	s20 =	sadd.s32 $0x80, s20  }
0x2a: {  	[tilespmem:s21+$0x0] =	vst v3;
	s24 =	smov.u32 s22;
	s25 =	sadd.s32 $0x10, s22;
	s21 =	smov.u32 s19  }
0x2b: {  	p0 =	sne.s32 s22, $0x1FF0;
	s24 =	sand.u32 $0x70, s24;
	s26 =	sand.u32 $0xFC00, s20;
	[tilespmem:s1+$0x12000] =	vst v2  }
0x2c: {  	s22 =	sor.u32 s24, s26;
	[tilespmem:s1+$0x14000] =	vst v1;
	s1 =	smov.u32 s23  }
0x2d: {  	v1 =	vld [tilespmem:s22+$0x0]  }
0x2e: {  	v2 =	vld [tilespmem:s22+$0x80]  }
0x2f: {  	v3 =	vld [tilespmem:s22+$0x100];
	_ =	sdelay $0x2  }
0x30: {  	v4 =	vmul.f32 v1, v1;
	v5 =	vshrl.u32 v1, $0x10  }
0x31: {  	v6 =	vmul.f32 v2, v2;
	v5 =	vand.u32 $0x1, v5;
	v7 =	vshrl.u32 v2, $0x10  }
0x32: {  	v8 =	vmul.f32 v3, v3;
	v1 =	vadd.s32 v5, v1;
	v5 =	vshrl.u32 v3, $0x10  }
0x33: {  	v4 =	vadd.f32 v6, v4;
	v6 =	vadd.s32 $0x7FFF, v1;
	v1 =	vand.u32 $0x1, v5  }
0x34: {  	v5 =	vand.u32 $0x1, v7;
	v1 =	vadd.s32 v1, v3  }
.Ltmp0:
0x35: {  	v2 =	vadd.s32 v5, v2;
	v3 =	vadd.f32 v8, v4;
	v1 =	vadd.s32 $0x7FFF, v1;
	(pc) =	sbr.rel @p0 .LBB2_2-.Ltmp0, $4  }
0x36: {  	v2 =	vadd.s32 $0x7FFF, v2;
	v1 =	vand.u32 $0xFFFF0000, v1  }
0x37: {  	v2 =	vand.u32 $0xFFFF0000, v2;
	v4 =	vsub.f32 $0.0e+00, v3  }
0x38: {  	v3 =	vand.u32 $0xFFFF0000, v6  }
0x39: {  	s19 =	sadd.s32 $0x10, s19;
	s22 =	smov.u32 s25;
	[tilespmem:s0+$0x0] =	vst v4;
	s0 =	sadd.s32 $0x10, s0  }
0x3a: {  	[tilespmem:s21+$0x0] =	vst v3  }
0x3b: {  	s19 =	simm.s32 $0x0;
	[tilespmem:s1+$0x12000] =	vst v2  }
0x3c: {  	[tilespmem:s1+$0x14000] =	vst v1;
	s1 =	sand.u32 $0xF0, s19  }
0x3d: {  	s20 =	simm.s32 $0x18000;
	v1 =	vld [tilespmem:s1+$0x18100]  }
0x3e: {  	v2 =	vld [tilespmem:s20+$0x0];
	_ =	sdelay $0x1  }
0x3f: {  	v3 =	vld [tilespmem:s1+$0x18200];
	_ =	sdelay $0x2  }
0x40: {  	v4 =	vmul.f32 v2, v2;
	v5 =	vmul.f32 v1, v1;
	v6 =	vshrl.u32 v2, $0x10  }
0x41: {  	v7 =	vshrl.u32 v1, $0x10;
	v6 =	vand.u32 $0x1, v6  }
0x42: {  	v62 =	vand.u32 $0x1, v7;
	v4 =	vadd.f32 v5, v4;
	v5 =	vmul.f32 v3, v3  }
0x43: {  	v63 =	vshrl.u32 v3, $0x10;
	v2 =	vadd.s32 v6, v2;
	v1 =	vadd.s32 v62, v1  }
0x44: {  	v2 =	vadd.s32 $0x7FFF, v2;
	v4 =	vadd.f32 v5, v4;
	v5 =	vand.u32 $0x1, v63  }
0x45: {  	s0 =	simm.s32 $0x18300;
	v6 =	vadd.s32 $0x7FFF, v1;
	v2 =	vand.u32 $0xFFFF0000, v2;
	v3 =	vadd.s32 v5, v3  }
0x46: {  	s21 =	simm.s32 $0x10;
	s22 =	simm.s32 $0x18000;
	v1 =	vadd.f32 v2, v2;
	v2 =	vand.u32 $0xFFFF0000, v6;
	[tilespmem:s0+$0x0] =	vst v4;
	v3 =	vadd.s32 $0x7FFF, v3  }
.LBB2_4:
0x47: {  	p0 =	sne.s32 s21, $0xF0;
	v2 =	vadd.f32 v2, v2;
	v3 =	vand.u32 $0xFFFF0000, v3;
	s20 =	sadd.s32 $0x10, s20;
	s0 =	sadd.s32 $0x10, s0  }
0x48: {  	s23 =	smov.u32 s21;
	s21 =	sadd.s32 $0x10, s21;
	[tilespmem:s22+$0x0] =	vst v1;
	v1 =	vadd.f32 v3, v3;
	s22 =	smov.u32 s20  }
0x49: {  	s23 =	sand.u32 $0xF0, s23;
	[tilespmem:s1+$0x18100] =	vst v2  }
0x4a: {  	v2 =	vld [tilespmem:s23+$0x18100];
	[tilespmem:s1+$0x18200] =	vst v1;
	s1 =	smov.u32 s23  }
0x4b: {  	v1 =	vld [tilespmem:s20+$0x0];
	_ =	sdelay $0x1  }
0x4c: {  	v3 =	vld [tilespmem:s1+$0x18200];
	_ =	sdelay $0x1  }
0x4d: {  	v4 =	vshrl.u32 v2, $0x10  }
0x4e: {  	v6 =	vmul.f32 v2, v2;
	v5 =	vmul.f32 v1, v1;
	v7 =	vshrl.u32 v1, $0x10  }
0x4f: {  	v4 =	vand.u32 $0x1, v4;
	v7 =	vand.u32 $0x1, v7  }
.Ltmp1:
0x50: {  	v5 =	vadd.f32 v6, v5;
	v6 =	vmul.f32 v3, v3;
	v1 =	vadd.s32 v7, v1;
	(pc) =	sbr.rel @p0 .LBB2_4-.Ltmp1, $4  }
0x51: {  	v2 =	vadd.s32 v4, v2;
	v4 =	vshrl.u32 v3, $0x10;
	v1 =	vadd.s32 $0x7FFF, v1  }
0x52: {  	v4 =	vand.u32 $0x1, v4;
	v5 =	vadd.f32 v6, v5;
	v1 =	vand.u32 $0xFFFF0000, v1  }
0x53: {  	v2 =	vadd.s32 $0x7FFF, v2;
	v3 =	vadd.s32 v4, v3;
	v1 =	vadd.f32 v1, v1  }
0x54: {  	v2 =	vand.u32 $0xFFFF0000, v2;
	v3 =	vadd.s32 $0x7FFF, v3;
	[tilespmem:s0+$0x0] =	vst v5  }
0x55: {  	v2 =	vadd.f32 v2, v2;
	v3 =	vand.u32 $0xFFFF0000, v3  }
0x56: {  	[tilespmem:s22+$0x0] =	vst v1;
	v1 =	vadd.f32 v3, v3  }
0x57: {  	[tilespmem:s1+$0x18100] =	vst v2  }
0x58: {  	[tilespmem:s1+$0x18200] =	vst v1  }
.LBB2_6:
0x59: {  	s20 =	sshll.u32 s19, $0x6;
	s21 =	simm.s32 $0x0;
	s22 =	simm.s32 $0x0  }
.LBB2_7:
0x5a: {  	s0 =	sshll.u32 s22, $0x3  }
0x5b: {  	s23 =	sand.u32 $0x1, s22;
	s1 =	sadd.s32 s20, s0  }
0x5c: {  	p1 =	seq.s32 s23, $0x1;
	p0 =	seq.s32 s1, $0x0  }
0x5d: {  	p0 =	por !p0, !p1  }
0x5e: {  	s23 =	simm.s32 $0xFFFFFFFF;
	p0 =	por !p0, !p0  }
0x5f: {  	s23 =	simm.s32 @!p0 $0x0  }
0x60: {  	s23 =	sshll.u32 s23, $0x4  }
0x61: {  	s1 =	sadd.s32 s1, s23  }
0x62: {  	s1 =	sand.u32 $0xFFFFFFF0, s1  }
0x63: {  	v1 =	vld [tilespmem:s1+$0x18000]  }
0x64: {  	v3 =	vld [tilespmem:s1+$0x18100]  }
0x65: {  	v4 =	vld [tilespmem:s1+$0x18200]  }
0x66: {  	v9 =	vld [tilespmem:s1+$0x18300];
	_ =	sdelay $0x1  }
0x67: {  	s0 =	sand.u32 $0x8, s0  }
0x68: {  	v2 =	vmov s0  }
0x69: {  	s28 =	sor.u32 $0x1, s0;
	v33 =	vperm.xlane v1, v2;
	v34 =	vperm.xlane v3, v2  }
0x6a: {  	v32 =	vperm.xlane v4, v2;
	v11 =	vperm.xlane v9, v2;
	v2 =	vmov s28  }
0x6b: {  	s12 =	sor.u32 $0x2, s0;
	v30 =	vperm.xlane v1, v2;
	v31 =	vperm.xlane v3, v2  }
0x6c: {  	v29 =	vperm.xlane v4, v2;
	v28 =	vperm.xlane v9, v2;
	v2 =	vmov s12  }
0x6d: {  	s23 =	sor.u32 $0x3, s0;
	v26 =	vperm.xlane v1, v2;
	v27 =	vperm.xlane v3, v2  }
0x6e: {  	v25 =	vperm.xlane v4, v2;
	v24 =	vperm.xlane v9, v2;
	v2 =	vmov s23  }
0x6f: {  	s24 =	sor.u32 $0x4, s0;
	v22 =	vperm.xlane v1, v2;
	v23 =	vperm.xlane v3, v2  }
0x70: {  	v21 =	vperm.xlane v4, v2;
	v20 =	vperm.xlane v9, v2;
	v2 =	vmov s24  }
0x71: {  	s25 =	sor.u32 $0x5, s0;
	v18 =	vperm.xlane v1, v2;
	v19 =	vperm.xlane v3, v2  }
0x72: {  	v17 =	vperm.xlane v4, v2;
	v16 =	vperm.xlane v9, v2;
	v2 =	vmov s25  }
0x73: {  	s26 =	sor.u32 $0x6, s0;
	v13 =	vperm.xlane v1, v2;
	v14 =	vperm.xlane v3, v2  }
0x74: {  	s24 =	sand.u32 $0x1FF0, s21;
	v15 =	vperm.xlane v4, v2;
	v12 =	vperm.xlane v9, v2;
	v2 =	vmov s26  }
0x75: {  	s0 =	sor.u32 $0x7, s0;
	v37 =	vld [tilespmem:s24+$0x12000];
	s26 =	simm.s32 $0x10000;
	v7 =	vperm.xlane v1, v2;
	v8 =	vperm.xlane v3, v2  }
0x76: {  	v10 =	vmov s0;
	v6 =	vperm.xlane v4, v2;
	v5 =	vperm.xlane v9, v2;
	v38 =	vld [tilespmem:s26+$0x0]  }
0x77: {  	v2 =	vperm.xlane v1, v10;
	v3 =	vperm.xlane v3, v10  }
0x78: {  	s29 =	simm.s32 $0x1;
	s30 =	simm.s32 $0x16010;
	v4 =	vperm.xlane v4, v10;
	v1 =	vperm.xlane v9, v10;
	v10 =	vld [tilespmem:s24+$0x14000]  }
0x79: {  	s31 =	simm.s32 $0x18400;
	s1 =	simm.s32 $0x0;
	s28 =	simm.s32 $0x16000  }
0x7a: {  	v35 =	vimm.s32 $0x0;
	s23 =	simm.s32 $0x18400;
	s25 =	simm.s32 $0x0;
	v9 =	vld [tilespmem:s28+$0x0];
	s24 =	simm.s32 $0x18400;
	v40 =	vmul.f32 v37, v31;
	v39 =	vmul.f32 v37, v3  }
.LBB2_8:
0x7b: {  	v41 =	vmul.f32 v38, v30;
	v42 =	vmul.f32 v38, v2;
	s31 =	sadd.s32 $0x1, s31;
	s1 =	sadd.s32 $0x10, s1;
	s26 =	sadd.s32 $0x10, s26;
	v36 =	vimm.f32 $-Inf  }
0x7c: {  	p0 =	sne.s32 s29, $0x1FF;
	v43 =	vmul.f32 v37, v14;
	v44 =	vmul.f32 v37, v8;
	s0 =	smov.u32 s29;
	s29 =	sadd.s32 $0x1, s29  }
0x7d: {  	v45 =	vmul.f32 v38, v7;
	v40 =	vadd.f32 v40, v41;
	v41 =	vmul.f32 v10, v29  }
0x7e: {  	v46 =	vmul.f32 v37, v23;
	v47 =	vmul.f32 v38, v13;
	v39 =	vadd.f32 v39, v42  }
0x7f: {  	v48 =	vmul.f32 v37, v34;
	v42 =	vmul.f32 v38, v33;
	v40 =	vadd.f32 v41, v40  }
0x80: {  	v49 =	vmul.f32 v37, v27;
	s28 =	sand.u32 $0x1FF0, s1;
	v43 =	vadd.f32 v43, v47;
	v41 =	vmul.f32 v38, v26  }
0x81: {  	v47 =	vmul.f32 v10, v32;
	v42 =	vadd.f32 v48, v42;
	v40 =	vadd.f32 v40, v9  }
0x82: {  	v48 =	vmul.f32 v10, v25;
	v41 =	vadd.f32 v49, v41;
	v49 =	vmul.f32 v38, v22  }
0x83: {  	v37 =	vmul.f32 v37, v19;
	v42 =	vadd.f32 v47, v42;
	v38 =	vmul.f32 v38, v18  }
0x84: {  	v47 =	vmul.f32 v10, v21;
	v41 =	vadd.f32 v48, v41;
	v46 =	vadd.f32 v46, v49  }
0x85: {  	v42 =	vadd.f32 v42, v9;
	v37 =	vadd.f32 v37, v38;
	v38 =	vmul.f32 v10, v17  }
0x86: {  	v41 =	vadd.f32 v41, v9;
	v46 =	vadd.f32 v47, v46;
	v47 =	vmul.f32 v10, v15;
	(xrf0) =	vmax.scan.msk.f32 $0xffff, v40  }
0x87: {  	v37 =	vadd.f32 v38, v37;
	v38 =	vadd.f32 v44, v45;
	v40 =	vmul.f32 v10, v6;
	(xrf0) =	vmax.scan.msk.f32 $0xffff, v42  }
0x88: {  	v10 =	vmul.f32 v10, v4;
	v42 =	vadd.f32 v46, v9;
	v43 =	vadd.f32 v47, v43  }
0x89: {  	v37 =	vadd.f32 v37, v9;
	v38 =	vadd.f32 v40, v38;
	(xrf0) =	vmax.scan.msk.f32 $0xffff, v41  }
0x8a: {  	v39 =	vadd.f32 v10, v39;
	v40 =	vadd.f32 v43, v9;
	(xrf0) =	vmax.scan.msk.f32 $0xffff, v42  }
0x8b: {  	v38 =	vadd.f32 v38, v9;
	(xrf0) =	vmax.scan.msk.f32 $0xffff, v37  }
0x8c: {  	v39 =	vadd.f32 v39, v9;
	v10, _, _ =	vpop (xrf0);
	(xrf0) =	vmax.scan.msk.f32 $0xffff, v40  }
0x8d: {  	s12 =	sand.u32 $0x1FF, s25;
	s25 =	smov.u32 s0;
	v37, _, _ =	vpop (xrf0);
	(xrf0) =	vmax.scan.msk.f32 $0xffff, v38  }
0x8e: {  	s0 =	sor.u32 $0x18600, s12;
	[tilespmem:s24+$0x0] =	vst.msk vm0, v37;
	(xrf0) =	vmax.scan.msk.f32 $0xffff, v39;
	s24 =	smov.u32 s31  }
0x8f: {  	[tilespmem:s0+$0x0] =	vst.msk vm0, v10;
	s0 =	sor.u32 $0x18800, s12;
	v9, _, _ =	vpop (xrf0)  }
0x90: {  	[tilespmem:s0+$0x0] =	vst.msk vm0, v9;
	s0 =	sor.u32 $0x18A00, s12;
	v9, _, _ =	vpop (xrf0)  }
0x91: {  	[tilespmem:s0+$0x0] =	vst.msk vm0, v9;
	s0 =	sor.u32 $0x18C00, s12;
	v9, _, _ =	vpop (xrf0)  }
0x92: {  	[tilespmem:s0+$0x0] =	vst.msk vm0, v9;
	s0 =	sor.u32 $0x18E00, s12;
	v9, _, _ =	vpop (xrf0)  }
0x93: {  	[tilespmem:s0+$0x0] =	vst.msk vm0, v9;
	s0 =	sor.u32 $0x19000, s12;
	v9, _, _ =	vpop (xrf0)  }
0x94: {  	[tilespmem:s0+$0x0] =	vst.msk vm0, v9;
	s0 =	sor.u32 $0x19200, s12;
	v9, _, _ =	vpop (xrf0)  }
0x95: {  	[tilespmem:s0+$0x0] =	vst.msk vm0, v9  }
0x96: {  	v37 =	vld [tilespmem:s28+$0x12000]  }
.Ltmp2:
0x97: {  	v38 =	vld [tilespmem:s26+$0x0];
	(pc) =	sbr.rel @p0 .LBB2_8-.Ltmp2, $3  }
0x98: {  	v10 =	vld [tilespmem:s28+$0x14000]  }
0x99: {  	v9 =	vld [tilespmem:s30+$0x0];
	_ =	sdelay $0x1  }
0x9a: {  	s28 =	simm.s32 $0x0;
	s30 =	sadd.s32 $0x10, s30;
	v40 =	vmul.f32 v37, v31;
	v39 =	vmul.f32 v37, v3  }
0x9b: {  	v41 =	vmul.f32 v38, v30  }
0x9c: {  	v42 =	vmul.f32 v38, v2;
	v43 =	vmul.f32 v37, v14  }
0x9d: {  	v44 =	vmul.f32 v37, v8;
	v45 =	vmul.f32 v38, v7  }
0x9e: {  	v46 =	vmul.f32 v37, v23;
	v47 =	vmul.f32 v38, v13  }
0x9f: {  	v59 =	vmul.f32 v38, v33;
	v48 =	vmul.f32 v37, v34  }
0xa0: {  	v60 =	vmul.f32 v38, v26;
	v49 =	vmul.f32 v37, v27  }
0xa1: {  	v63 =	vmul.f32 v38, v22;
	v52 =	vmul.f32 v38, v18  }
0xa2: {  	v53 =	vmul.f32 v37, v19;
	v40 =	vadd.f32 v40, v41;
	v39 =	vadd.f32 v39, v42  }
0xa3: {  	v58 =	vmul.f32 v10, v29;
	v43 =	vadd.f32 v43, v47;
	v42 =	vadd.f32 v48, v59  }
0xa4: {  	v61 =	vmul.f32 v10, v32;
	v41 =	vadd.f32 v49, v60;
	v46 =	vadd.f32 v46, v63  }
0xa5: {  	v62 =	vmul.f32 v10, v25;
	v37 =	vadd.f32 v53, v52;
	v40 =	vadd.f32 v58, v40  }
0xa6: {  	v54 =	vmul.f32 v10, v21;
	v57 =	vadd.f32 v44, v45;
	v42 =	vadd.f32 v61, v42  }
0xa7: {  	v55 =	vmul.f32 v10, v17;
	v41 =	vadd.f32 v62, v41;
	v40 =	vadd.f32 v40, v9  }
0xa8: {  	v56 =	vmul.f32 v10, v15;
	v46 =	vadd.f32 v54, v46;
	v42 =	vadd.f32 v42, v9  }
0xa9: {  	v37 =	vadd.f32 v55, v37;
	v58 =	vmul.f32 v10, v6;
	v10 =	vmul.f32 v10, v4;
	(xrf0) =	vmax.scan.msk.f32 $0xffff, v40  }
0xaa: {  	v43 =	vadd.f32 v56, v43;
	v41 =	vadd.f32 v41, v9;
	(xrf0) =	vmax.scan.msk.f32 $0xffff, v42  }
0xab: {  	v59 =	vadd.f32 v46, v9;
	v10 =	vadd.f32 v10, v39  }
0xac: {  	v37 =	vadd.f32 v37, v9;
	v38 =	vadd.f32 v58, v57;
	(xrf0) =	vmax.scan.msk.f32 $0xffff, v41  }
0xad: {  	v60 =	vadd.f32 v43, v9;
	(xrf0) =	vmax.scan.msk.f32 $0xffff, v59  }
0xae: {  	v38 =	vadd.f32 v38, v9;
	v9 =	vadd.f32 v10, v9;
	(xrf0) =	vmax.scan.msk.f32 $0xffff, v37  }
0xaf: {  	v10, _, _ =	vpop (xrf0);
	(xrf0) =	vmax.scan.msk.f32 $0xffff, v60  }
0xb0: {  	s0 =	sand.u32 $0x1FF, s25;
	v61, _, _ =	vpop (xrf0);
	(xrf0) =	vmax.scan.msk.f32 $0xffff, v38  }
0xb1: {  	s1 =	sor.u32 $0x18600, s0;
	[tilespmem:s24+$0x0] =	vst.msk vm0, v61;
	(xrf0) =	vmax.scan.msk.f32 $0xffff, v9  }
0xb2: {  	s12 =	sor.u32 $0x18800, s0;
	v9, _, _ =	vpop (xrf0);
	[tilespmem:s1+$0x0] =	vst.msk vm0, v10  }
0xb3: {  	s24 =	sor.u32 $0x18A00, s0;
	[tilespmem:s12+$0x0] =	vst.msk vm0, v9;
	v9, _, _ =	vpop (xrf0)  }
0xb4: {  	s25 =	sor.u32 $0x18C00, s0;
	[tilespmem:s24+$0x0] =	vst.msk vm0, v9;
	v9, _, _ =	vpop (xrf0)  }
0xb5: {  	s26 =	sor.u32 $0x18E00, s0;
	[tilespmem:s25+$0x0] =	vst.msk vm0, v9;
	v9, _, _ =	vpop (xrf0)  }
0xb6: {  	s29 =	sor.u32 $0x19000, s0;
	[tilespmem:s26+$0x0] =	vst.msk vm0, v9;
	v9, _, _ =	vpop (xrf0)  }
0xb7: {  	s0 =	sor.u32 $0x19200, s0;
	[tilespmem:s29+$0x0] =	vst.msk vm0, v9;
	v9, _, _ =	vpop (xrf0)  }
0xb8: {  	[tilespmem:s0+$0x0] =	vst.msk vm0, v9  }
0xb9: {  	v9 =	vld [tilespmem:s23+$0x0];
	_ =	sdelay $0x3  }
0xba: {  	v10 =	vor.u32 s28, v0  }
0xbb: {  	(xrf1) =	vsort.dscd.msk.f32 $0xffff, v9, v10;
	_ =	sdelay $0x9  }
0xbc: {  	s30 =	simm.s32 $0x18410  }
0xbd: {  	v9 =	vld [tilespmem:s30+$0x0];
	_ =	sdelay $0x2  }
0xbe: {  	s31 =	simm.s32 $0x10;
	v10, v62, _ =	vpop (xrf1)  }
0xbf: {  	v63 =	vor.u32 s31, v0;
	vm1 =	vgt.f32 v10, v36  }
0xc0: {  	(xrf1) =	vsort.dscd.msk.f32 $0xffff, v9, v63;
	v9 =	vsel vm1, v10, v36;
	v10 =	vsel vm1, v62, v35  }
0xc1: {  	(xrf1) =	vsort.ascd.msk.f32 $0xffff, v9, v10;
	_ =	sdelay $0x9  }
0xc2: {  	s1 =	simm.s32 $0x18420  }
0xc3: {  	v9 =	vld [tilespmem:s1+$0x0]  }
0xc4: {  	s0 =	simm.s32 $0x20;
	s23 =	simm.s32 $0x30  }
.LBB2_10:
0xc5: {  	p0 =	sne.s32 s23, $0x1F0;
	v10, v37, _ =	vpop (xrf1)  }
0xc6: {  	v38, v39, _ =	vpop (xrf1)  }
0xc7: {  	v40 =	vor.u32 s0, v0;
	s0 =	smov.u32 s23;
	vm1 =	vgt.f32 v10, v38  }
0xc8: {  	(xrf1) =	vsort.dscd.msk.f32 $0xffff, v9, v40;
	v9 =	vsel vm1, v10, v38;
	v10 =	vsel vm1, v37, v39  }
0xc9: {  	(xrf1) =	vsort.ascd.msk.f32 $0xffff, v9, v10;
	_ =	sdelay $0x7  }
.Ltmp3:
0xca: {  	(pc) =	sbr.rel @p0 .LBB2_10-.Ltmp3, $4  }
0xcb: {  	_ = 	snop  }
0xcc: {  	s1 =	sadd.s32 $0x10, s1  }
0xcd: {  	v9 =	vld [tilespmem:s1+$0x0]  }
0xce: {  	s23 =	sadd.s32 $0x10, s23  }
0xcf: {  	v10, v37, _ =	vpop (xrf1)  }
0xd0: {  	v38, v39, _ =	vpop (xrf1)  }
0xd1: {  	v40 =	vor.u32 s0, v0;
	vm1 =	vgt.f32 v10, v38  }
0xd2: {  	(xrf1) =	vsort.dscd.msk.f32 $0xffff, v9, v40;
	v9 =	vsel vm1, v10, v38;
	v10 =	vsel vm1, v37, v39  }
0xd3: {  	(xrf1) =	vsort.ascd.msk.f32 $0xffff, v9, v10;
	_ =	sdelay $0xc  }
0xd4: {  	v9, v10, _ =	vpop (xrf1)  }
0xd5: {  	v48, v47, _ =	vpop (xrf1)  }
0xd6: {  	vm1 =	vgt.f32 v9, v48  }
0xd7: {  	v9 =	vsel vm1, v9, v48;
	v10 =	vsel vm1, v10, v47  }
0xd8: {  	(xrf1) =	vsort.ascd.msk.f32 $0xffff, v9, v10;
	_ =	sdelay $0xd  }
0xd9: {  	v9, v37, _ =	vpop (xrf1)  }
0xda: {  	v9 =	vmov s28  }
0xdb: {  	v9 =	vperm.xlane v37, v9;
	_ =	sdelay $0x1  }
0xdc: {  	v49 =	vshll.u32 v9, $0x4  }
0xdd: {  	v10 =	vor.u32 $0x2000, v0;
	v50 =	vor.u32 v0, v49  }
0xde: {  	v51 =	vadd.s32 v10, v49  }
0xdf: {  	v9 =	vor.u32 $0x4000, v0  }
0xe0: {  	v38 =	vadd.s32 v9, v49;
	_ =	sdelay $0x1  }
0xe1: {  	v41 =	vld.idx.msk [tilespmem:v50+s15+$0x0], $0xffff  }
0xe2: {  	v40 =	vld.idx.msk [tilespmem:v51+s15+$0x0], $0xffff;
	_ =	sdelay $0x1  }
0xe3: {  	v38 =	vld.idx.msk [tilespmem:v38+s15+$0x0], $0xffff;
	_ =	sdelay $0x2  }
0xe4: {  	s29 =	simm.s32 $0x1;
	v41 =	vmul.f32 v41, v33;
	v40 =	vmul.f32 v40, v34  }
0xe5: {  	v43 =	vmov s29;
	v42 =	vld.idx.msk [tilespmem:v50+s16+$0x0], $0xffff  }
0xe6: {  	v43 =	vperm.xlane v37, v43;
	v38 =	vmul.f32 v38, v32;
	v40 =	vadd.f32 v40, v41;
	_ =	sdelay $0x1  }
0xe7: {  	v52 =	vshll.u32 v43, $0x4;
	v38 =	vadd.f32 v38, v40  }
0xe8: {  	v53 =	vor.u32 v0, v52  }
0xe9: {  	v43 =	vadd.s32 v10, v52;
	v38 =	vadd.f32 v38, v42;
	_ =	sdelay $0x1  }
0xea: {  	v41 =	vadd.s32 v9, v52;
	v38 =	vsub.f32 v38, v11;
	_ =	sdelay $0x1  }
0xeb: {  	v54 =	vld.idx.msk [tilespmem:v53+s15+$0x0], $0xffff;
	(xrf1) =	vsort.dscd.msk.f32 $0xffff, v38, v50  }
0xec: {  	v55 =	vld.idx.msk [tilespmem:v43+s15+$0x0], $0xffff;
	_ =	sdelay $0x1  }
0xed: {  	v41 =	vld.idx.msk [tilespmem:v41+s15+$0x0], $0xffff;
	_ =	sdelay $0x2  }
0xee: {  	v43 =	vmul.f32 v55, v34;
	v42 =	vmul.f32 v54, v33  }
0xef: {  	s30 =	simm.s32 $0x2;
	v44 =	vld.idx.msk [tilespmem:v53+s16+$0x0], $0xffff  }
0xf0: {  	v56 =	vmov s30;
	v42 =	vadd.f32 v43, v42;
	v41 =	vmul.f32 v41, v32  }
0xf1: {  	v39 =	vperm.xlane v37, v56  }
0xf2: {  	v41 =	vadd.f32 v41, v42  }
0xf3: {  	v39 =	vshll.u32 v39, $0x4  }
0xf4: {  	v45 =	vadd.s32 v10, v39;
	v41 =	vadd.f32 v41, v44  }
0xf5: {  	v38 =	vor.u32 v0, v39  }
0xf6: {  	v41 =	vsub.f32 v41, v11;
	v59, v60, _ =	vpop (xrf1)  }
0xf7: {  	v39 =	vadd.s32 v9, v39;
	vm1 =	vgt.f32 v59, v36  }
0xf8: {  	(xrf1) =	vsort.dscd.msk.f32 $0xffff, v41, v53;
	v36 =	vsel vm1, v59, v36;
	v35 =	vsel vm1, v60, v35  }
0xf9: {  	v58 =	vld.idx.msk [tilespmem:v45+s15+$0x0], $0xffff;
	(xrf1) =	vsort.ascd.msk.f32 $0xffff, v36, v35  }
0xfa: {  	v57 =	vld.idx.msk [tilespmem:v38+s15+$0x0], $0xffff;
	_ =	sdelay $0x1  }
0xfb: {  	v46 =	vld.idx.msk [tilespmem:v39+s15+$0x0], $0xffff;
	_ =	sdelay $0x2  }
0xfc: {  	s31 =	simm.s32 $0x3;
	v62 =	vmul.f32 v58, v34;
	v61 =	vmul.f32 v57, v33  }
0xfd: {  	v63 =	vmov s31;
	v35 =	vld.idx.msk [tilespmem:v38+s16+$0x0], $0xffff  }
0xfe: {  	v40 =	vmul.f32 v46, v32;
	v39 =	vadd.f32 v62, v61;
	v36 =	vperm.xlane v37, v63  }
0xff: {  	s0 =	simm.s32 $0x4  }
.LBB2_12:
0x100: {  	p0 =	sne.s32 s0, $0xF;
	v36 =	vshll.u32 v36, $0x4;
	v43 =	vadd.f32 v40, v39  }
0x101: {  	v40 =	vor.u32 v0, v36  }
0x102: {  	v41 =	vadd.s32 v10, v36;
	v35 =	vadd.f32 v43, v35  }
0x103: {  	v39, v42, _ =	vpop (xrf1)  }
0x104: {  	v36 =	vadd.s32 v9, v36;
	v35 =	vsub.f32 v35, v11;
	v43, v44, _ =	vpop (xrf1)  }
0x105: {  	vm1 =	vgt.f32 v39, v43  }
0x106: {  	v45 =	vld.idx.msk [tilespmem:v40+s15+$0x0], $0xffff;
	(xrf1) =	vsort.dscd.msk.f32 $0xffff, v35, v38;
	v35 =	vsel vm1, v39, v43;
	v42 =	vsel vm1, v42, v44  }
0x107: {  	v38 =	vmov v40;
	v39 =	vld.idx.msk [tilespmem:v41+s15+$0x0], $0xffff;
	(xrf1) =	vsort.ascd.msk.f32 $0xffff, v35, v42;
	_ =	sdelay $0x1  }
0x108: {  	v40 =	vld.idx.msk [tilespmem:v36+s15+$0x0], $0xffff;
	_ =	sdelay $0x2  }
.Ltmp4:
0x109: {  	(pc) =	sbr.rel @p0 .LBB2_12-.Ltmp4, $4  }
0x10a: {  	v41 =	vmul.f32 v45, v33;
	v39 =	vmul.f32 v39, v34;
	v35 =	vld.idx.msk [tilespmem:v38+s16+$0x0], $0xffff  }
0x10b: {  	v36 =	vmov s0  }
0x10c: {  	v36 =	vperm.xlane v37, v36;
	v39 =	vadd.f32 v39, v41;
	v40 =	vmul.f32 v40, v32  }
0x10d: {  	s0 =	sadd.s32 $0x1, s0  }
0x10e: {  	v37 =	vadd.f32 v40, v39  }
0x10f: {  	v36 =	vshll.u32 v36, $0x4  }
0x110: {  	v60 =	vor.u32 v0, v36;
	v35 =	vadd.f32 v37, v35  }
0x111: {  	v61 =	vadd.s32 v10, v36;
	v62, v41, _ =	vpop (xrf1)  }
0x112: {  	v35 =	vsub.f32 v35, v11;
	v42, v43, _ =	vpop (xrf1)  }
0x113: {  	v36 =	vadd.s32 v9, v36;
	vm1 =	vgt.f32 v62, v42  }
0x114: {  	(xrf1) =	vsort.dscd.msk.f32 $0xffff, v35, v38;
	v63 =	vsel vm1, v62, v42;
	v44 =	vsel vm1, v41, v43  }
0x115: {  	v45 =	vld.idx.msk [tilespmem:v60+s15+$0x0], $0xffff;
	(xrf1) =	vsort.ascd.msk.f32 $0xffff, v63, v44  }
0x116: {  	v46 =	vld.idx.msk [tilespmem:v61+s15+$0x0], $0xffff;
	_ =	sdelay $0x1  }
0x117: {  	v36 =	vld.idx.msk [tilespmem:v36+s15+$0x0], $0xffff;
	_ =	sdelay $0x2  }
0x118: {  	v33 =	vmul.f32 v45, v33;
	v34 =	vmul.f32 v46, v34  }
0x119: {  	v47 =	vld.idx.msk [tilespmem:v60+s16+$0x0], $0xffff  }
0x11a: {  	v32 =	vmul.f32 v36, v32;
	v33 =	vadd.f32 v34, v33;
	_ =	sdelay $0x1  }
0x11b: {  	v32 =	vadd.f32 v32, v33;
	_ =	sdelay $0x1  }
0x11c: {  	v32 =	vadd.f32 v32, v47  }
0x11d: {  	v48, v34, _ =	vpop (xrf1)  }
0x11e: {  	v11 =	vsub.f32 v32, v11;
	v49, v35, _ =	vpop (xrf1)  }
0x11f: {  	vm1 =	vgt.f32 v48, v49  }
0x120: {  	(xrf1) =	vsort.dscd.msk.f32 $0xffff, v11, v60;
	v11 =	vsel vm1, v48, v49;
	v50 =	vsel vm1, v34, v35  }
0x121: {  	(xrf1) =	vsort.ascd.msk.f32 $0xffff, v11, v50;
	_ =	sdelay $0xc  }
0x122: {  	v11, v32, _ =	vpop (xrf1)  }
0x123: {  	v51, v52, _ =	vpop (xrf1)  }
0x124: {  	vm1 =	vgt.f32 v11, v51  }
0x125: {  	v11 =	vsel vm1, v11, v51;
	v32 =	vsel vm1, v32, v52  }
0x126: {  	(xrf1) =	vsort.ascd.msk.f32 $0xffff, v11, v32;
	_ =	sdelay $0xb  }
0x127: {  	v11 =	vmul.u32 $0xFFFFFFFF, v0;
	_ =	sdelay $0x1  }
0x128: {  	v11 =	vadd.s32 $0xF, v11;
	v32, v53, _ =	vpop (xrf1)  }
0x129: {  	v32 =	vperm.xlane v53, v11;
	_ =	sdelay $0x1  }
0x12a: {  	v33 =	vshll.u32 v32, $0x3  }
0x12b: {  	v32 =	vand.u32 $0x7F, v32;
	v33 =	vand.u32 $0xFFFFFC00, v33  }
0x12c: {  	v32 =	vor.u32 v32, v33;
	_ =	sdelay $0x3  }
0x12d: {  	s1 =	simm.s32 $0x0  }
0x12e: {  	v33 =	vld.idx.msk [tilespmem:v32+s1+$0x0], $0xffff  }
0x12f: {  	v54 =	vor.u32 $0x80, v32;
	_ =	sdelay $0x1  }
0x130: {  	s0 =	sshll.u32 s22, $0xA  }
0x131: {  	s23 =	sand.u32 $0x3FFFFC00, s0  }
0x132: {  	[tilespmem:s23+$0x19480] =	vst v33  }
0x133: {  	v33 =	vld.idx.msk [tilespmem:v54+s1+$0x0], $0xffff  }
0x134: {  	v55 =	vor.u32 $0x100, v32;
	_ =	sdelay $0x3  }
0x135: {  	[tilespmem:s23+$0x19500] =	vst v33  }
0x136: {  	v33 =	vld.idx.msk [tilespmem:v55+s1+$0x0], $0xffff  }
0x137: {  	v56 =	vor.u32 $0x180, v32;
	_ =	sdelay $0x3  }
0x138: {  	[tilespmem:s23+$0x19580] =	vst v33  }
0x139: {  	v33 =	vld.idx.msk [tilespmem:v56+s1+$0x0], $0xffff  }
0x13a: {  	v32 =	vor.u32 $0x200, v32;
	_ =	sdelay $0x3  }
0x13b: {  	[tilespmem:s23+$0x19600] =	vst v33  }
0x13c: {  	v32 =	vld.idx.msk [tilespmem:v32+s1+$0x0], $0xffff;
	_ =	sdelay $0x4  }
0x13d: {  	s29 =	sand.u32 $0x1F0, s1;
	[tilespmem:s23+$0x19680] =	vst v32  }
0x13e: {  	v32 =	vld [tilespmem:s29+$0x18600];
	_ =	sdelay $0x3  }
0x13f: {  	v57 =	vor.u32 s1, v0  }
0x140: {  	(xrf1) =	vsort.dscd.msk.f32 $0xffff, v32, v57;
	_ =	sdelay $0x8  }
0x141: {  	s12 =	simm.s32 $0x10  }
0x142: {  	s30 =	sand.u32 $0x1F0, s12  }
0x143: {  	v58 =	vld [tilespmem:s30+$0x18600];
	_ =	sdelay $0x2  }
0x144: {  	v33 =	vimm.f32 $-Inf;
	v60, v59, _ =	vpop (xrf1)  }
0x145: {  	v61 =	vor.u32 s12, v0;
	v32 =	vimm.s32 $0x0;
	vm1 =	vgt.f32 v60, v33  }
0x146: {  	(xrf1) =	vsort.dscd.msk.f32 $0xffff, v58, v61;
	v62 =	vsel vm1, v60, v33;
	v63 =	vsel vm1, v59, v32  }
0x147: {  	(xrf1) =	vsort.ascd.msk.f32 $0xffff, v62, v63;
	_ =	sdelay $0x8  }
0x148: {  	s0 =	simm.s32 $0x20  }
0x149: {  	s31 =	sand.u32 $0x1F0, s0  }
0x14a: {  	s24 =	simm.s32 $0x30;
	v34 =	vld [tilespmem:s31+$0x18600]  }
.LBB2_14:
0x14b: {  	p0 =	sne.s32 s24, $0x1F0  }
0x14c: {  	v35, v36, _ =	vpop (xrf1)  }
0x14d: {  	v37, v38, _ =	vpop (xrf1)  }
0x14e: {  	v39 =	vor.u32 s0, v0;
	s0 =	smov.u32 s24;
	vm1 =	vgt.f32 v35, v37  }
0x14f: {  	(xrf1) =	vsort.dscd.msk.f32 $0xffff, v34, v39;
	v34 =	vsel vm1, v35, v37;
	v35 =	vsel vm1, v36, v38  }
0x150: {  	(xrf1) =	vsort.ascd.msk.f32 $0xffff, v34, v35;
	_ =	sdelay $0x6  }
.Ltmp5:
0x151: {  	(pc) =	sbr.rel @p0 .LBB2_14-.Ltmp5, $3  }
0x152: {  	_ =	sdelay $0x1  }
0x153: {  	s12 =	sand.u32 $0x1F0, s24  }
0x154: {  	s24 =	sadd.s32 $0x10, s24;
	v34 =	vld [tilespmem:s12+$0x18600]  }
0x155: {  	_ = 	snop  }
0x156: {  	v35, v36, _ =	vpop (xrf1)  }
0x157: {  	v37, v38, _ =	vpop (xrf1)  }
0x158: {  	v39 =	vor.u32 s0, v0;
	vm1 =	vgt.f32 v35, v37  }
0x159: {  	(xrf1) =	vsort.dscd.msk.f32 $0xffff, v34, v39;
	v44 =	vsel vm1, v35, v37;
	v45 =	vsel vm1, v36, v38  }
0x15a: {  	(xrf1) =	vsort.ascd.msk.f32 $0xffff, v44, v45;
	_ =	sdelay $0xc  }
0x15b: {  	v34, v35, _ =	vpop (xrf1)  }
0x15c: {  	v47, v46, _ =	vpop (xrf1)  }
0x15d: {  	vm1 =	vgt.f32 v34, v47  }
0x15e: {  	v34 =	vsel vm1, v34, v47;
	v35 =	vsel vm1, v35, v46  }
0x15f: {  	(xrf1) =	vsort.ascd.msk.f32 $0xffff, v34, v35;
	_ =	sdelay $0xd  }
0x160: {  	v35, v34, _ =	vpop (xrf1)  }
0x161: {  	v35 =	vmov s1  }
0x162: {  	v35 =	vperm.xlane v34, v35;
	_ =	sdelay $0x1  }
0x163: {  	v35 =	vshll.u32 v35, $0x4  }
0x164: {  	v48 =	vor.u32 v0, v35  }
0x165: {  	v49 =	vadd.s32 v10, v35;
	_ =	sdelay $0x1  }
0x166: {  	v35 =	vadd.s32 v9, v35;
	_ =	sdelay $0x1  }
0x167: {  	v50 =	vld.idx.msk [tilespmem:v48+s15+$0x0], $0xffff  }
0x168: {  	v37 =	vld.idx.msk [tilespmem:v49+s15+$0x0], $0xffff;
	_ =	sdelay $0x1  }
0x169: {  	v35 =	vld.idx.msk [tilespmem:v35+s15+$0x0], $0xffff;
	_ =	sdelay $0x2  }
0x16a: {  	s29 =	simm.s32 $0x1;
	v38 =	vmul.f32 v50, v30;
	v37 =	vmul.f32 v37, v31  }
0x16b: {  	v40 =	vmov s29;
	v51 =	vld.idx.msk [tilespmem:v48+s16+$0x0], $0xffff  }
0x16c: {  	v40 =	vperm.xlane v34, v40;
	v35 =	vmul.f32 v35, v29;
	v37 =	vadd.f32 v37, v38;
	_ =	sdelay $0x1  }
0x16d: {  	v52 =	vshll.u32 v40, $0x4;
	v35 =	vadd.f32 v35, v37  }
0x16e: {  	v53 =	vor.u32 v0, v52  }
0x16f: {  	v40 =	vadd.s32 v10, v52;
	v35 =	vadd.f32 v35, v51;
	_ =	sdelay $0x1  }
0x170: {  	v38 =	vadd.s32 v9, v52;
	v35 =	vsub.f32 v35, v28;
	_ =	sdelay $0x1  }
0x171: {  	v54 =	vld.idx.msk [tilespmem:v53+s15+$0x0], $0xffff;
	(xrf1) =	vsort.dscd.msk.f32 $0xffff, v35, v48  }
0x172: {  	v55 =	vld.idx.msk [tilespmem:v40+s15+$0x0], $0xffff;
	_ =	sdelay $0x1  }
0x173: {  	v38 =	vld.idx.msk [tilespmem:v38+s15+$0x0], $0xffff;
	_ =	sdelay $0x2  }
0x174: {  	v39 =	vmul.f32 v54, v30;
	v40 =	vmul.f32 v55, v31  }
0x175: {  	s30 =	simm.s32 $0x2;
	v41 =	vld.idx.msk [tilespmem:v53+s16+$0x0], $0xffff  }
0x176: {  	v56 =	vmov s30;
	v39 =	vadd.f32 v40, v39;
	v38 =	vmul.f32 v38, v29  }
0x177: {  	v36 =	vperm.xlane v34, v56  }
0x178: {  	v38 =	vadd.f32 v38, v39  }
0x179: {  	v36 =	vshll.u32 v36, $0x4  }
0x17a: {  	v42 =	vadd.s32 v10, v36;
	v38 =	vadd.f32 v38, v41  }
0x17b: {  	v35 =	vor.u32 v0, v36  }
0x17c: {  	v38 =	vsub.f32 v38, v28;
	v59, v60, _ =	vpop (xrf1)  }
0x17d: {  	v36 =	vadd.s32 v9, v36;
	vm1 =	vgt.f32 v59, v33  }
0x17e: {  	(xrf1) =	vsort.dscd.msk.f32 $0xffff, v38, v53;
	v33 =	vsel vm1, v59, v33;
	v32 =	vsel vm1, v60, v32  }
0x17f: {  	v58 =	vld.idx.msk [tilespmem:v42+s15+$0x0], $0xffff;
	(xrf1) =	vsort.ascd.msk.f32 $0xffff, v33, v32  }
0x180: {  	v57 =	vld.idx.msk [tilespmem:v35+s15+$0x0], $0xffff;
	_ =	sdelay $0x1  }
0x181: {  	v43 =	vld.idx.msk [tilespmem:v36+s15+$0x0], $0xffff;
	_ =	sdelay $0x2  }
0x182: {  	s31 =	simm.s32 $0x3;
	v62 =	vmul.f32 v58, v31;
	v61 =	vmul.f32 v57, v30  }
0x183: {  	v63 =	vmov s31;
	v32 =	vld.idx.msk [tilespmem:v35+s16+$0x0], $0xffff  }
0x184: {  	v37 =	vmul.f32 v43, v29;
	v36 =	vadd.f32 v62, v61;
	v33 =	vperm.xlane v34, v63  }
0x185: {  	s0 =	simm.s32 $0x4  }
.LBB2_16:
0x186: {  	p0 =	sne.s32 s0, $0xF;
	v33 =	vshll.u32 v33, $0x4;
	v40 =	vadd.f32 v37, v36  }
0x187: {  	v37 =	vor.u32 v0, v33  }
0x188: {  	v38 =	vadd.s32 v10, v33;
	v32 =	vadd.f32 v40, v32  }
0x189: {  	v36, v39, _ =	vpop (xrf1)  }
0x18a: {  	v33 =	vadd.s32 v9, v33;
	v32 =	vsub.f32 v32, v28;
	v40, v41, _ =	vpop (xrf1)  }
0x18b: {  	vm1 =	vgt.f32 v36, v40  }
0x18c: {  	v42 =	vld.idx.msk [tilespmem:v37+s15+$0x0], $0xffff;
	(xrf1) =	vsort.dscd.msk.f32 $0xffff, v32, v35;
	v32 =	vsel vm1, v36, v40;
	v39 =	vsel vm1, v39, v41  }
0x18d: {  	v35 =	vmov v37;
	v36 =	vld.idx.msk [tilespmem:v38+s15+$0x0], $0xffff;
	(xrf1) =	vsort.ascd.msk.f32 $0xffff, v32, v39;
	_ =	sdelay $0x1  }
0x18e: {  	v37 =	vld.idx.msk [tilespmem:v33+s15+$0x0], $0xffff;
	_ =	sdelay $0x2  }
.Ltmp6:
0x18f: {  	(pc) =	sbr.rel @p0 .LBB2_16-.Ltmp6, $4  }
0x190: {  	v38 =	vmul.f32 v42, v30;
	v36 =	vmul.f32 v36, v31;
	v32 =	vld.idx.msk [tilespmem:v35+s16+$0x0], $0xffff  }
0x191: {  	v33 =	vmov s0  }
0x192: {  	v33 =	vperm.xlane v34, v33;
	v36 =	vadd.f32 v36, v38;
	v37 =	vmul.f32 v37, v29  }
0x193: {  	s0 =	sadd.s32 $0x1, s0  }
0x194: {  	v33 =	vshll.u32 v33, $0x4  }
0x195: {  	v34 =	vadd.f32 v37, v36;
	v54 =	vor.u32 v0, v33  }
0x196: {  	v55 =	vadd.s32 v10, v33  }
0x197: {  	v32 =	vadd.f32 v34, v32  }
0x198: {  	v33 =	vadd.s32 v9, v33;
	v56, v38, _ =	vpop (xrf1)  }
0x199: {  	v32 =	vsub.f32 v32, v28;
	v39, v40, _ =	vpop (xrf1)  }
0x19a: {  	vm1 =	vgt.f32 v56, v39;
	v59 =	vld.idx.msk [tilespmem:v54+s15+$0x0], $0xffff  }
0x19b: {  	(xrf1) =	vsort.dscd.msk.f32 $0xffff, v32, v35;
	v57 =	vsel vm1, v56, v39;
	v58 =	vsel vm1, v38, v40;
	v60 =	vld.idx.msk [tilespmem:v55+s15+$0x0], $0xffff  }
0x19c: {  	(xrf1) =	vsort.ascd.msk.f32 $0xffff, v57, v58  }
0x19d: {  	v33 =	vld.idx.msk [tilespmem:v33+s15+$0x0], $0xffff;
	_ =	sdelay $0x2  }
0x19e: {  	v30 =	vmul.f32 v59, v30;
	v31 =	vmul.f32 v60, v31  }
0x19f: {  	v61 =	vld.idx.msk [tilespmem:v54+s16+$0x0], $0xffff  }
0x1a0: {  	v29 =	vmul.f32 v33, v29;
	v30 =	vadd.f32 v31, v30;
	_ =	sdelay $0x1  }
0x1a1: {  	v29 =	vadd.f32 v29, v30;
	_ =	sdelay $0x1  }
0x1a2: {  	v29 =	vadd.f32 v29, v61;
	_ =	sdelay $0x2  }
0x1a3: {  	v30, v31, _ =	vpop (xrf1)  }
0x1a4: {  	v28 =	vsub.f32 v29, v28;
	v29, v32, _ =	vpop (xrf1)  }
0x1a5: {  	vm1 =	vgt.f32 v30, v29  }
0x1a6: {  	(xrf1) =	vsort.dscd.msk.f32 $0xffff, v28, v54;
	v28 =	vsel vm1, v30, v29;
	v29 =	vsel vm1, v31, v32  }
0x1a7: {  	(xrf1) =	vsort.ascd.msk.f32 $0xffff, v28, v29;
	_ =	sdelay $0xc  }
0x1a8: {  	v28, v29, _ =	vpop (xrf1)  }
0x1a9: {  	v30, v31, _ =	vpop (xrf1)  }
0x1aa: {  	vm1 =	vgt.f32 v28, v30  }
0x1ab: {  	v28 =	vsel vm1, v28, v30;
	v29 =	vsel vm1, v29, v31  }
0x1ac: {  	(xrf1) =	vsort.ascd.msk.f32 $0xffff, v28, v29;
	_ =	sdelay $0xd  }
0x1ad: {  	v28, v29, _ =	vpop (xrf1)  }
0x1ae: {  	v28 =	vperm.xlane v29, v11;
	_ =	sdelay $0x1  }
0x1af: {  	v29 =	vshll.u32 v28, $0x3  }
0x1b0: {  	v28 =	vand.u32 $0x7F, v28;
	v29 =	vand.u32 $0xFFFFFC00, v29  }
0x1b1: {  	v28 =	vor.u32 v28, v29;
	_ =	sdelay $0x3  }
0x1b2: {  	s1 =	simm.s32 $0x0  }
0x1b3: {  	v29 =	vld.idx.msk [tilespmem:v28+s1+$0x0], $0xffff  }
0x1b4: {  	v30 =	vor.u32 $0x80, v28;
	_ =	sdelay $0x3  }
0x1b5: {  	[tilespmem:s23+$0x19490] =	vst v29  }
0x1b6: {  	v29 =	vld.idx.msk [tilespmem:v30+s1+$0x0], $0xffff  }
0x1b7: {  	v30 =	vor.u32 $0x100, v28;
	_ =	sdelay $0x3  }
0x1b8: {  	[tilespmem:s23+$0x19510] =	vst v29  }
0x1b9: {  	v29 =	vld.idx.msk [tilespmem:v30+s1+$0x0], $0xffff  }
0x1ba: {  	v30 =	vor.u32 $0x180, v28;
	_ =	sdelay $0x3  }
0x1bb: {  	[tilespmem:s23+$0x19590] =	vst v29  }
0x1bc: {  	v29 =	vld.idx.msk [tilespmem:v30+s1+$0x0], $0xffff  }
0x1bd: {  	v28 =	vor.u32 $0x200, v28;
	_ =	sdelay $0x3  }
0x1be: {  	[tilespmem:s23+$0x19610] =	vst v29  }
0x1bf: {  	v28 =	vld.idx.msk [tilespmem:v28+s1+$0x0], $0xffff;
	_ =	sdelay $0x4  }
0x1c0: {  	s0 =	sand.u32 $0x1F0, s1;
	[tilespmem:s23+$0x19690] =	vst v28  }
0x1c1: {  	v28 =	vld [tilespmem:s0+$0x18800];
	_ =	sdelay $0x3  }
0x1c2: {  	v29 =	vor.u32 s1, v0  }
0x1c3: {  	(xrf1) =	vsort.dscd.msk.f32 $0xffff, v28, v29;
	_ =	sdelay $0x8  }
0x1c4: {  	s12 =	simm.s32 $0x10  }
0x1c5: {  	s30 =	sand.u32 $0x1F0, s12  }
0x1c6: {  	v30 =	vld [tilespmem:s30+$0x18800];
	_ =	sdelay $0x2  }
0x1c7: {  	v29 =	vimm.f32 $-Inf;
	v31, v62, _ =	vpop (xrf1)  }
0x1c8: {  	v63 =	vor.u32 s12, v0;
	v28 =	vimm.s32 $0x0;
	vm1 =	vgt.f32 v31, v29  }
0x1c9: {  	(xrf1) =	vsort.dscd.msk.f32 $0xffff, v30, v63;
	v30 =	vsel vm1, v31, v29;
	v31 =	vsel vm1, v62, v28  }
0x1ca: {  	(xrf1) =	vsort.ascd.msk.f32 $0xffff, v30, v31;
	_ =	sdelay $0x8  }
0x1cb: {  	s0 =	simm.s32 $0x20  }
0x1cc: {  	s31 =	sand.u32 $0x1F0, s0  }
0x1cd: {  	s24 =	simm.s32 $0x30;
	v30 =	vld [tilespmem:s31+$0x18800]  }
.LBB2_18:
0x1ce: {  	p0 =	sne.s32 s24, $0x1F0  }
0x1cf: {  	v31, v32, _ =	vpop (xrf1)  }
0x1d0: {  	v33, v34, _ =	vpop (xrf1)  }
0x1d1: {  	v35 =	vor.u32 s0, v0;
	s0 =	smov.u32 s24;
	vm1 =	vgt.f32 v31, v33  }
0x1d2: {  	(xrf1) =	vsort.dscd.msk.f32 $0xffff, v30, v35;
	v30 =	vsel vm1, v31, v33;
	v31 =	vsel vm1, v32, v34  }
0x1d3: {  	(xrf1) =	vsort.ascd.msk.f32 $0xffff, v30, v31;
	_ =	sdelay $0x6  }
.Ltmp7:
0x1d4: {  	(pc) =	sbr.rel @p0 .LBB2_18-.Ltmp7, $3  }
0x1d5: {  	_ =	sdelay $0x1  }
0x1d6: {  	s12 =	sand.u32 $0x1F0, s24  }
0x1d7: {  	s24 =	sadd.s32 $0x10, s24;
	v30 =	vld [tilespmem:s12+$0x18800]  }
0x1d8: {  	_ = 	snop  }
0x1d9: {  	v31, v32, _ =	vpop (xrf1)  }
0x1da: {  	v33, v34, _ =	vpop (xrf1)  }
0x1db: {  	v35 =	vor.u32 s0, v0;
	vm1 =	vgt.f32 v31, v33  }
0x1dc: {  	(xrf1) =	vsort.dscd.msk.f32 $0xffff, v30, v35;
	v30 =	vsel vm1, v31, v33;
	v31 =	vsel vm1, v32, v34  }
0x1dd: {  	(xrf1) =	vsort.ascd.msk.f32 $0xffff, v30, v31;
	_ =	sdelay $0xc  }
0x1de: {  	v30, v31, _ =	vpop (xrf1)  }
0x1df: {  	v49, v48, _ =	vpop (xrf1)  }
0x1e0: {  	vm1 =	vgt.f32 v30, v49  }
0x1e1: {  	v30 =	vsel vm1, v30, v49;
	v31 =	vsel vm1, v31, v48  }
0x1e2: {  	(xrf1) =	vsort.ascd.msk.f32 $0xffff, v30, v31;
	_ =	sdelay $0xd  }
0x1e3: {  	v31, v30, _ =	vpop (xrf1)  }
0x1e4: {  	v31 =	vmov s1  }
0x1e5: {  	v31 =	vperm.xlane v30, v31;
	_ =	sdelay $0x1  }
0x1e6: {  	v31 =	vshll.u32 v31, $0x4  }
0x1e7: {  	v50 =	vor.u32 v0, v31  }
0x1e8: {  	v51 =	vadd.s32 v10, v31;
	_ =	sdelay $0x1  }
0x1e9: {  	v31 =	vadd.s32 v9, v31;
	_ =	sdelay $0x1  }
0x1ea: {  	v52 =	vld.idx.msk [tilespmem:v50+s15+$0x0], $0xffff  }
0x1eb: {  	v33 =	vld.idx.msk [tilespmem:v51+s15+$0x0], $0xffff;
	_ =	sdelay $0x1  }
0x1ec: {  	v31 =	vld.idx.msk [tilespmem:v31+s15+$0x0], $0xffff;
	_ =	sdelay $0x2  }
0x1ed: {  	s29 =	simm.s32 $0x1;
	v34 =	vmul.f32 v52, v26;
	v33 =	vmul.f32 v33, v27  }
0x1ee: {  	v36 =	vmov s29;
	v53 =	vld.idx.msk [tilespmem:v50+s16+$0x0], $0xffff  }
0x1ef: {  	v36 =	vperm.xlane v30, v36;
	v31 =	vmul.f32 v31, v25;
	v33 =	vadd.f32 v33, v34;
	_ =	sdelay $0x1  }
0x1f0: {  	v54 =	vshll.u32 v36, $0x4;
	v31 =	vadd.f32 v31, v33  }
0x1f1: {  	v55 =	vor.u32 v0, v54  }
0x1f2: {  	v36 =	vadd.s32 v10, v54;
	v31 =	vadd.f32 v31, v53;
	_ =	sdelay $0x1  }
0x1f3: {  	v34 =	vadd.s32 v9, v54;
	v31 =	vsub.f32 v31, v24;
	_ =	sdelay $0x1  }
0x1f4: {  	v56 =	vld.idx.msk [tilespmem:v55+s15+$0x0], $0xffff;
	(xrf1) =	vsort.dscd.msk.f32 $0xffff, v31, v50  }
0x1f5: {  	v31 =	vld.idx.msk [tilespmem:v36+s15+$0x0], $0xffff;
	_ =	sdelay $0x1  }
0x1f6: {  	v34 =	vld.idx.msk [tilespmem:v34+s15+$0x0], $0xffff;
	_ =	sdelay $0x2  }
0x1f7: {  	v35 =	vmul.f32 v56, v26;
	v36 =	vmul.f32 v31, v27  }
0x1f8: {  	s30 =	simm.s32 $0x2;
	v37 =	vld.idx.msk [tilespmem:v55+s16+$0x0], $0xffff  }
0x1f9: {  	v57 =	vmov s30;
	v34 =	vmul.f32 v34, v25;
	v35 =	vadd.f32 v36, v35  }
0x1fa: {  	v32 =	vperm.xlane v30, v57  }
0x1fb: {  	v34 =	vadd.f32 v34, v35  }
0x1fc: {  	v32 =	vshll.u32 v32, $0x4  }
0x1fd: {  	v38 =	vadd.s32 v10, v32;
	v34 =	vadd.f32 v34, v37  }
0x1fe: {  	v31 =	vor.u32 v0, v32  }
0x1ff: {  	v34 =	vsub.f32 v34, v24;
	v60, v61, _ =	vpop (xrf1)  }
0x200: {  	v32 =	vadd.s32 v9, v32;
	vm1 =	vgt.f32 v60, v29  }
0x201: {  	(xrf1) =	vsort.dscd.msk.f32 $0xffff, v34, v55;
	v29 =	vsel vm1, v60, v29;
	v28 =	vsel vm1, v61, v28  }
0x202: {  	v59 =	vld.idx.msk [tilespmem:v38+s15+$0x0], $0xffff;
	(xrf1) =	vsort.ascd.msk.f32 $0xffff, v29, v28  }
0x203: {  	v58 =	vld.idx.msk [tilespmem:v31+s15+$0x0], $0xffff;
	_ =	sdelay $0x1  }
0x204: {  	v39 =	vld.idx.msk [tilespmem:v32+s15+$0x0], $0xffff;
	_ =	sdelay $0x2  }
0x205: {  	s31 =	simm.s32 $0x3;
	v63 =	vmul.f32 v59, v27;
	v62 =	vmul.f32 v58, v26  }
0x206: {  	v29 =	vmov s31;
	v28 =	vld.idx.msk [tilespmem:v31+s16+$0x0], $0xffff  }
0x207: {  	v33 =	vmul.f32 v39, v25;
	v32 =	vadd.f32 v63, v62;
	v29 =	vperm.xlane v30, v29  }
0x208: {  	s0 =	simm.s32 $0x4  }
.LBB2_20:
0x209: {  	p0 =	sne.s32 s0, $0xF;
	v29 =	vshll.u32 v29, $0x4;
	v36 =	vadd.f32 v33, v32  }
0x20a: {  	v33 =	vor.u32 v0, v29  }
0x20b: {  	v34 =	vadd.s32 v10, v29;
	v28 =	vadd.f32 v36, v28  }
0x20c: {  	v32, v35, _ =	vpop (xrf1)  }
0x20d: {  	v29 =	vadd.s32 v9, v29;
	v28 =	vsub.f32 v28, v24;
	v36, v37, _ =	vpop (xrf1)  }
0x20e: {  	vm1 =	vgt.f32 v32, v36  }
0x20f: {  	v38 =	vld.idx.msk [tilespmem:v33+s15+$0x0], $0xffff;
	(xrf1) =	vsort.dscd.msk.f32 $0xffff, v28, v31;
	v28 =	vsel vm1, v32, v36;
	v35 =	vsel vm1, v35, v37  }
0x210: {  	v31 =	vmov v33;
	v32 =	vld.idx.msk [tilespmem:v34+s15+$0x0], $0xffff;
	(xrf1) =	vsort.ascd.msk.f32 $0xffff, v28, v35;
	_ =	sdelay $0x1  }
0x211: {  	v33 =	vld.idx.msk [tilespmem:v29+s15+$0x0], $0xffff;
	_ =	sdelay $0x2  }
.Ltmp8:
0x212: {  	(pc) =	sbr.rel @p0 .LBB2_20-.Ltmp8, $4  }
0x213: {  	v34 =	vmul.f32 v38, v26;
	v32 =	vmul.f32 v32, v27;
	v28 =	vld.idx.msk [tilespmem:v31+s16+$0x0], $0xffff  }
0x214: {  	v29 =	vmov s0  }
0x215: {  	v29 =	vperm.xlane v30, v29;
	v32 =	vadd.f32 v32, v34;
	v33 =	vmul.f32 v33, v25  }
0x216: {  	s0 =	sadd.s32 $0x1, s0  }
0x217: {  	v29 =	vshll.u32 v29, $0x4  }
0x218: {  	v30 =	vadd.f32 v33, v32;
	v54 =	vor.u32 v0, v29  }
0x219: {  	v55 =	vadd.s32 v10, v29  }
0x21a: {  	v28 =	vadd.f32 v30, v28  }
0x21b: {  	v29 =	vadd.s32 v9, v29;
	v56, v34, _ =	vpop (xrf1)  }
0x21c: {  	v28 =	vsub.f32 v28, v24;
	v35, v36, _ =	vpop (xrf1)  }
0x21d: {  	vm1 =	vgt.f32 v56, v35;
	v59 =	vld.idx.msk [tilespmem:v54+s15+$0x0], $0xffff  }
0x21e: {  	(xrf1) =	vsort.dscd.msk.f32 $0xffff, v28, v31;
	v57 =	vsel vm1, v56, v35;
	v58 =	vsel vm1, v34, v36;
	v60 =	vld.idx.msk [tilespmem:v55+s15+$0x0], $0xffff  }
0x21f: {  	(xrf1) =	vsort.ascd.msk.f32 $0xffff, v57, v58  }
0x220: {  	v29 =	vld.idx.msk [tilespmem:v29+s15+$0x0], $0xffff;
	_ =	sdelay $0x2  }
0x221: {  	v26 =	vmul.f32 v59, v26;
	v27 =	vmul.f32 v60, v27  }
0x222: {  	v61 =	vld.idx.msk [tilespmem:v54+s16+$0x0], $0xffff  }
0x223: {  	v25 =	vmul.f32 v29, v25;
	v26 =	vadd.f32 v27, v26;
	_ =	sdelay $0x1  }
0x224: {  	v25 =	vadd.f32 v25, v26;
	_ =	sdelay $0x1  }
0x225: {  	v25 =	vadd.f32 v25, v61;
	_ =	sdelay $0x2  }
0x226: {  	v26, v27, _ =	vpop (xrf1)  }
0x227: {  	v24 =	vsub.f32 v25, v24;
	v25, v28, _ =	vpop (xrf1)  }
0x228: {  	vm1 =	vgt.f32 v26, v25  }
0x229: {  	(xrf1) =	vsort.dscd.msk.f32 $0xffff, v24, v54;
	v24 =	vsel vm1, v26, v25;
	v25 =	vsel vm1, v27, v28  }
0x22a: {  	(xrf1) =	vsort.ascd.msk.f32 $0xffff, v24, v25;
	_ =	sdelay $0xc  }
0x22b: {  	v24, v25, _ =	vpop (xrf1)  }
0x22c: {  	v26, v27, _ =	vpop (xrf1)  }
0x22d: {  	vm1 =	vgt.f32 v24, v26  }
0x22e: {  	v24 =	vsel vm1, v24, v26;
	v25 =	vsel vm1, v25, v27  }
0x22f: {  	(xrf1) =	vsort.ascd.msk.f32 $0xffff, v24, v25;
	_ =	sdelay $0xd  }
0x230: {  	v24, v25, _ =	vpop (xrf1)  }
0x231: {  	v24 =	vperm.xlane v25, v11;
	_ =	sdelay $0x1  }
0x232: {  	v25 =	vshll.u32 v24, $0x3  }
0x233: {  	v24 =	vand.u32 $0x7F, v24;
	v25 =	vand.u32 $0xFFFFFC00, v25  }
0x234: {  	v24 =	vor.u32 v24, v25;
	_ =	sdelay $0x3  }
0x235: {  	s1 =	simm.s32 $0x0  }
0x236: {  	v25 =	vld.idx.msk [tilespmem:v24+s1+$0x0], $0xffff  }
0x237: {  	v26 =	vor.u32 $0x80, v24;
	_ =	sdelay $0x3  }
0x238: {  	[tilespmem:s23+$0x194A0] =	vst v25  }
0x239: {  	v25 =	vld.idx.msk [tilespmem:v26+s1+$0x0], $0xffff  }
0x23a: {  	v26 =	vor.u32 $0x100, v24;
	_ =	sdelay $0x3  }
0x23b: {  	[tilespmem:s23+$0x19520] =	vst v25  }
0x23c: {  	v25 =	vld.idx.msk [tilespmem:v26+s1+$0x0], $0xffff  }
0x23d: {  	v26 =	vor.u32 $0x180, v24;
	_ =	sdelay $0x3  }
0x23e: {  	[tilespmem:s23+$0x195A0] =	vst v25  }
0x23f: {  	v25 =	vld.idx.msk [tilespmem:v26+s1+$0x0], $0xffff  }
0x240: {  	v24 =	vor.u32 $0x200, v24;
	_ =	sdelay $0x3  }
0x241: {  	[tilespmem:s23+$0x19620] =	vst v25  }
0x242: {  	v24 =	vld.idx.msk [tilespmem:v24+s1+$0x0], $0xffff;
	_ =	sdelay $0x4  }
0x243: {  	s0 =	sand.u32 $0x1F0, s1;
	[tilespmem:s23+$0x196A0] =	vst v24  }
0x244: {  	v24 =	vld [tilespmem:s0+$0x18A00];
	_ =	sdelay $0x3  }
0x245: {  	v25 =	vor.u32 s1, v0  }
0x246: {  	(xrf1) =	vsort.dscd.msk.f32 $0xffff, v24, v25;
	_ =	sdelay $0x8  }
0x247: {  	s12 =	simm.s32 $0x10  }
0x248: {  	s30 =	sand.u32 $0x1F0, s12  }
0x249: {  	v26 =	vld [tilespmem:s30+$0x18A00];
	_ =	sdelay $0x2  }
0x24a: {  	v25 =	vimm.f32 $-Inf;
	v27, v62, _ =	vpop (xrf1)  }
0x24b: {  	v63 =	vor.u32 s12, v0;
	v24 =	vimm.s32 $0x0;
	vm1 =	vgt.f32 v27, v25  }
0x24c: {  	(xrf1) =	vsort.dscd.msk.f32 $0xffff, v26, v63;
	v26 =	vsel vm1, v27, v25;
	v27 =	vsel vm1, v62, v24  }
0x24d: {  	(xrf1) =	vsort.ascd.msk.f32 $0xffff, v26, v27;
	_ =	sdelay $0x8  }
0x24e: {  	s0 =	simm.s32 $0x20  }
0x24f: {  	s31 =	sand.u32 $0x1F0, s0  }
0x250: {  	s24 =	simm.s32 $0x30;
	v26 =	vld [tilespmem:s31+$0x18A00]  }
.LBB2_22:
0x251: {  	p0 =	sne.s32 s24, $0x1F0  }
0x252: {  	v27, v28, _ =	vpop (xrf1)  }
0x253: {  	v29, v30, _ =	vpop (xrf1)  }
0x254: {  	v31 =	vor.u32 s0, v0;
	s0 =	smov.u32 s24;
	vm1 =	vgt.f32 v27, v29  }
0x255: {  	(xrf1) =	vsort.dscd.msk.f32 $0xffff, v26, v31;
	v26 =	vsel vm1, v27, v29;
	v27 =	vsel vm1, v28, v30  }
0x256: {  	(xrf1) =	vsort.ascd.msk.f32 $0xffff, v26, v27;
	_ =	sdelay $0x6  }
.Ltmp9:
0x257: {  	(pc) =	sbr.rel @p0 .LBB2_22-.Ltmp9, $3  }
0x258: {  	_ =	sdelay $0x1  }
0x259: {  	s12 =	sand.u32 $0x1F0, s24  }
0x25a: {  	s24 =	sadd.s32 $0x10, s24;
	v26 =	vld [tilespmem:s12+$0x18A00]  }
0x25b: {  	_ = 	snop  }
0x25c: {  	v27, v28, _ =	vpop (xrf1)  }
0x25d: {  	v29, v30, _ =	vpop (xrf1)  }
0x25e: {  	v31 =	vor.u32 s0, v0;
	vm1 =	vgt.f32 v27, v29  }
0x25f: {  	(xrf1) =	vsort.dscd.msk.f32 $0xffff, v26, v31;
	v26 =	vsel vm1, v27, v29;
	v27 =	vsel vm1, v28, v30  }
0x260: {  	(xrf1) =	vsort.ascd.msk.f32 $0xffff, v26, v27;
	_ =	sdelay $0xc  }
0x261: {  	v26, v27, _ =	vpop (xrf1)  }
0x262: {  	v28, v29, _ =	vpop (xrf1)  }
0x263: {  	vm1 =	vgt.f32 v26, v28  }
0x264: {  	v26 =	vsel vm1, v26, v28;
	v27 =	vsel vm1, v27, v29  }
0x265: {  	(xrf1) =	vsort.ascd.msk.f32 $0xffff, v26, v27;
	_ =	sdelay $0xd  }
0x266: {  	v27, v26, _ =	vpop (xrf1)  }
0x267: {  	v27 =	vmov s1  }
0x268: {  	v27 =	vperm.xlane v26, v27;
	_ =	sdelay $0x1  }
0x269: {  	v27 =	vshll.u32 v27, $0x4  }
0x26a: {  	v28 =	vor.u32 v0, v27  }
0x26b: {  	v29 =	vadd.s32 v10, v27;
	_ =	sdelay $0x1  }
0x26c: {  	v27 =	vadd.s32 v9, v27;
	_ =	sdelay $0x1  }
0x26d: {  	v30 =	vld.idx.msk [tilespmem:v28+s15+$0x0], $0xffff  }
0x26e: {  	v29 =	vld.idx.msk [tilespmem:v29+s15+$0x0], $0xffff;
	_ =	sdelay $0x1  }
0x26f: {  	v27 =	vld.idx.msk [tilespmem:v27+s15+$0x0], $0xffff;
	_ =	sdelay $0x2  }
0x270: {  	s29 =	simm.s32 $0x1;
	v30 =	vmul.f32 v30, v22;
	v29 =	vmul.f32 v29, v23  }
0x271: {  	v32 =	vmov s29;
	v31 =	vld.idx.msk [tilespmem:v28+s16+$0x0], $0xffff  }
0x272: {  	v32 =	vperm.xlane v26, v32;
	v27 =	vmul.f32 v27, v21;
	v29 =	vadd.f32 v29, v30;
	_ =	sdelay $0x1  }
0x273: {  	v30 =	vshll.u32 v32, $0x4;
	v27 =	vadd.f32 v27, v29  }
0x274: {  	v29 =	vor.u32 v0, v30  }
0x275: {  	v32 =	vadd.s32 v10, v30;
	v27 =	vadd.f32 v27, v31;
	_ =	sdelay $0x1  }
0x276: {  	v30 =	vadd.s32 v9, v30;
	v27 =	vsub.f32 v27, v20;
	_ =	sdelay $0x1  }
0x277: {  	v31 =	vld.idx.msk [tilespmem:v29+s15+$0x0], $0xffff;
	(xrf1) =	vsort.dscd.msk.f32 $0xffff, v27, v28  }
0x278: {  	v27 =	vld.idx.msk [tilespmem:v32+s15+$0x0], $0xffff;
	_ =	sdelay $0x1  }
0x279: {  	v30 =	vld.idx.msk [tilespmem:v30+s15+$0x0], $0xffff;
	_ =	sdelay $0x2  }
0x27a: {  	v31 =	vmul.f32 v31, v22;
	v32 =	vmul.f32 v27, v23  }
0x27b: {  	s30 =	simm.s32 $0x2;
	v33 =	vld.idx.msk [tilespmem:v29+s16+$0x0], $0xffff  }
0x27c: {  	v28 =	vmov s30;
	v30 =	vmul.f32 v30, v21;
	v31 =	vadd.f32 v32, v31  }
0x27d: {  	v28 =	vperm.xlane v26, v28  }
0x27e: {  	v30 =	vadd.f32 v30, v31  }
0x27f: {  	v28 =	vshll.u32 v28, $0x4  }
0x280: {  	v34 =	vadd.s32 v10, v28;
	v30 =	vadd.f32 v30, v33  }
0x281: {  	v27 =	vor.u32 v0, v28  }
0x282: {  	v30 =	vsub.f32 v30, v20;
	v62, v63, _ =	vpop (xrf1)  }
0x283: {  	v28 =	vadd.s32 v9, v28;
	vm1 =	vgt.f32 v62, v25  }
0x284: {  	(xrf1) =	vsort.dscd.msk.f32 $0xffff, v30, v29;
	v25 =	vsel vm1, v62, v25;
	v24 =	vsel vm1, v63, v24  }
0x285: {  	v61 =	vld.idx.msk [tilespmem:v34+s15+$0x0], $0xffff;
	(xrf1) =	vsort.ascd.msk.f32 $0xffff, v25, v24  }
0x286: {  	v31 =	vld.idx.msk [tilespmem:v27+s15+$0x0], $0xffff;
	_ =	sdelay $0x1  }
0x287: {  	v35 =	vld.idx.msk [tilespmem:v28+s15+$0x0], $0xffff;
	_ =	sdelay $0x2  }
0x288: {  	s31 =	simm.s32 $0x3;
	v28 =	vmul.f32 v31, v22;
	v29 =	vmul.f32 v61, v23  }
0x289: {  	v25 =	vmov s31;
	v24 =	vld.idx.msk [tilespmem:v27+s16+$0x0], $0xffff  }
0x28a: {  	v28 =	vadd.f32 v29, v28;
	v29 =	vmul.f32 v35, v21;
	v25 =	vperm.xlane v26, v25  }
0x28b: {  	s0 =	simm.s32 $0x4  }
.LBB2_24:
0x28c: {  	p0 =	sne.s32 s0, $0xF;
	v25 =	vshll.u32 v25, $0x4;
	v32 =	vadd.f32 v29, v28  }
0x28d: {  	v29 =	vor.u32 v0, v25  }
0x28e: {  	v30 =	vadd.s32 v10, v25;
	v24 =	vadd.f32 v32, v24  }
0x28f: {  	v28, v31, _ =	vpop (xrf1)  }
0x290: {  	v25 =	vadd.s32 v9, v25;
	v24 =	vsub.f32 v24, v20;
	v32, v33, _ =	vpop (xrf1)  }
0x291: {  	vm1 =	vgt.f32 v28, v32  }
0x292: {  	v34 =	vld.idx.msk [tilespmem:v29+s15+$0x0], $0xffff;
	(xrf1) =	vsort.dscd.msk.f32 $0xffff, v24, v27;
	v24 =	vsel vm1, v28, v32;
	v31 =	vsel vm1, v31, v33  }
0x293: {  	v27 =	vmov v29;
	v28 =	vld.idx.msk [tilespmem:v30+s15+$0x0], $0xffff;
	(xrf1) =	vsort.ascd.msk.f32 $0xffff, v24, v31;
	_ =	sdelay $0x1  }
0x294: {  	v29 =	vld.idx.msk [tilespmem:v25+s15+$0x0], $0xffff;
	_ =	sdelay $0x2  }
.Ltmp10:
0x295: {  	(pc) =	sbr.rel @p0 .LBB2_24-.Ltmp10, $4  }
0x296: {  	v30 =	vmul.f32 v34, v22;
	v28 =	vmul.f32 v28, v23;
	v24 =	vld.idx.msk [tilespmem:v27+s16+$0x0], $0xffff  }
0x297: {  	v25 =	vmov s0  }
0x298: {  	v25 =	vperm.xlane v26, v25;
	v28 =	vadd.f32 v28, v30;
	v29 =	vmul.f32 v29, v21  }
0x299: {  	s0 =	sadd.s32 $0x1, s0  }
0x29a: {  	v25 =	vshll.u32 v25, $0x4  }
0x29b: {  	v26 =	vadd.f32 v29, v28;
	v54 =	vor.u32 v0, v25  }
0x29c: {  	v55 =	vadd.s32 v10, v25  }
0x29d: {  	v24 =	vadd.f32 v26, v24  }
0x29e: {  	v25 =	vadd.s32 v9, v25;
	v56, v30, _ =	vpop (xrf1)  }
0x29f: {  	v24 =	vsub.f32 v24, v20;
	v31, v32, _ =	vpop (xrf1)  }
0x2a0: {  	vm1 =	vgt.f32 v56, v31;
	v59 =	vld.idx.msk [tilespmem:v54+s15+$0x0], $0xffff  }
0x2a1: {  	(xrf1) =	vsort.dscd.msk.f32 $0xffff, v24, v27;
	v57 =	vsel vm1, v56, v31;
	v58 =	vsel vm1, v30, v32;
	v60 =	vld.idx.msk [tilespmem:v55+s15+$0x0], $0xffff  }
0x2a2: {  	(xrf1) =	vsort.ascd.msk.f32 $0xffff, v57, v58  }
0x2a3: {  	v25 =	vld.idx.msk [tilespmem:v25+s15+$0x0], $0xffff;
	_ =	sdelay $0x2  }
0x2a4: {  	v22 =	vmul.f32 v59, v22;
	v23 =	vmul.f32 v60, v23  }
0x2a5: {  	v61 =	vld.idx.msk [tilespmem:v54+s16+$0x0], $0xffff  }
0x2a6: {  	v21 =	vmul.f32 v25, v21;
	v22 =	vadd.f32 v23, v22;
	_ =	sdelay $0x1  }
0x2a7: {  	v21 =	vadd.f32 v21, v22;
	_ =	sdelay $0x1  }
0x2a8: {  	v21 =	vadd.f32 v21, v61;
	_ =	sdelay $0x2  }
0x2a9: {  	v22, v23, _ =	vpop (xrf1)  }
0x2aa: {  	v20 =	vsub.f32 v21, v20;
	v21, v24, _ =	vpop (xrf1)  }
0x2ab: {  	vm1 =	vgt.f32 v22, v21  }
0x2ac: {  	(xrf1) =	vsort.dscd.msk.f32 $0xffff, v20, v54;
	v20 =	vsel vm1, v22, v21;
	v21 =	vsel vm1, v23, v24  }
0x2ad: {  	(xrf1) =	vsort.ascd.msk.f32 $0xffff, v20, v21;
	_ =	sdelay $0xc  }
0x2ae: {  	v20, v21, _ =	vpop (xrf1)  }
0x2af: {  	v22, v23, _ =	vpop (xrf1)  }
0x2b0: {  	vm1 =	vgt.f32 v20, v22  }
0x2b1: {  	v20 =	vsel vm1, v20, v22;
	v21 =	vsel vm1, v21, v23  }
0x2b2: {  	(xrf1) =	vsort.ascd.msk.f32 $0xffff, v20, v21;
	_ =	sdelay $0xd  }
0x2b3: {  	v20, v21, _ =	vpop (xrf1)  }
0x2b4: {  	v20 =	vperm.xlane v21, v11;
	_ =	sdelay $0x1  }
0x2b5: {  	v21 =	vshll.u32 v20, $0x3  }
0x2b6: {  	v20 =	vand.u32 $0x7F, v20;
	v21 =	vand.u32 $0xFFFFFC00, v21  }
0x2b7: {  	v20 =	vor.u32 v20, v21;
	_ =	sdelay $0x3  }
0x2b8: {  	s1 =	simm.s32 $0x0  }
0x2b9: {  	v21 =	vld.idx.msk [tilespmem:v20+s1+$0x0], $0xffff  }
0x2ba: {  	v22 =	vor.u32 $0x80, v20;
	_ =	sdelay $0x3  }
0x2bb: {  	[tilespmem:s23+$0x194B0] =	vst v21  }
0x2bc: {  	v21 =	vld.idx.msk [tilespmem:v22+s1+$0x0], $0xffff  }
0x2bd: {  	v22 =	vor.u32 $0x100, v20;
	_ =	sdelay $0x3  }
0x2be: {  	[tilespmem:s23+$0x19530] =	vst v21  }
0x2bf: {  	v21 =	vld.idx.msk [tilespmem:v22+s1+$0x0], $0xffff  }
0x2c0: {  	v22 =	vor.u32 $0x180, v20;
	_ =	sdelay $0x3  }
0x2c1: {  	[tilespmem:s23+$0x195B0] =	vst v21  }
0x2c2: {  	v21 =	vld.idx.msk [tilespmem:v22+s1+$0x0], $0xffff  }
0x2c3: {  	v20 =	vor.u32 $0x200, v20;
	_ =	sdelay $0x3  }
0x2c4: {  	[tilespmem:s23+$0x19630] =	vst v21  }
0x2c5: {  	v20 =	vld.idx.msk [tilespmem:v20+s1+$0x0], $0xffff;
	_ =	sdelay $0x4  }
0x2c6: {  	s0 =	sand.u32 $0x1F0, s1;
	[tilespmem:s23+$0x196B0] =	vst v20  }
0x2c7: {  	v20 =	vld [tilespmem:s0+$0x18C00];
	_ =	sdelay $0x3  }
0x2c8: {  	v21 =	vor.u32 s1, v0  }
0x2c9: {  	(xrf1) =	vsort.dscd.msk.f32 $0xffff, v20, v21;
	_ =	sdelay $0x8  }
0x2ca: {  	s12 =	simm.s32 $0x10  }
0x2cb: {  	s30 =	sand.u32 $0x1F0, s12  }
0x2cc: {  	v22 =	vld [tilespmem:s30+$0x18C00];
	_ =	sdelay $0x2  }
0x2cd: {  	v21 =	vimm.f32 $-Inf;
	v23, v62, _ =	vpop (xrf1)  }
0x2ce: {  	v63 =	vor.u32 s12, v0;
	v20 =	vimm.s32 $0x0;
	vm1 =	vgt.f32 v23, v21  }
0x2cf: {  	(xrf1) =	vsort.dscd.msk.f32 $0xffff, v22, v63;
	v22 =	vsel vm1, v23, v21;
	v23 =	vsel vm1, v62, v20  }
0x2d0: {  	(xrf1) =	vsort.ascd.msk.f32 $0xffff, v22, v23;
	_ =	sdelay $0x8  }
0x2d1: {  	s0 =	simm.s32 $0x20  }
0x2d2: {  	s31 =	sand.u32 $0x1F0, s0  }
0x2d3: {  	s24 =	simm.s32 $0x30;
	v22 =	vld [tilespmem:s31+$0x18C00]  }
.LBB2_26:
0x2d4: {  	p0 =	sne.s32 s24, $0x1F0  }
0x2d5: {  	v23, v24, _ =	vpop (xrf1)  }
0x2d6: {  	v25, v26, _ =	vpop (xrf1)  }
0x2d7: {  	v27 =	vor.u32 s0, v0;
	s0 =	smov.u32 s24;
	vm1 =	vgt.f32 v23, v25  }
0x2d8: {  	(xrf1) =	vsort.dscd.msk.f32 $0xffff, v22, v27;
	v22 =	vsel vm1, v23, v25;
	v23 =	vsel vm1, v24, v26  }
0x2d9: {  	(xrf1) =	vsort.ascd.msk.f32 $0xffff, v22, v23;
	_ =	sdelay $0x6  }
.Ltmp11:
0x2da: {  	(pc) =	sbr.rel @p0 .LBB2_26-.Ltmp11, $3  }
0x2db: {  	_ =	sdelay $0x1  }
0x2dc: {  	s12 =	sand.u32 $0x1F0, s24  }
0x2dd: {  	s24 =	sadd.s32 $0x10, s24;
	v22 =	vld [tilespmem:s12+$0x18C00]  }
0x2de: {  	_ = 	snop  }
0x2df: {  	v23, v24, _ =	vpop (xrf1)  }
0x2e0: {  	v25, v26, _ =	vpop (xrf1)  }
0x2e1: {  	v27 =	vor.u32 s0, v0;
	vm1 =	vgt.f32 v23, v25  }
0x2e2: {  	(xrf1) =	vsort.dscd.msk.f32 $0xffff, v22, v27;
	v22 =	vsel vm1, v23, v25;
	v23 =	vsel vm1, v24, v26  }
0x2e3: {  	(xrf1) =	vsort.ascd.msk.f32 $0xffff, v22, v23;
	_ =	sdelay $0xc  }
0x2e4: {  	v22, v23, _ =	vpop (xrf1)  }
0x2e5: {  	v24, v25, _ =	vpop (xrf1)  }
0x2e6: {  	vm1 =	vgt.f32 v22, v24  }
0x2e7: {  	v22 =	vsel vm1, v22, v24;
	v23 =	vsel vm1, v23, v25  }
0x2e8: {  	(xrf1) =	vsort.ascd.msk.f32 $0xffff, v22, v23;
	_ =	sdelay $0xd  }
0x2e9: {  	v23, v22, _ =	vpop (xrf1)  }
0x2ea: {  	v23 =	vmov s1  }
0x2eb: {  	v23 =	vperm.xlane v22, v23;
	_ =	sdelay $0x1  }
0x2ec: {  	v23 =	vshll.u32 v23, $0x4  }
0x2ed: {  	v24 =	vor.u32 v0, v23  }
0x2ee: {  	v25 =	vadd.s32 v10, v23;
	_ =	sdelay $0x1  }
0x2ef: {  	v23 =	vadd.s32 v9, v23;
	_ =	sdelay $0x1  }
0x2f0: {  	v26 =	vld.idx.msk [tilespmem:v24+s15+$0x0], $0xffff  }
0x2f1: {  	v25 =	vld.idx.msk [tilespmem:v25+s15+$0x0], $0xffff;
	_ =	sdelay $0x1  }
0x2f2: {  	v23 =	vld.idx.msk [tilespmem:v23+s15+$0x0], $0xffff;
	_ =	sdelay $0x2  }
0x2f3: {  	s29 =	simm.s32 $0x1;
	v26 =	vmul.f32 v26, v18;
	v25 =	vmul.f32 v25, v19  }
0x2f4: {  	v28 =	vmov s29;
	v27 =	vld.idx.msk [tilespmem:v24+s16+$0x0], $0xffff  }
0x2f5: {  	v28 =	vperm.xlane v22, v28;
	v23 =	vmul.f32 v23, v17;
	v25 =	vadd.f32 v25, v26;
	_ =	sdelay $0x1  }
0x2f6: {  	v26 =	vshll.u32 v28, $0x4;
	v23 =	vadd.f32 v23, v25  }
0x2f7: {  	v25 =	vor.u32 v0, v26  }
0x2f8: {  	v28 =	vadd.s32 v10, v26;
	v23 =	vadd.f32 v23, v27;
	_ =	sdelay $0x1  }
0x2f9: {  	v26 =	vadd.s32 v9, v26;
	v23 =	vsub.f32 v23, v16;
	_ =	sdelay $0x1  }
0x2fa: {  	v27 =	vld.idx.msk [tilespmem:v25+s15+$0x0], $0xffff;
	(xrf1) =	vsort.dscd.msk.f32 $0xffff, v23, v24  }
0x2fb: {  	v23 =	vld.idx.msk [tilespmem:v28+s15+$0x0], $0xffff;
	_ =	sdelay $0x1  }
0x2fc: {  	v26 =	vld.idx.msk [tilespmem:v26+s15+$0x0], $0xffff;
	_ =	sdelay $0x2  }
0x2fd: {  	v27 =	vmul.f32 v27, v18;
	v28 =	vmul.f32 v23, v19  }
0x2fe: {  	s30 =	simm.s32 $0x2;
	v29 =	vld.idx.msk [tilespmem:v25+s16+$0x0], $0xffff  }
0x2ff: {  	v24 =	vmov s30;
	v26 =	vmul.f32 v26, v17;
	v27 =	vadd.f32 v28, v27  }
0x300: {  	v24 =	vperm.xlane v22, v24  }
0x301: {  	v26 =	vadd.f32 v26, v27  }
0x302: {  	v24 =	vshll.u32 v24, $0x4  }
0x303: {  	v30 =	vadd.s32 v10, v24;
	v26 =	vadd.f32 v26, v29  }
0x304: {  	v23 =	vor.u32 v0, v24  }
0x305: {  	v26 =	vsub.f32 v26, v16;
	v62, v63, _ =	vpop (xrf1)  }
0x306: {  	v24 =	vadd.s32 v9, v24;
	vm1 =	vgt.f32 v62, v21  }
0x307: {  	(xrf1) =	vsort.dscd.msk.f32 $0xffff, v26, v25;
	v21 =	vsel vm1, v62, v21;
	v20 =	vsel vm1, v63, v20  }
0x308: {  	v61 =	vld.idx.msk [tilespmem:v30+s15+$0x0], $0xffff;
	(xrf1) =	vsort.ascd.msk.f32 $0xffff, v21, v20  }
0x309: {  	v27 =	vld.idx.msk [tilespmem:v23+s15+$0x0], $0xffff;
	_ =	sdelay $0x1  }
0x30a: {  	v31 =	vld.idx.msk [tilespmem:v24+s15+$0x0], $0xffff;
	_ =	sdelay $0x2  }
0x30b: {  	s31 =	simm.s32 $0x3;
	v24 =	vmul.f32 v27, v18;
	v25 =	vmul.f32 v61, v19  }
0x30c: {  	v21 =	vmov s31;
	v20 =	vld.idx.msk [tilespmem:v23+s16+$0x0], $0xffff  }
0x30d: {  	v24 =	vadd.f32 v25, v24;
	v25 =	vmul.f32 v31, v17;
	v21 =	vperm.xlane v22, v21  }
0x30e: {  	s0 =	simm.s32 $0x4  }
.LBB2_28:
0x30f: {  	p0 =	sne.s32 s0, $0xF;
	v21 =	vshll.u32 v21, $0x4;
	v28 =	vadd.f32 v25, v24  }
0x310: {  	v25 =	vor.u32 v0, v21  }
0x311: {  	v26 =	vadd.s32 v10, v21;
	v20 =	vadd.f32 v28, v20  }
0x312: {  	v24, v27, _ =	vpop (xrf1)  }
0x313: {  	v21 =	vadd.s32 v9, v21;
	v20 =	vsub.f32 v20, v16;
	v28, v29, _ =	vpop (xrf1)  }
0x314: {  	vm1 =	vgt.f32 v24, v28  }
0x315: {  	v30 =	vld.idx.msk [tilespmem:v25+s15+$0x0], $0xffff;
	(xrf1) =	vsort.dscd.msk.f32 $0xffff, v20, v23;
	v20 =	vsel vm1, v24, v28;
	v27 =	vsel vm1, v27, v29  }
0x316: {  	v23 =	vmov v25;
	v24 =	vld.idx.msk [tilespmem:v26+s15+$0x0], $0xffff;
	(xrf1) =	vsort.ascd.msk.f32 $0xffff, v20, v27;
	_ =	sdelay $0x1  }
0x317: {  	v25 =	vld.idx.msk [tilespmem:v21+s15+$0x0], $0xffff;
	_ =	sdelay $0x2  }
.Ltmp12:
0x318: {  	(pc) =	sbr.rel @p0 .LBB2_28-.Ltmp12, $4  }
0x319: {  	v26 =	vmul.f32 v30, v18;
	v24 =	vmul.f32 v24, v19;
	v20 =	vld.idx.msk [tilespmem:v23+s16+$0x0], $0xffff  }
0x31a: {  	v21 =	vmov s0  }
0x31b: {  	v21 =	vperm.xlane v22, v21;
	v24 =	vadd.f32 v24, v26;
	v25 =	vmul.f32 v25, v17  }
0x31c: {  	s0 =	sadd.s32 $0x1, s0  }
0x31d: {  	v22 =	vadd.f32 v25, v24;
	v21 =	vshll.u32 v21, $0x4  }
0x31e: {  	v58 =	vor.u32 v0, v21  }
0x31f: {  	v59 =	vadd.s32 v10, v21;
	v20 =	vadd.f32 v22, v20  }
0x320: {  	v60, v26, _ =	vpop (xrf1)  }
0x321: {  	v21 =	vadd.s32 v9, v21;
	v20 =	vsub.f32 v20, v16;
	v27, v28, _ =	vpop (xrf1)  }
0x322: {  	vm1 =	vgt.f32 v60, v27  }
0x323: {  	(xrf1) =	vsort.dscd.msk.f32 $0xffff, v20, v23;
	v20 =	vsel vm1, v60, v27;
	v61 =	vsel vm1, v26, v28;
	v62 =	vld.idx.msk [tilespmem:v58+s15+$0x0], $0xffff  }
0x324: {  	(xrf1) =	vsort.ascd.msk.f32 $0xffff, v20, v61;
	v20 =	vld.idx.msk [tilespmem:v59+s15+$0x0], $0xffff;
	_ =	sdelay $0x1  }
0x325: {  	v21 =	vld.idx.msk [tilespmem:v21+s15+$0x0], $0xffff;
	_ =	sdelay $0x2  }
0x326: {  	v18 =	vmul.f32 v62, v18;
	v19 =	vmul.f32 v20, v19  }
0x327: {  	v20 =	vld.idx.msk [tilespmem:v58+s16+$0x0], $0xffff  }
0x328: {  	v17 =	vmul.f32 v21, v17;
	v18 =	vadd.f32 v19, v18;
	_ =	sdelay $0x1  }
0x329: {  	v17 =	vadd.f32 v17, v18;
	_ =	sdelay $0x1  }
0x32a: {  	v17 =	vadd.f32 v17, v20;
	_ =	sdelay $0x2  }
0x32b: {  	v18, v19, _ =	vpop (xrf1)  }
0x32c: {  	v16 =	vsub.f32 v17, v16;
	v17, v20, _ =	vpop (xrf1)  }
0x32d: {  	vm1 =	vgt.f32 v18, v17  }
0x32e: {  	(xrf1) =	vsort.dscd.msk.f32 $0xffff, v16, v58;
	v16 =	vsel vm1, v18, v17;
	v17 =	vsel vm1, v19, v20  }
0x32f: {  	(xrf1) =	vsort.ascd.msk.f32 $0xffff, v16, v17;
	_ =	sdelay $0xc  }
0x330: {  	v16, v17, _ =	vpop (xrf1)  }
0x331: {  	v18, v19, _ =	vpop (xrf1)  }
0x332: {  	vm1 =	vgt.f32 v16, v18  }
0x333: {  	v16 =	vsel vm1, v16, v18;
	v17 =	vsel vm1, v17, v19  }
0x334: {  	(xrf1) =	vsort.ascd.msk.f32 $0xffff, v16, v17;
	_ =	sdelay $0xd  }
0x335: {  	v16, v17, _ =	vpop (xrf1)  }
0x336: {  	v16 =	vperm.xlane v17, v11;
	_ =	sdelay $0x1  }
0x337: {  	v17 =	vshll.u32 v16, $0x3  }
0x338: {  	v16 =	vand.u32 $0x7F, v16;
	v17 =	vand.u32 $0xFFFFFC00, v17  }
0x339: {  	v16 =	vor.u32 v16, v17;
	_ =	sdelay $0x3  }
0x33a: {  	s1 =	simm.s32 $0x0  }
0x33b: {  	v17 =	vld.idx.msk [tilespmem:v16+s1+$0x0], $0xffff  }
0x33c: {  	v18 =	vor.u32 $0x80, v16;
	_ =	sdelay $0x3  }
0x33d: {  	[tilespmem:s23+$0x194C0] =	vst v17  }
0x33e: {  	v17 =	vld.idx.msk [tilespmem:v18+s1+$0x0], $0xffff  }
0x33f: {  	v18 =	vor.u32 $0x100, v16;
	_ =	sdelay $0x3  }
0x340: {  	[tilespmem:s23+$0x19540] =	vst v17  }
0x341: {  	v17 =	vld.idx.msk [tilespmem:v18+s1+$0x0], $0xffff  }
0x342: {  	v18 =	vor.u32 $0x180, v16;
	_ =	sdelay $0x3  }
0x343: {  	[tilespmem:s23+$0x195C0] =	vst v17  }
0x344: {  	v17 =	vld.idx.msk [tilespmem:v18+s1+$0x0], $0xffff  }
0x345: {  	v16 =	vor.u32 $0x200, v16;
	_ =	sdelay $0x3  }
0x346: {  	[tilespmem:s23+$0x19640] =	vst v17  }
0x347: {  	v16 =	vld.idx.msk [tilespmem:v16+s1+$0x0], $0xffff;
	_ =	sdelay $0x4  }
0x348: {  	s0 =	sand.u32 $0x1F0, s1;
	[tilespmem:s23+$0x196C0] =	vst v16  }
0x349: {  	v16 =	vld [tilespmem:s0+$0x18E00];
	_ =	sdelay $0x3  }
0x34a: {  	v17 =	vor.u32 s1, v0  }
0x34b: {  	(xrf1) =	vsort.dscd.msk.f32 $0xffff, v16, v17;
	_ =	sdelay $0x8  }
0x34c: {  	s12 =	simm.s32 $0x10  }
0x34d: {  	s30 =	sand.u32 $0x1F0, s12  }
0x34e: {  	v18 =	vld [tilespmem:s30+$0x18E00];
	_ =	sdelay $0x2  }
0x34f: {  	v17 =	vimm.f32 $-Inf;
	v19, v20, _ =	vpop (xrf1)  }
0x350: {  	v63 =	vor.u32 s12, v0;
	v16 =	vimm.s32 $0x0;
	vm1 =	vgt.f32 v19, v17  }
0x351: {  	(xrf1) =	vsort.dscd.msk.f32 $0xffff, v18, v63;
	v18 =	vsel vm1, v19, v17;
	v19 =	vsel vm1, v20, v16  }
0x352: {  	(xrf1) =	vsort.ascd.msk.f32 $0xffff, v18, v19;
	_ =	sdelay $0x8  }
0x353: {  	s0 =	simm.s32 $0x20  }
0x354: {  	s31 =	sand.u32 $0x1F0, s0  }
0x355: {  	s24 =	simm.s32 $0x30;
	v18 =	vld [tilespmem:s31+$0x18E00]  }
.LBB2_30:
0x356: {  	p0 =	sne.s32 s24, $0x1F0  }
0x357: {  	v19, v20, _ =	vpop (xrf1)  }
0x358: {  	v21, v22, _ =	vpop (xrf1)  }
0x359: {  	v23 =	vor.u32 s0, v0;
	s0 =	smov.u32 s24;
	vm1 =	vgt.f32 v19, v21  }
0x35a: {  	(xrf1) =	vsort.dscd.msk.f32 $0xffff, v18, v23;
	v18 =	vsel vm1, v19, v21;
	v19 =	vsel vm1, v20, v22  }
0x35b: {  	(xrf1) =	vsort.ascd.msk.f32 $0xffff, v18, v19;
	_ =	sdelay $0x6  }
.Ltmp13:
0x35c: {  	(pc) =	sbr.rel @p0 .LBB2_30-.Ltmp13, $3  }
0x35d: {  	_ =	sdelay $0x1  }
0x35e: {  	s12 =	sand.u32 $0x1F0, s24  }
0x35f: {  	s24 =	sadd.s32 $0x10, s24;
	v18 =	vld [tilespmem:s12+$0x18E00]  }
0x360: {  	_ = 	snop  }
0x361: {  	v19, v20, _ =	vpop (xrf1)  }
0x362: {  	v21, v22, _ =	vpop (xrf1)  }
0x363: {  	v23 =	vor.u32 s0, v0;
	vm1 =	vgt.f32 v19, v21  }
0x364: {  	(xrf1) =	vsort.dscd.msk.f32 $0xffff, v18, v23;
	v18 =	vsel vm1, v19, v21;
	v19 =	vsel vm1, v20, v22  }
0x365: {  	(xrf1) =	vsort.ascd.msk.f32 $0xffff, v18, v19;
	_ =	sdelay $0xc  }
0x366: {  	v18, v19, _ =	vpop (xrf1)  }
0x367: {  	v20, v21, _ =	vpop (xrf1)  }
0x368: {  	vm1 =	vgt.f32 v18, v20  }
0x369: {  	v18 =	vsel vm1, v18, v20;
	v19 =	vsel vm1, v19, v21  }
0x36a: {  	(xrf1) =	vsort.ascd.msk.f32 $0xffff, v18, v19;
	_ =	sdelay $0xd  }
0x36b: {  	v19, v18, _ =	vpop (xrf1)  }
0x36c: {  	v19 =	vmov s1  }
0x36d: {  	v19 =	vperm.xlane v18, v19;
	_ =	sdelay $0x1  }
0x36e: {  	v19 =	vshll.u32 v19, $0x4  }
0x36f: {  	v20 =	vor.u32 v0, v19  }
0x370: {  	v21 =	vadd.s32 v10, v19;
	_ =	sdelay $0x1  }
0x371: {  	v19 =	vadd.s32 v9, v19;
	_ =	sdelay $0x1  }
0x372: {  	v22 =	vld.idx.msk [tilespmem:v20+s15+$0x0], $0xffff  }
0x373: {  	v21 =	vld.idx.msk [tilespmem:v21+s15+$0x0], $0xffff;
	_ =	sdelay $0x1  }
0x374: {  	v19 =	vld.idx.msk [tilespmem:v19+s15+$0x0], $0xffff;
	_ =	sdelay $0x2  }
0x375: {  	s29 =	simm.s32 $0x1;
	v22 =	vmul.f32 v22, v13;
	v21 =	vmul.f32 v21, v14  }
0x376: {  	v24 =	vmov s29;
	v23 =	vld.idx.msk [tilespmem:v20+s16+$0x0], $0xffff  }
0x377: {  	v24 =	vperm.xlane v18, v24;
	v19 =	vmul.f32 v19, v15;
	v21 =	vadd.f32 v21, v22;
	_ =	sdelay $0x1  }
0x378: {  	v22 =	vshll.u32 v24, $0x4;
	v19 =	vadd.f32 v19, v21  }
0x379: {  	v21 =	vor.u32 v0, v22  }
0x37a: {  	v24 =	vadd.s32 v10, v22;
	v19 =	vadd.f32 v19, v23;
	_ =	sdelay $0x1  }
0x37b: {  	v22 =	vadd.s32 v9, v22;
	v19 =	vsub.f32 v19, v12;
	_ =	sdelay $0x1  }
0x37c: {  	v23 =	vld.idx.msk [tilespmem:v21+s15+$0x0], $0xffff;
	(xrf1) =	vsort.dscd.msk.f32 $0xffff, v19, v20  }
0x37d: {  	v19 =	vld.idx.msk [tilespmem:v24+s15+$0x0], $0xffff;
	_ =	sdelay $0x1  }
0x37e: {  	v22 =	vld.idx.msk [tilespmem:v22+s15+$0x0], $0xffff;
	_ =	sdelay $0x2  }
0x37f: {  	v23 =	vmul.f32 v23, v13;
	v24 =	vmul.f32 v19, v14  }
0x380: {  	s30 =	simm.s32 $0x2;
	v25 =	vld.idx.msk [tilespmem:v21+s16+$0x0], $0xffff  }
0x381: {  	v20 =	vmov s30;
	v22 =	vmul.f32 v22, v15;
	v23 =	vadd.f32 v24, v23  }
0x382: {  	v20 =	vperm.xlane v18, v20  }
0x383: {  	v22 =	vadd.f32 v22, v23  }
0x384: {  	v20 =	vshll.u32 v20, $0x4  }
0x385: {  	v26 =	vadd.s32 v10, v20;
	v22 =	vadd.f32 v22, v25  }
0x386: {  	v19 =	vor.u32 v0, v20  }
0x387: {  	v22 =	vsub.f32 v22, v12;
	v62, v63, _ =	vpop (xrf1)  }
0x388: {  	v20 =	vadd.s32 v9, v20;
	vm1 =	vgt.f32 v62, v17  }
0x389: {  	(xrf1) =	vsort.dscd.msk.f32 $0xffff, v22, v21;
	v17 =	vsel vm1, v62, v17;
	v16 =	vsel vm1, v63, v16  }
0x38a: {  	v61 =	vld.idx.msk [tilespmem:v26+s15+$0x0], $0xffff;
	(xrf1) =	vsort.ascd.msk.f32 $0xffff, v17, v16  }
0x38b: {  	v23 =	vld.idx.msk [tilespmem:v19+s15+$0x0], $0xffff;
	_ =	sdelay $0x1  }
0x38c: {  	v27 =	vld.idx.msk [tilespmem:v20+s15+$0x0], $0xffff;
	_ =	sdelay $0x2  }
0x38d: {  	s31 =	simm.s32 $0x3;
	v20 =	vmul.f32 v23, v13;
	v21 =	vmul.f32 v61, v14  }
0x38e: {  	v17 =	vmov s31;
	v16 =	vld.idx.msk [tilespmem:v19+s16+$0x0], $0xffff  }
0x38f: {  	v20 =	vadd.f32 v21, v20;
	v21 =	vmul.f32 v27, v15;
	v17 =	vperm.xlane v18, v17  }
0x390: {  	s0 =	simm.s32 $0x4  }
.LBB2_32:
0x391: {  	p0 =	sne.s32 s0, $0xF;
	v17 =	vshll.u32 v17, $0x4;
	v24 =	vadd.f32 v21, v20  }
0x392: {  	v21 =	vor.u32 v0, v17  }
0x393: {  	v22 =	vadd.s32 v10, v17;
	v16 =	vadd.f32 v24, v16  }
0x394: {  	v20, v23, _ =	vpop (xrf1)  }
0x395: {  	v17 =	vadd.s32 v9, v17;
	v16 =	vsub.f32 v16, v12;
	v24, v25, _ =	vpop (xrf1)  }
0x396: {  	vm1 =	vgt.f32 v20, v24  }
0x397: {  	v26 =	vld.idx.msk [tilespmem:v21+s15+$0x0], $0xffff;
	(xrf1) =	vsort.dscd.msk.f32 $0xffff, v16, v19;
	v16 =	vsel vm1, v20, v24;
	v23 =	vsel vm1, v23, v25  }
0x398: {  	v19 =	vmov v21;
	v20 =	vld.idx.msk [tilespmem:v22+s15+$0x0], $0xffff;
	(xrf1) =	vsort.ascd.msk.f32 $0xffff, v16, v23;
	_ =	sdelay $0x1  }
0x399: {  	v21 =	vld.idx.msk [tilespmem:v17+s15+$0x0], $0xffff;
	_ =	sdelay $0x2  }
.Ltmp14:
0x39a: {  	(pc) =	sbr.rel @p0 .LBB2_32-.Ltmp14, $4  }
0x39b: {  	v22 =	vmul.f32 v26, v13;
	v20 =	vmul.f32 v20, v14;
	v16 =	vld.idx.msk [tilespmem:v19+s16+$0x0], $0xffff  }
0x39c: {  	v17 =	vmov s0  }
0x39d: {  	v17 =	vperm.xlane v18, v17;
	v20 =	vadd.f32 v20, v22;
	v21 =	vmul.f32 v21, v15  }
0x39e: {  	s0 =	sadd.s32 $0x1, s0  }
0x39f: {  	v17 =	vshll.u32 v17, $0x4  }
0x3a0: {  	v18 =	vadd.f32 v21, v20;
	v54 =	vor.u32 v0, v17  }
0x3a1: {  	v55 =	vadd.s32 v10, v17  }
0x3a2: {  	v16 =	vadd.f32 v18, v16  }
0x3a3: {  	v17 =	vadd.s32 v9, v17;
	v56, v22, _ =	vpop (xrf1)  }
0x3a4: {  	v16 =	vsub.f32 v16, v12;
	v23, v24, _ =	vpop (xrf1)  }
0x3a5: {  	vm1 =	vgt.f32 v56, v23;
	v59 =	vld.idx.msk [tilespmem:v54+s15+$0x0], $0xffff  }
0x3a6: {  	(xrf1) =	vsort.dscd.msk.f32 $0xffff, v16, v19;
	v57 =	vsel vm1, v56, v23;
	v58 =	vsel vm1, v22, v24;
	v60 =	vld.idx.msk [tilespmem:v55+s15+$0x0], $0xffff  }
0x3a7: {  	(xrf1) =	vsort.ascd.msk.f32 $0xffff, v57, v58  }
0x3a8: {  	v17 =	vld.idx.msk [tilespmem:v17+s15+$0x0], $0xffff;
	_ =	sdelay $0x2  }
0x3a9: {  	v13 =	vmul.f32 v59, v13;
	v14 =	vmul.f32 v60, v14  }
0x3aa: {  	v61 =	vld.idx.msk [tilespmem:v54+s16+$0x0], $0xffff  }
0x3ab: {  	v13 =	vadd.f32 v14, v13;
	v14 =	vmul.f32 v17, v15;
	_ =	sdelay $0x1  }
0x3ac: {  	v13 =	vadd.f32 v14, v13;
	_ =	sdelay $0x1  }
0x3ad: {  	v13 =	vadd.f32 v13, v61;
	_ =	sdelay $0x2  }
0x3ae: {  	v14, v15, _ =	vpop (xrf1)  }
0x3af: {  	v12 =	vsub.f32 v13, v12;
	v13, v16, _ =	vpop (xrf1)  }
0x3b0: {  	vm1 =	vgt.f32 v14, v13  }
0x3b1: {  	(xrf1) =	vsort.dscd.msk.f32 $0xffff, v12, v54;
	v12 =	vsel vm1, v14, v13;
	v13 =	vsel vm1, v15, v16  }
0x3b2: {  	(xrf1) =	vsort.ascd.msk.f32 $0xffff, v12, v13;
	_ =	sdelay $0xc  }
0x3b3: {  	v12, v13, _ =	vpop (xrf1)  }
0x3b4: {  	v14, v15, _ =	vpop (xrf1)  }
0x3b5: {  	vm1 =	vgt.f32 v12, v14  }
0x3b6: {  	v12 =	vsel vm1, v12, v14;
	v13 =	vsel vm1, v13, v15  }
0x3b7: {  	(xrf1) =	vsort.ascd.msk.f32 $0xffff, v12, v13;
	_ =	sdelay $0xd  }
0x3b8: {  	v12, v13, _ =	vpop (xrf1)  }
0x3b9: {  	v12 =	vperm.xlane v13, v11;
	_ =	sdelay $0x1  }
0x3ba: {  	v13 =	vshll.u32 v12, $0x3  }
0x3bb: {  	v12 =	vand.u32 $0x7F, v12;
	v13 =	vand.u32 $0xFFFFFC00, v13  }
0x3bc: {  	v12 =	vor.u32 v12, v13;
	_ =	sdelay $0x3  }
0x3bd: {  	s1 =	simm.s32 $0x0  }
0x3be: {  	v13 =	vld.idx.msk [tilespmem:v12+s1+$0x0], $0xffff  }
0x3bf: {  	v14 =	vor.u32 $0x80, v12;
	_ =	sdelay $0x3  }
0x3c0: {  	[tilespmem:s23+$0x194D0] =	vst v13  }
0x3c1: {  	v13 =	vld.idx.msk [tilespmem:v14+s1+$0x0], $0xffff  }
0x3c2: {  	v14 =	vor.u32 $0x100, v12;
	_ =	sdelay $0x3  }
0x3c3: {  	[tilespmem:s23+$0x19550] =	vst v13  }
0x3c4: {  	v13 =	vld.idx.msk [tilespmem:v14+s1+$0x0], $0xffff  }
0x3c5: {  	v14 =	vor.u32 $0x180, v12;
	_ =	sdelay $0x3  }
0x3c6: {  	[tilespmem:s23+$0x195D0] =	vst v13  }
0x3c7: {  	v13 =	vld.idx.msk [tilespmem:v14+s1+$0x0], $0xffff  }
0x3c8: {  	v12 =	vor.u32 $0x200, v12;
	_ =	sdelay $0x3  }
0x3c9: {  	[tilespmem:s23+$0x19650] =	vst v13  }
0x3ca: {  	v12 =	vld.idx.msk [tilespmem:v12+s1+$0x0], $0xffff;
	_ =	sdelay $0x4  }
0x3cb: {  	s0 =	sand.u32 $0x1F0, s1;
	[tilespmem:s23+$0x196D0] =	vst v12  }
0x3cc: {  	v12 =	vld [tilespmem:s0+$0x19000];
	_ =	sdelay $0x3  }
0x3cd: {  	v13 =	vor.u32 s1, v0  }
0x3ce: {  	(xrf1) =	vsort.dscd.msk.f32 $0xffff, v12, v13;
	_ =	sdelay $0x8  }
0x3cf: {  	s12 =	simm.s32 $0x10  }
0x3d0: {  	s30 =	sand.u32 $0x1F0, s12  }
0x3d1: {  	v14 =	vld [tilespmem:s30+$0x19000];
	_ =	sdelay $0x2  }
0x3d2: {  	v13 =	vimm.f32 $-Inf;
	v15, v62, _ =	vpop (xrf1)  }
0x3d3: {  	v63 =	vor.u32 s12, v0;
	v12 =	vimm.s32 $0x0;
	vm1 =	vgt.f32 v15, v13  }
0x3d4: {  	(xrf1) =	vsort.dscd.msk.f32 $0xffff, v14, v63;
	v14 =	vsel vm1, v15, v13;
	v15 =	vsel vm1, v62, v12  }
0x3d5: {  	(xrf1) =	vsort.ascd.msk.f32 $0xffff, v14, v15;
	_ =	sdelay $0x8  }
0x3d6: {  	s0 =	simm.s32 $0x20  }
0x3d7: {  	s31 =	sand.u32 $0x1F0, s0  }
0x3d8: {  	s24 =	simm.s32 $0x30;
	v14 =	vld [tilespmem:s31+$0x19000]  }
.LBB2_34:
0x3d9: {  	p0 =	sne.s32 s24, $0x1F0  }
0x3da: {  	v15, v16, _ =	vpop (xrf1)  }
0x3db: {  	v17, v18, _ =	vpop (xrf1)  }
0x3dc: {  	v19 =	vor.u32 s0, v0;
	s0 =	smov.u32 s24;
	vm1 =	vgt.f32 v15, v17  }
0x3dd: {  	(xrf1) =	vsort.dscd.msk.f32 $0xffff, v14, v19;
	v14 =	vsel vm1, v15, v17;
	v15 =	vsel vm1, v16, v18  }
0x3de: {  	(xrf1) =	vsort.ascd.msk.f32 $0xffff, v14, v15;
	_ =	sdelay $0x6  }
.Ltmp15:
0x3df: {  	(pc) =	sbr.rel @p0 .LBB2_34-.Ltmp15, $3  }
0x3e0: {  	_ =	sdelay $0x1  }
0x3e1: {  	s12 =	sand.u32 $0x1F0, s24  }
0x3e2: {  	s24 =	sadd.s32 $0x10, s24;
	v14 =	vld [tilespmem:s12+$0x19000]  }
0x3e3: {  	_ = 	snop  }
0x3e4: {  	v15, v16, _ =	vpop (xrf1)  }
0x3e5: {  	v17, v18, _ =	vpop (xrf1)  }
0x3e6: {  	v19 =	vor.u32 s0, v0;
	vm1 =	vgt.f32 v15, v17  }
0x3e7: {  	(xrf1) =	vsort.dscd.msk.f32 $0xffff, v14, v19;
	v14 =	vsel vm1, v15, v17;
	v15 =	vsel vm1, v16, v18  }
0x3e8: {  	(xrf1) =	vsort.ascd.msk.f32 $0xffff, v14, v15;
	_ =	sdelay $0xc  }
0x3e9: {  	v14, v15, _ =	vpop (xrf1)  }
0x3ea: {  	v16, v17, _ =	vpop (xrf1)  }
0x3eb: {  	vm1 =	vgt.f32 v14, v16  }
0x3ec: {  	v14 =	vsel vm1, v14, v16;
	v15 =	vsel vm1, v15, v17  }
0x3ed: {  	(xrf1) =	vsort.ascd.msk.f32 $0xffff, v14, v15;
	_ =	sdelay $0xd  }
0x3ee: {  	v15, v14, _ =	vpop (xrf1)  }
0x3ef: {  	v15 =	vmov s1  }
0x3f0: {  	v15 =	vperm.xlane v14, v15;
	_ =	sdelay $0x1  }
0x3f1: {  	v15 =	vshll.u32 v15, $0x4  }
0x3f2: {  	v16 =	vor.u32 v0, v15  }
0x3f3: {  	v17 =	vadd.s32 v10, v15;
	_ =	sdelay $0x1  }
0x3f4: {  	v15 =	vadd.s32 v9, v15;
	_ =	sdelay $0x1  }
0x3f5: {  	v18 =	vld.idx.msk [tilespmem:v16+s15+$0x0], $0xffff  }
0x3f6: {  	v17 =	vld.idx.msk [tilespmem:v17+s15+$0x0], $0xffff;
	_ =	sdelay $0x1  }
0x3f7: {  	v15 =	vld.idx.msk [tilespmem:v15+s15+$0x0], $0xffff;
	_ =	sdelay $0x2  }
0x3f8: {  	s29 =	simm.s32 $0x1;
	v18 =	vmul.f32 v18, v7;
	v17 =	vmul.f32 v17, v8  }
0x3f9: {  	v20 =	vmov s29;
	v19 =	vld.idx.msk [tilespmem:v16+s16+$0x0], $0xffff  }
0x3fa: {  	v20 =	vperm.xlane v14, v20;
	v15 =	vmul.f32 v15, v6;
	v17 =	vadd.f32 v17, v18;
	_ =	sdelay $0x1  }
0x3fb: {  	v18 =	vshll.u32 v20, $0x4;
	v15 =	vadd.f32 v15, v17  }
0x3fc: {  	v17 =	vor.u32 v0, v18  }
0x3fd: {  	v20 =	vadd.s32 v10, v18;
	v15 =	vadd.f32 v15, v19;
	_ =	sdelay $0x1  }
0x3fe: {  	v18 =	vadd.s32 v9, v18;
	v15 =	vsub.f32 v15, v5;
	_ =	sdelay $0x1  }
0x3ff: {  	v19 =	vld.idx.msk [tilespmem:v17+s15+$0x0], $0xffff;
	(xrf1) =	vsort.dscd.msk.f32 $0xffff, v15, v16  }
0x400: {  	v15 =	vld.idx.msk [tilespmem:v20+s15+$0x0], $0xffff;
	_ =	sdelay $0x1  }
0x401: {  	v18 =	vld.idx.msk [tilespmem:v18+s15+$0x0], $0xffff;
	_ =	sdelay $0x2  }
0x402: {  	v19 =	vmul.f32 v19, v7;
	v20 =	vmul.f32 v15, v8  }
0x403: {  	s30 =	simm.s32 $0x2;
	v21 =	vld.idx.msk [tilespmem:v17+s16+$0x0], $0xffff  }
0x404: {  	v16 =	vmov s30;
	v18 =	vmul.f32 v18, v6;
	v19 =	vadd.f32 v20, v19  }
0x405: {  	v16 =	vperm.xlane v14, v16  }
0x406: {  	v18 =	vadd.f32 v18, v19  }
0x407: {  	v16 =	vshll.u32 v16, $0x4  }
0x408: {  	v22 =	vadd.s32 v10, v16;
	v18 =	vadd.f32 v18, v21  }
0x409: {  	v15 =	vor.u32 v0, v16  }
0x40a: {  	v18 =	vsub.f32 v18, v5;
	v62, v63, _ =	vpop (xrf1)  }
0x40b: {  	v16 =	vadd.s32 v9, v16;
	vm1 =	vgt.f32 v62, v13  }
0x40c: {  	(xrf1) =	vsort.dscd.msk.f32 $0xffff, v18, v17;
	v13 =	vsel vm1, v62, v13;
	v12 =	vsel vm1, v63, v12  }
0x40d: {  	v61 =	vld.idx.msk [tilespmem:v22+s15+$0x0], $0xffff;
	(xrf1) =	vsort.ascd.msk.f32 $0xffff, v13, v12  }
0x40e: {  	v19 =	vld.idx.msk [tilespmem:v15+s15+$0x0], $0xffff;
	_ =	sdelay $0x1  }
0x40f: {  	v23 =	vld.idx.msk [tilespmem:v16+s15+$0x0], $0xffff;
	_ =	sdelay $0x2  }
0x410: {  	s31 =	simm.s32 $0x3;
	v16 =	vmul.f32 v19, v7;
	v17 =	vmul.f32 v61, v8  }
0x411: {  	v13 =	vmov s31;
	v12 =	vld.idx.msk [tilespmem:v15+s16+$0x0], $0xffff  }
0x412: {  	v16 =	vadd.f32 v17, v16;
	v17 =	vmul.f32 v23, v6;
	v13 =	vperm.xlane v14, v13  }
0x413: {  	s0 =	simm.s32 $0x4  }
.LBB2_36:
0x414: {  	p0 =	sne.s32 s0, $0xF;
	v13 =	vshll.u32 v13, $0x4;
	v20 =	vadd.f32 v17, v16  }
0x415: {  	v17 =	vor.u32 v0, v13  }
0x416: {  	v18 =	vadd.s32 v10, v13;
	v12 =	vadd.f32 v20, v12  }
0x417: {  	v16, v19, _ =	vpop (xrf1)  }
0x418: {  	v13 =	vadd.s32 v9, v13;
	v12 =	vsub.f32 v12, v5;
	v20, v21, _ =	vpop (xrf1)  }
0x419: {  	vm1 =	vgt.f32 v16, v20  }
0x41a: {  	v22 =	vld.idx.msk [tilespmem:v17+s15+$0x0], $0xffff;
	(xrf1) =	vsort.dscd.msk.f32 $0xffff, v12, v15;
	v12 =	vsel vm1, v16, v20;
	v19 =	vsel vm1, v19, v21  }
0x41b: {  	v15 =	vmov v17;
	v16 =	vld.idx.msk [tilespmem:v18+s15+$0x0], $0xffff;
	(xrf1) =	vsort.ascd.msk.f32 $0xffff, v12, v19;
	_ =	sdelay $0x1  }
0x41c: {  	v17 =	vld.idx.msk [tilespmem:v13+s15+$0x0], $0xffff;
	_ =	sdelay $0x2  }
.Ltmp16:
0x41d: {  	(pc) =	sbr.rel @p0 .LBB2_36-.Ltmp16, $4  }
0x41e: {  	v18 =	vmul.f32 v22, v7;
	v16 =	vmul.f32 v16, v8;
	v12 =	vld.idx.msk [tilespmem:v15+s16+$0x0], $0xffff  }
0x41f: {  	v13 =	vmov s0  }
0x420: {  	v13 =	vperm.xlane v14, v13;
	v16 =	vadd.f32 v16, v18;
	v17 =	vmul.f32 v17, v6  }
0x421: {  	s0 =	sadd.s32 $0x1, s0  }
0x422: {  	v13 =	vshll.u32 v13, $0x4  }
0x423: {  	v14 =	vadd.f32 v17, v16;
	v54 =	vor.u32 v0, v13  }
0x424: {  	v55 =	vadd.s32 v10, v13  }
0x425: {  	v12 =	vadd.f32 v14, v12  }
0x426: {  	v13 =	vadd.s32 v9, v13;
	v56, v18, _ =	vpop (xrf1)  }
0x427: {  	v12 =	vsub.f32 v12, v5;
	v19, v20, _ =	vpop (xrf1)  }
0x428: {  	vm1 =	vgt.f32 v56, v19;
	v59 =	vld.idx.msk [tilespmem:v54+s15+$0x0], $0xffff  }
0x429: {  	(xrf1) =	vsort.dscd.msk.f32 $0xffff, v12, v15;
	v57 =	vsel vm1, v56, v19;
	v58 =	vsel vm1, v18, v20;
	v60 =	vld.idx.msk [tilespmem:v55+s15+$0x0], $0xffff  }
0x42a: {  	(xrf1) =	vsort.ascd.msk.f32 $0xffff, v57, v58  }
0x42b: {  	v13 =	vld.idx.msk [tilespmem:v13+s15+$0x0], $0xffff;
	_ =	sdelay $0x2  }
0x42c: {  	v7 =	vmul.f32 v59, v7;
	v8 =	vmul.f32 v60, v8  }
0x42d: {  	v61 =	vld.idx.msk [tilespmem:v54+s16+$0x0], $0xffff  }
0x42e: {  	v6 =	vmul.f32 v13, v6;
	v7 =	vadd.f32 v8, v7;
	_ =	sdelay $0x1  }
0x42f: {  	v6 =	vadd.f32 v6, v7;
	_ =	sdelay $0x1  }
0x430: {  	v6 =	vadd.f32 v6, v61;
	_ =	sdelay $0x2  }
0x431: {  	v7, v8, _ =	vpop (xrf1)  }
0x432: {  	v5 =	vsub.f32 v6, v5;
	v6, v12, _ =	vpop (xrf1)  }
0x433: {  	vm1 =	vgt.f32 v7, v6  }
0x434: {  	(xrf1) =	vsort.dscd.msk.f32 $0xffff, v5, v54;
	v5 =	vsel vm1, v7, v6;
	v6 =	vsel vm1, v8, v12  }
0x435: {  	(xrf1) =	vsort.ascd.msk.f32 $0xffff, v5, v6;
	_ =	sdelay $0xc  }
0x436: {  	v5, v6, _ =	vpop (xrf1)  }
0x437: {  	v7, v8, _ =	vpop (xrf1)  }
0x438: {  	vm1 =	vgt.f32 v5, v7  }
0x439: {  	v5 =	vsel vm1, v5, v7;
	v6 =	vsel vm1, v6, v8  }
0x43a: {  	(xrf1) =	vsort.ascd.msk.f32 $0xffff, v5, v6;
	_ =	sdelay $0xd  }
0x43b: {  	v5, v6, _ =	vpop (xrf1)  }
0x43c: {  	v5 =	vperm.xlane v6, v11;
	_ =	sdelay $0x1  }
0x43d: {  	v6 =	vshll.u32 v5, $0x3  }
0x43e: {  	v5 =	vand.u32 $0x7F, v5;
	v6 =	vand.u32 $0xFFFFFC00, v6  }
0x43f: {  	v5 =	vor.u32 v5, v6;
	_ =	sdelay $0x3  }
0x440: {  	s1 =	simm.s32 $0x0  }
0x441: {  	v6 =	vld.idx.msk [tilespmem:v5+s1+$0x0], $0xffff  }
0x442: {  	v7 =	vor.u32 $0x80, v5;
	_ =	sdelay $0x3  }
0x443: {  	[tilespmem:s23+$0x194E0] =	vst v6  }
0x444: {  	v6 =	vld.idx.msk [tilespmem:v7+s1+$0x0], $0xffff  }
0x445: {  	v7 =	vor.u32 $0x100, v5;
	_ =	sdelay $0x3  }
0x446: {  	[tilespmem:s23+$0x19560] =	vst v6  }
0x447: {  	v6 =	vld.idx.msk [tilespmem:v7+s1+$0x0], $0xffff  }
0x448: {  	v7 =	vor.u32 $0x180, v5;
	_ =	sdelay $0x3  }
0x449: {  	[tilespmem:s23+$0x195E0] =	vst v6  }
0x44a: {  	v6 =	vld.idx.msk [tilespmem:v7+s1+$0x0], $0xffff  }
0x44b: {  	v5 =	vor.u32 $0x200, v5;
	_ =	sdelay $0x3  }
0x44c: {  	[tilespmem:s23+$0x19660] =	vst v6  }
0x44d: {  	v5 =	vld.idx.msk [tilespmem:v5+s1+$0x0], $0xffff;
	_ =	sdelay $0x4  }
0x44e: {  	s0 =	sand.u32 $0x1F0, s1;
	[tilespmem:s23+$0x196E0] =	vst v5  }
0x44f: {  	v5 =	vld [tilespmem:s0+$0x19200];
	_ =	sdelay $0x3  }
0x450: {  	v6 =	vor.u32 s1, v0  }
0x451: {  	(xrf1) =	vsort.dscd.msk.f32 $0xffff, v5, v6;
	_ =	sdelay $0x8  }
0x452: {  	s12 =	simm.s32 $0x10  }
0x453: {  	s30 =	sand.u32 $0x1F0, s12  }
0x454: {  	v7 =	vld [tilespmem:s30+$0x19200];
	_ =	sdelay $0x2  }
0x455: {  	v6 =	vimm.f32 $-Inf;
	v8, v62, _ =	vpop (xrf1)  }
0x456: {  	v63 =	vor.u32 s12, v0;
	v5 =	vimm.s32 $0x0;
	vm1 =	vgt.f32 v8, v6  }
0x457: {  	(xrf1) =	vsort.dscd.msk.f32 $0xffff, v7, v63;
	v7 =	vsel vm1, v8, v6;
	v8 =	vsel vm1, v62, v5  }
0x458: {  	(xrf1) =	vsort.ascd.msk.f32 $0xffff, v7, v8;
	_ =	sdelay $0x8  }
0x459: {  	s0 =	simm.s32 $0x20  }
0x45a: {  	s31 =	sand.u32 $0x1F0, s0  }
0x45b: {  	s24 =	simm.s32 $0x30;
	v7 =	vld [tilespmem:s31+$0x19200]  }
.LBB2_38:
0x45c: {  	p0 =	sne.s32 s24, $0x1F0  }
0x45d: {  	v8, v12, _ =	vpop (xrf1)  }
0x45e: {  	v13, v14, _ =	vpop (xrf1)  }
0x45f: {  	v15 =	vor.u32 s0, v0;
	s0 =	smov.u32 s24;
	vm1 =	vgt.f32 v8, v13  }
0x460: {  	(xrf1) =	vsort.dscd.msk.f32 $0xffff, v7, v15;
	v7 =	vsel vm1, v8, v13;
	v8 =	vsel vm1, v12, v14  }
0x461: {  	(xrf1) =	vsort.ascd.msk.f32 $0xffff, v7, v8;
	_ =	sdelay $0x6  }
.Ltmp17:
0x462: {  	(pc) =	sbr.rel @p0 .LBB2_38-.Ltmp17, $3  }
0x463: {  	_ =	sdelay $0x1  }
0x464: {  	s12 =	sand.u32 $0x1F0, s24  }
0x465: {  	s24 =	sadd.s32 $0x10, s24;
	v7 =	vld [tilespmem:s12+$0x19200]  }
0x466: {  	_ = 	snop  }
0x467: {  	v8, v12, _ =	vpop (xrf1)  }
0x468: {  	v13, v14, _ =	vpop (xrf1)  }
0x469: {  	v15 =	vor.u32 s0, v0;
	vm1 =	vgt.f32 v8, v13  }
0x46a: {  	(xrf1) =	vsort.dscd.msk.f32 $0xffff, v7, v15;
	v7 =	vsel vm1, v8, v13;
	v8 =	vsel vm1, v12, v14  }
0x46b: {  	(xrf1) =	vsort.ascd.msk.f32 $0xffff, v7, v8;
	_ =	sdelay $0xc  }
0x46c: {  	v7, v8, _ =	vpop (xrf1)  }
0x46d: {  	v12, v13, _ =	vpop (xrf1)  }
0x46e: {  	vm1 =	vgt.f32 v7, v12  }
0x46f: {  	v7 =	vsel vm1, v7, v12;
	v8 =	vsel vm1, v8, v13  }
0x470: {  	(xrf1) =	vsort.ascd.msk.f32 $0xffff, v7, v8;
	_ =	sdelay $0xd  }
0x471: {  	v8, v7, _ =	vpop (xrf1)  }
0x472: {  	v8 =	vmov s1  }
0x473: {  	v8 =	vperm.xlane v7, v8;
	_ =	sdelay $0x1  }
0x474: {  	v8 =	vshll.u32 v8, $0x4  }
0x475: {  	v12 =	vor.u32 v0, v8  }
0x476: {  	v13 =	vadd.s32 v10, v8;
	_ =	sdelay $0x1  }
0x477: {  	v8 =	vadd.s32 v9, v8;
	_ =	sdelay $0x1  }
0x478: {  	v14 =	vld.idx.msk [tilespmem:v12+s15+$0x0], $0xffff  }
0x479: {  	v13 =	vld.idx.msk [tilespmem:v13+s15+$0x0], $0xffff;
	_ =	sdelay $0x1  }
0x47a: {  	v8 =	vld.idx.msk [tilespmem:v8+s15+$0x0], $0xffff;
	_ =	sdelay $0x2  }
0x47b: {  	s29 =	simm.s32 $0x1;
	v14 =	vmul.f32 v14, v2;
	v13 =	vmul.f32 v13, v3  }
0x47c: {  	v16 =	vmov s29;
	v15 =	vld.idx.msk [tilespmem:v12+s16+$0x0], $0xffff  }
0x47d: {  	v16 =	vperm.xlane v7, v16;
	v8 =	vmul.f32 v8, v4;
	v13 =	vadd.f32 v13, v14;
	_ =	sdelay $0x1  }
0x47e: {  	v14 =	vshll.u32 v16, $0x4;
	v8 =	vadd.f32 v8, v13  }
0x47f: {  	v13 =	vor.u32 v0, v14  }
0x480: {  	v16 =	vadd.s32 v10, v14;
	v8 =	vadd.f32 v8, v15;
	_ =	sdelay $0x1  }
0x481: {  	v14 =	vadd.s32 v9, v14;
	v8 =	vsub.f32 v8, v1;
	_ =	sdelay $0x1  }
0x482: {  	v15 =	vld.idx.msk [tilespmem:v13+s15+$0x0], $0xffff;
	(xrf1) =	vsort.dscd.msk.f32 $0xffff, v8, v12  }
0x483: {  	v8 =	vld.idx.msk [tilespmem:v16+s15+$0x0], $0xffff;
	_ =	sdelay $0x1  }
0x484: {  	v14 =	vld.idx.msk [tilespmem:v14+s15+$0x0], $0xffff;
	_ =	sdelay $0x2  }
0x485: {  	v15 =	vmul.f32 v15, v2;
	v16 =	vmul.f32 v8, v3  }
0x486: {  	s30 =	simm.s32 $0x2;
	v17 =	vld.idx.msk [tilespmem:v13+s16+$0x0], $0xffff  }
0x487: {  	v12 =	vmov s30;
	v14 =	vmul.f32 v14, v4;
	v15 =	vadd.f32 v16, v15  }
0x488: {  	v12 =	vperm.xlane v7, v12  }
0x489: {  	v14 =	vadd.f32 v14, v15  }
0x48a: {  	v12 =	vshll.u32 v12, $0x4  }
0x48b: {  	v18 =	vadd.s32 v10, v12;
	v14 =	vadd.f32 v14, v17  }
0x48c: {  	v8 =	vor.u32 v0, v12  }
0x48d: {  	v14 =	vsub.f32 v14, v1;
	v62, v63, _ =	vpop (xrf1)  }
0x48e: {  	v12 =	vadd.s32 v9, v12;
	vm1 =	vgt.f32 v62, v6  }
0x48f: {  	(xrf1) =	vsort.dscd.msk.f32 $0xffff, v14, v13;
	v6 =	vsel vm1, v62, v6;
	v5 =	vsel vm1, v63, v5  }
0x490: {  	v61 =	vld.idx.msk [tilespmem:v18+s15+$0x0], $0xffff;
	(xrf1) =	vsort.ascd.msk.f32 $0xffff, v6, v5  }
0x491: {  	v15 =	vld.idx.msk [tilespmem:v8+s15+$0x0], $0xffff;
	_ =	sdelay $0x1  }
0x492: {  	v19 =	vld.idx.msk [tilespmem:v12+s15+$0x0], $0xffff;
	_ =	sdelay $0x2  }
0x493: {  	s31 =	simm.s32 $0x3;
	v12 =	vmul.f32 v15, v2;
	v13 =	vmul.f32 v61, v3  }
0x494: {  	v6 =	vmov s31;
	v5 =	vld.idx.msk [tilespmem:v8+s16+$0x0], $0xffff  }
0x495: {  	v12 =	vadd.f32 v13, v12;
	v13 =	vmul.f32 v19, v4;
	v6 =	vperm.xlane v7, v6  }
0x496: {  	s0 =	simm.s32 $0x4  }
.LBB2_40:
0x497: {  	p0 =	sne.s32 s0, $0xF;
	v6 =	vshll.u32 v6, $0x4;
	v16 =	vadd.f32 v13, v12  }
0x498: {  	v13 =	vor.u32 v0, v6  }
0x499: {  	v14 =	vadd.s32 v10, v6;
	v5 =	vadd.f32 v16, v5  }
0x49a: {  	v12, v15, _ =	vpop (xrf1)  }
0x49b: {  	v6 =	vadd.s32 v9, v6;
	v5 =	vsub.f32 v5, v1;
	v16, v17, _ =	vpop (xrf1)  }
0x49c: {  	vm1 =	vgt.f32 v12, v16  }
0x49d: {  	v18 =	vld.idx.msk [tilespmem:v13+s15+$0x0], $0xffff;
	(xrf1) =	vsort.dscd.msk.f32 $0xffff, v5, v8;
	v5 =	vsel vm1, v12, v16;
	v15 =	vsel vm1, v15, v17  }
0x49e: {  	v8 =	vmov v13;
	v12 =	vld.idx.msk [tilespmem:v14+s15+$0x0], $0xffff;
	(xrf1) =	vsort.ascd.msk.f32 $0xffff, v5, v15;
	_ =	sdelay $0x1  }
0x49f: {  	v13 =	vld.idx.msk [tilespmem:v6+s15+$0x0], $0xffff;
	_ =	sdelay $0x2  }
.Ltmp18:
0x4a0: {  	(pc) =	sbr.rel @p0 .LBB2_40-.Ltmp18, $4  }
0x4a1: {  	v14 =	vmul.f32 v18, v2;
	v12 =	vmul.f32 v12, v3;
	v5 =	vld.idx.msk [tilespmem:v8+s16+$0x0], $0xffff  }
0x4a2: {  	v6 =	vmov s0  }
0x4a3: {  	v6 =	vperm.xlane v7, v6;
	v12 =	vadd.f32 v12, v14;
	v13 =	vmul.f32 v13, v4  }
0x4a4: {  	s0 =	sadd.s32 $0x1, s0  }
0x4a5: {  	v6 =	vshll.u32 v6, $0x4  }
0x4a6: {  	v7 =	vadd.f32 v13, v12;
	v54 =	vor.u32 v0, v6  }
0x4a7: {  	v55 =	vadd.s32 v10, v6  }
0x4a8: {  	v5 =	vadd.f32 v7, v5  }
0x4a9: {  	v6 =	vadd.s32 v9, v6;
	v57, v56, _ =	vpop (xrf1)  }
0x4aa: {  	v5 =	vsub.f32 v5, v1;
	v14, v15, _ =	vpop (xrf1)  }
0x4ab: {  	vm1 =	vgt.f32 v57, v14;
	v60 =	vld.idx.msk [tilespmem:v54+s15+$0x0], $0xffff  }
0x4ac: {  	(xrf1) =	vsort.dscd.msk.f32 $0xffff, v5, v8;
	v58 =	vsel vm1, v57, v14;
	v59 =	vsel vm1, v56, v15;
	v61 =	vld.idx.msk [tilespmem:v55+s15+$0x0], $0xffff  }
0x4ad: {  	(xrf1) =	vsort.ascd.msk.f32 $0xffff, v58, v59  }
0x4ae: {  	v6 =	vld.idx.msk [tilespmem:v6+s15+$0x0], $0xffff;
	_ =	sdelay $0x2  }
0x4af: {  	v2 =	vmul.f32 v60, v2;
	v3 =	vmul.f32 v61, v3  }
0x4b0: {  	v62 =	vld.idx.msk [tilespmem:v54+s16+$0x0], $0xffff  }
0x4b1: {  	v2 =	vadd.f32 v3, v2;
	v3 =	vmul.f32 v6, v4;
	_ =	sdelay $0x1  }
0x4b2: {  	v2 =	vadd.f32 v3, v2;
	_ =	sdelay $0x1  }
0x4b3: {  	v2 =	vadd.f32 v2, v62;
	_ =	sdelay $0x2  }
0x4b4: {  	v3, v4, _ =	vpop (xrf1)  }
0x4b5: {  	v1 =	vsub.f32 v2, v1;
	v2, v5, _ =	vpop (xrf1)  }
0x4b6: {  	vm1 =	vgt.f32 v3, v2  }
0x4b7: {  	(xrf1) =	vsort.dscd.msk.f32 $0xffff, v1, v54;
	v1 =	vsel vm1, v3, v2;
	v2 =	vsel vm1, v4, v5  }
0x4b8: {  	(xrf1) =	vsort.ascd.msk.f32 $0xffff, v1, v2;
	_ =	sdelay $0xc  }
0x4b9: {  	v1, v2, _ =	vpop (xrf1)  }
0x4ba: {  	v3, v63, _ =	vpop (xrf1)  }
0x4bb: {  	vm1 =	vgt.f32 v1, v3  }
0x4bc: {  	v1 =	vsel vm1, v1, v3;
	v2 =	vsel vm1, v2, v63  }
0x4bd: {  	(xrf1) =	vsort.ascd.msk.f32 $0xffff, v1, v2;
	_ =	sdelay $0xd  }
0x4be: {  	v1, v2, _ =	vpop (xrf1)  }
0x4bf: {  	v1 =	vperm.xlane v2, v11;
	_ =	sdelay $0x1  }
0x4c0: {  	v2 =	vshll.u32 v1, $0x3  }
0x4c1: {  	v1 =	vand.u32 $0x7F, v1;
	v2 =	vand.u32 $0xFFFFFC00, v2  }
0x4c2: {  	v1 =	vor.u32 v1, v2;
	_ =	sdelay $0x4  }
0x4c3: {  	v2 =	vld.idx.msk [tilespmem:v1+s2+$0x0], $0xffff  }
0x4c4: {  	v3 =	vor.u32 $0x80, v1;
	_ =	sdelay $0x3  }
0x4c5: {  	[tilespmem:s23+$0x194F0] =	vst v2  }
0x4c6: {  	v2 =	vld.idx.msk [tilespmem:v3+s2+$0x0], $0xffff  }
0x4c7: {  	v3 =	vor.u32 $0x100, v1;
	_ =	sdelay $0x3  }
0x4c8: {  	[tilespmem:s23+$0x19570] =	vst v2  }
0x4c9: {  	v2 =	vld.idx.msk [tilespmem:v3+s2+$0x0], $0xffff  }
0x4ca: {  	v3 =	vor.u32 $0x180, v1;
	_ =	sdelay $0x3  }
0x4cb: {  	[tilespmem:s23+$0x195F0] =	vst v2  }
0x4cc: {  	v2 =	vld.idx.msk [tilespmem:v3+s2+$0x0], $0xffff  }
0x4cd: {  	v1 =	vor.u32 $0x200, v1;
	_ =	sdelay $0x3  }
0x4ce: {  	s22 =	sadd.s32 $0x1, s22;
	[tilespmem:s23+$0x19670] =	vst v2  }
0x4cf: {  	p0 =	sne.s32 s22, $0x8;
	v1 =	vld.idx.msk [tilespmem:v1+s2+$0x0], $0xffff  }
.Ltmp19:
0x4d0: {  	_ = 	snop;
	(pc) =	sbr.rel @p0 .LBB2_7-.Ltmp19, $2  }
0x4d1: {  	_ =	sdelay $0x2  }
0x4d2: {  	[tilespmem:s23+$0x196F0] =	vst v1  }
0x4d3: {  	s0 =	sshll.u32 s19, $0xA;
	s19 =	sadd.s32 $0x1, s19  }
0x4d4: {  	p0 =	sne.s32 s19, $0x4  }
.Ltmp20:
0x4d5: {  	s0 =	sadd.s32 s0, s7;
	(pc) =	sbr.rel @p0 .LBB2_6-.Ltmp20, $4  }
0x4d6: {  	[hbm4b:s0+s2] =	stream.linear.scatter [tilespmem:s17], [sflag:$0x1], $0x2000, $0x38;
	[tilespmem:$0x1B480] =	vst v63  }
0x4d7: {  	_ =	swait.ge [sflag:s9], $0x2000  }
0x4d8: {  	[sflag:s9] =	ssyncset.done $0x0  }
0x4d9: {  	[sflag:s9] =	ssyncadd.s32 $0xFFFFE000  }
0x4da: {  	s18 =	sadd.s32 $0x1, s18  }
0x4db: {  	p0 =	sne.s32 s18, s8  }
.Ltmp21:
0x4dc: {  	_ = 	snop;
	(pc) =	sbr.rel @p0 .LBB2_1-.Ltmp21, $1  }
0x4dd: {  	_ =	sdelay $0x3  }
0x4de: {  	_ =	sfence.sel $0x180000  }
0x4df: {  	[bflag:$0x0] =	sbarrier.arrive $0xFFFF  }
0x4e0: {  	_ =	strace $0x90000047  }
0x4e1: {  	s0 =	stileid.u32;
	[bflag:$0x2] =	sbarrier.arrive $0xFFFF  }
0x4e2: {  	p0 =	sne.s32 s0, $0x0;
	s0 =	rddreg [dreg:$0x2]  }
0x4e3: {  	s0 =	sadd.s32 @!p0 $0x100000, s0  }
0x4e4: {  	[sflag:s0] =	ssyncadd.tile.s32 @!p0 $0x1;
	_ =	shalt  }
.Lfunc_end2:
_tile_overlayer_lowered:
.L_overlay_start_2:
0x4e5: {  	(tag) =	ssettag $0x2  }
0x4e6: {  	s0 =	rddreg [dreg:$0x0];
	s2 =	stileid.u32  }
0x4e7: {  	s1 =	rddreg [dreg:$0x1];
	p0 =	sne.s32 s2, $0x0  }
0x4e8: {  	s3 =	rddreg [dreg:$0x2];
	[bflag:$0x3] =	sbarrier.arrive $0xFFFF;
	s2 =	simm.s32 @!p0 $0x1C01  }
0x4e9: {  	[timem:s3], [sflag:s2] =	dma.local @!p0 [hbm:s0], s1  }
0x4ea: {  	s0 =	simm.s32 @!p0 $0x1  }
0x4eb: {  	_ =	swait.ge @!p0 [sflag:s0], s1  }
0x4ec: {  	s1 =	ssub.s32 @!p0 $0x0, s1;
	[sflag:s0] =	ssyncset.done @!p0 $0x0  }
0x4ed: {  	[sflag:s0] =	ssyncadd.s32 @!p0 s1  }
0x4ee: {  	[bflag:$0x3] =	sbarrier.arrive $0xFFFF  }
0x4ef: {  	_ =	shalt  }

</sc_bundles>
